<compile_context>
chip_gen: v7x
topology: tpu7x:2x2x1
jax: 0.10.2.dev20260603
libtpu: 0.0.44.dev20260713+nightly
codegen_flags: <defaults>
</compile_context>

<pallas_src>
import functools

import jax
import jax.numpy as jnp
from jax import lax
from jax.experimental import pallas as pl
from jax.experimental.pallas import tpu as pltpu
from jax.experimental.pallas import tpu_sc as plsc

N_NODES = 10000
NPAD = 10240
D = 128
DH2 = 64
NC, NS, L = 2, 16, 16
NW = NC * NS
K = 256
EPT = 20480
CH = EPT // K
EPAD = NS * EPT
CHD = EPAD // (NW * K)
RPT = NPAD // NS
PAD_NODE = N_NODES + 64
EPTW = CHD * K
CAPW = EPTW + 2 * K
CHW = CAPW // K
NMC, NEC, NNC = 1500, 500, 2500

_mesh = plsc.VectorSubcoreMesh(core_axis_name="c", subcore_axis_name="s",
                               num_cores=NC)



@functools.partial(
    pl.kernel,
    out_type=[
        jax.ShapeDtypeStruct((NC, 2, NPAD, 16), jnp.float32),
        jax.ShapeDtypeStruct((NW, CAPW), jnp.int32),
        jax.ShapeDtypeStruct((NW, CAPW), jnp.int32),
        jax.ShapeDtypeStruct((NW, CAPW), jnp.int32),
        jax.ShapeDtypeStruct((NW, 16), jnp.int32),
    ],
    mesh=_mesh,
    scratch_types=[
        pltpu.VMEM((CHD, K), jnp.int32),
        pltpu.VMEM((CHD, K), jnp.int32),
        pltpu.VMEM((K, 16), jnp.float32),
        pltpu.VMEM((CAPW,), jnp.int32),
        pltpu.VMEM((CAPW,), jnp.int32),
        pltpu.VMEM((CAPW,), jnp.int32),
        pltpu.VMEM((16,), jnp.int32),
        pltpu.VMEM_SHARED((NPAD, 16), jnp.float32),
        pltpu.VMEM_SHARED((NPAD, 16), jnp.float32),
        pltpu.SemaphoreType.DMA,
    ],
    compiler_params=pltpu.CompilerParams(use_tc_tiling_on_sc=False,
                                         needs_layout_passes=False),
)
def _sc_degrees(src_hbm, dst_hbm, ones_hbm, zeros_hbm,
                out_hbm, clo_hbm, chi_hbm, cdst_hbm, cnt_hbm,
                sidx, didx, ones_v, clo, chi, cdst, cntv, dgo_s, dgi_s, ssem):
    c = lax.axis_index("c")
    s = lax.axis_index("s")
    wid = c * NS + s
    pltpu.sync_copy(ones_hbm, ones_v)
    pltpu.sync_copy(zeros_hbm.at[pl.ds(s * RPT, RPT)], dgo_s.at[pl.ds(s * RPT, RPT)])
    pltpu.sync_copy(zeros_hbm.at[pl.ds(s * RPT, RPT)], dgi_s.at[pl.ds(s * RPT, RPT)])
    pltpu.sync_copy(src_hbm.at[wid], sidx)
    pltpu.sync_copy(dst_hbm.at[wid], didx)
    plsc.subcore_barrier()

    def eloop(t, carry):
        @pl.when(t >= 2)
        def _():
            pltpu.make_async_copy(ones_v, dgo_s.at[sidx.at[0]], ssem).wait()
            pltpu.make_async_copy(ones_v, dgi_s.at[didx.at[0]], ssem).wait()

        pltpu.async_copy(ones_v, dgo_s.at[sidx.at[t]], ssem, add=True)
        pltpu.async_copy(ones_v, dgi_s.at[didx.at[t]], ssem, add=True)
        return carry

    lax.fori_loop(0, CHD, eloop, 0)

    VPC = K // L

    def cloop(i, off):
        row = i // VPC
        col = (i % VPC) * L
        d = didx[row, pl.ds(col, L)]
        sv = sidx[row, pl.ds(col, L)]
        r = d - (d // NNC) * NNC
        mask = jnp.logical_and(r >= NMC, r < NMC + NEC)
        plsc.store_compressed(cdst.at[pl.ds(off, L)], d, mask=mask)
        plsc.store_compressed(clo.at[pl.ds(off, L)], sv, mask=mask)
        plsc.store_compressed(chi.at[pl.ds(off, L)], sv + NPAD, mask=mask)
        return off + jnp.sum(jnp.where(mask, 1, 0))

    n = lax.fori_loop(0, CHD * VPC, cloop, 0)
    bnd = ((n + 2 * K - 1) // (2 * K)) * (2 * K)
    padv = jnp.full((L,), PAD_NODE, jnp.int32)
    p0 = (n // L) * L
    rem = n - p0
    lanes = lax.iota(jnp.int32, L)
    keep = lanes < rem
    cdst[pl.ds(p0, L)] = jnp.where(keep, cdst[pl.ds(p0, L)], padv)
    clo[pl.ds(p0, L)] = jnp.where(keep, clo[pl.ds(p0, L)], padv)
    chi[pl.ds(p0, L)] = jnp.where(keep, chi[pl.ds(p0, L)], padv)

    def ploop(i, carry):
        base = p0 + (i + 1) * L
        cdst[pl.ds(base, L)] = padv
        clo[pl.ds(base, L)] = padv
        chi[pl.ds(base, L)] = padv
        return carry

    lax.fori_loop(0, jnp.maximum((bnd - p0) // L - 1, 0), ploop, 0)
    cntv[...] = jnp.zeros((L,), jnp.int32) + n
    pltpu.sync_copy(clo, clo_hbm.at[wid])
    pltpu.sync_copy(chi, chi_hbm.at[wid])
    pltpu.sync_copy(cdst, cdst_hbm.at[wid])
    pltpu.sync_copy(cntv, cnt_hbm.at[wid])

    for _ in range(2):
        pltpu.make_async_copy(ones_v, dgo_s.at[sidx.at[0]], ssem).wait()
        pltpu.make_async_copy(ones_v, dgi_s.at[didx.at[0]], ssem).wait()
    plsc.subcore_barrier()
    pltpu.sync_copy(dgo_s.at[pl.ds(s * RPT, RPT)],
                    out_hbm.at[c, 0, pl.ds(s * RPT, RPT)])
    pltpu.sync_copy(dgi_s.at[pl.ds(s * RPT, RPT)],
                    out_hbm.at[c, 1, pl.ds(s * RPT, RPT)])


NENT = 4 * NEC
ENT_PT = NENT // NS


@functools.partial(
    pl.kernel,
    out_type=jax.ShapeDtypeStruct((NC, NENT, DH2), jnp.float32),
    mesh=_mesh,
    scratch_types=[
        pltpu.VMEM((CHW, K), jnp.int32),
        pltpu.VMEM((CHW, K), jnp.int32),
        pltpu.VMEM((2, K, DH2), jnp.float32),
        pltpu.VMEM((16,), jnp.int32),
        pltpu.VMEM_SHARED((NPAD, DH2), jnp.float32),
        pltpu.SemaphoreType.DMA,
        pltpu.SemaphoreType.DMA,
    ],
    compiler_params=pltpu.CompilerParams(use_tc_tiling_on_sc=False,
                                         needs_layout_passes=False),
)
def _sc_gs_entity(h_hbm, clo_hbm, chi_hbm, cdst_hbm, cnt_hbm, zeros_hbm, out_hbm,
                  sbuf, dbuf, rows_v, cntv, agg_s, gsem, ssem):
    c = lax.axis_index("c")
    s = lax.axis_index("s")
    row0 = (s // 4) * NNC + NMC + (s % 4) * ENT_PT
    pltpu.sync_copy(zeros_hbm.at[pl.ds(0, ENT_PT)], agg_s.at[pl.ds(row0, ENT_PT)])
    plsc.subcore_barrier()

    for j in range(2):
        w = 2 * s + j
        pltpu.sync_copy(cnt_hbm.at[w], cntv)
        n = jnp.max(cntv[...])
        nch = 2 * ((n + 2 * K - 1) // (2 * K))

        @pl.when(nch > 0)
        def _():
            @pl.when(c == 0)
            def _():
                pltpu.sync_copy(clo_hbm.at[w], sbuf)

            @pl.when(c == 1)
            def _():
                pltpu.sync_copy(chi_hbm.at[w], sbuf)

            pltpu.sync_copy(cdst_hbm.at[w], dbuf)
            pltpu.async_copy(h_hbm.at[sbuf.at[0]], rows_v.at[0], gsem)

            def eloop(p, carry):
                for k in range(2):
                    t = 2 * p + k
                    pltpu.make_async_copy(
                        h_hbm.at[sbuf.at[t]], rows_v.at[k], gsem).wait()

                    @pl.when(t + 1 < nch)
                    def _():
                        @pl.when(t >= 1)
                        def _():
                            pltpu.make_async_copy(
                                rows_v.at[1 - k], agg_s.at[dbuf.at[0]], ssem).wait()

                        pltpu.async_copy(
                            h_hbm.at[sbuf.at[t + 1]], rows_v.at[1 - k], gsem)

                    pltpu.async_copy(rows_v.at[k], agg_s.at[dbuf.at[t]],
                                     ssem, add=True)
                return carry

            lax.fori_loop(0, nch // 2, eloop, 0)
            for jj in range(2):
                pltpu.make_async_copy(rows_v.at[jj], agg_s.at[dbuf.at[0]],
                                      ssem).wait()

    plsc.subcore_barrier()
    pltpu.sync_copy(agg_s.at[pl.ds(row0, ENT_PT)],
                    out_hbm.at[c, pl.ds(s * ENT_PT, ENT_PT)])


@functools.partial(
    pl.kernel,
    out_type=jax.ShapeDtypeStruct((NC, NPAD, DH2), jnp.float32),
    mesh=_mesh,
    scratch_types=[
        pltpu.VMEM((CH, K), jnp.int32),
        pltpu.VMEM((CH, K), jnp.int32),
        pltpu.VMEM((2, K, DH2), jnp.float32),
        pltpu.VMEM_SHARED((NPAD, DH2), jnp.float32),
        pltpu.SemaphoreType.DMA,
        pltpu.SemaphoreType.DMA,
    ],
    compiler_params=pltpu.CompilerParams(use_tc_tiling_on_sc=False),
)
def _sc_gather_scatter(h_hbm, src_hbm, dst_hbm, zeros_hbm, out_hbm,
                       sidx, didx, rows_v, agg_s, gsem, ssem):
    c = lax.axis_index("c")
    s = lax.axis_index("s")
    pltpu.sync_copy(zeros_hbm.at[pl.ds(s * RPT, RPT)], agg_s.at[pl.ds(s * RPT, RPT)])
    pltpu.sync_copy(src_hbm.at[c, s], sidx)
    pltpu.sync_copy(dst_hbm.at[s], didx)
    plsc.subcore_barrier()

    pltpu.async_copy(h_hbm.at[sidx.at[0]], rows_v.at[0], gsem)

    def eloop(t2, carry):
        for k in range(2):
            t = 2 * t2 + k
            pltpu.make_async_copy(h_hbm.at[sidx.at[t]], rows_v.at[k], gsem).wait()

            @pl.when(t + 1 < CH)
            def _():
                @pl.when(t >= 1)
                def _():
                    pltpu.make_async_copy(
                        rows_v.at[1 - k], agg_s.at[didx.at[0]], ssem).wait()

                pltpu.async_copy(h_hbm.at[sidx.at[t + 1]], rows_v.at[1 - k], gsem)

            pltpu.async_copy(rows_v.at[k], agg_s.at[didx.at[t]], ssem, add=True)
        return carry

    lax.fori_loop(0, CH // 2, eloop, 0)
    for j in range(2):
        pltpu.make_async_copy(rows_v.at[j], agg_s.at[didx.at[0]], ssem).wait()
    plsc.subcore_barrier()
    pltpu.sync_copy(agg_s.at[pl.ds(s * RPT, RPT)],
                    out_hbm.at[c, pl.ds(s * RPT, RPT)])



def _prep_body(dp_ref, node_ref, g_ref, b_ref, h_ref, norms_ref):
    do = dp_ref[0, 0] + dp_ref[1, 0]
    di = dp_ref[0, 1] + dp_ref[1, 1]
    nsb = lax.rsqrt(jnp.maximum(do, 1.0))
    norms_ref[0] = nsb
    norms_ref[1] = lax.rsqrt(jnp.maximum(di, 1.0))
    xb = node_ref[...]
    m = jnp.mean(xb, axis=1, keepdims=True)
    v = jnp.mean((xb - m) * (xb - m), axis=1, keepdims=True)
    y = ((xb - m) * lax.rsqrt(v + 1e-5) * g_ref[...] + b_ref[...]) * nsb
    h_ref[0] = y[:, :DH2]
    h_ref[1] = y[:, DH2:]


def _layer_body(agg_ref, nd_ref, ns_ref, w_ref, b_ref, o_ref):
    a = jnp.concatenate([agg_ref[0], agg_ref[1]], axis=1) * nd_ref[...]
    z = jnp.dot(a, w_ref[...], preferred_element_type=jnp.float32) + b_ref[...]
    z = jnp.where(z >= 0, z, 0.01 * z)
    y = z * ns_ref[...]
    o_ref[0] = y[:, :DH2]
    o_ref[1] = y[:, DH2:]


def _final_body(agg_ref, nd_ref, w_ref, b_ref, fw_ref, fb_ref, o_ref):
    a = jnp.concatenate([agg_ref[0], agg_ref[1]], axis=1) * nd_ref[...]
    z = jnp.dot(a, w_ref[...], preferred_element_type=jnp.float32) + b_ref[...]
    z = jnp.where(z >= 0, z, 0.01 * z)
    o_ref[...] = jnp.dot(z, fw_ref[...], preferred_element_type=jnp.float32) + fb_ref[...]


_R = 1024


def _tc_prep(degp4, node, g2, b2):
    return pl.pallas_call(
        _prep_body,
        grid=(NPAD // _R,),
        in_specs=[
            pl.BlockSpec((2, 2, _R, 1), lambda i: (0, 0, i, 0)),
            pl.BlockSpec((_R, D), lambda i: (i, 0)),
            pl.BlockSpec((1, D), lambda i: (0, 0)),
            pl.BlockSpec((1, D), lambda i: (0, 0)),
        ],
        out_specs=[
            pl.BlockSpec((2, _R, DH2), lambda i: (0, i, 0)),
            pl.BlockSpec((2, _R, 1), lambda i: (0, i, 0)),
        ],
        out_shape=[
            jax.ShapeDtypeStruct((2, NPAD, DH2), jnp.float32),
            jax.ShapeDtypeStruct((2, NPAD, 1), jnp.float32),
        ],
    )(degp4, node, g2, b2)


def _tc_layer(agg, nd, ns, W, b2):
    return pl.pallas_call(
        _layer_body,
        grid=(NPAD // _R,),
        in_specs=[
            pl.BlockSpec((2, _R, DH2), lambda i: (0, i, 0)),
            pl.BlockSpec((_R, 1), lambda i: (i, 0)),
            pl.BlockSpec((_R, 1), lambda i: (i, 0)),
            pl.BlockSpec((D, D), lambda i: (0, 0)),
            pl.BlockSpec((1, D), lambda i: (0, 0)),
        ],
        out_specs=pl.BlockSpec((2, _R, DH2), lambda i: (0, i, 0)),
        out_shape=jax.ShapeDtypeStruct((2, NPAD, DH2), jnp.float32),
    )(agg, nd, ns, W, b2)


def _tc_final(agg_e, nd_e, W, b2, fW, fb2):
    ne = agg_e.shape[1]
    return pl.pallas_call(
        _final_body,
        out_shape=jax.ShapeDtypeStruct((ne, D), jnp.float32),
    )(agg_e, nd_e, W, b2, fW, fb2)



def kernel(mention_hidden_state, entity_hidden_state, sent_hidden_state,
           edge_index, type_emb, ln_gamma, ln_beta, W0, b0, W1, b1, fc_W, fc_b):
    B, NM, DHS = mention_hidden_state.shape
    NE = entity_hidden_state.shape[1]
    NSn = sent_hidden_state.shape[1]
    DT = type_emb.shape[1]
    num_node = NM + NE + NSn
    E = edge_index.shape[1]

    m = jnp.concatenate(
        [mention_hidden_state,
         jnp.broadcast_to(type_emb[0].reshape(1, 1, DT), (B, NM, DT))], axis=2)
    e = jnp.concatenate(
        [entity_hidden_state,
         jnp.broadcast_to(type_emb[1].reshape(1, 1, DT), (B, NE, DT))], axis=2)
    sn = jnp.concatenate(
        [sent_hidden_state,
         jnp.broadcast_to(type_emb[2].reshape(1, 1, DT), (B, NSn, DT))], axis=2)
    node = jnp.concatenate((m, e, sn), axis=1).reshape(B * num_node, D)
    node = jnp.concatenate(
        [node, jnp.zeros((NPAD - B * num_node, D), jnp.float32)], axis=0)

    src = edge_index[0].astype(jnp.int32)
    dst = edge_index[1].astype(jnp.int32)
    pad_idx = jnp.full((EPAD - E,), PAD_NODE, jnp.int32)
    srcp = jnp.concatenate([src, pad_idx])
    dstp = jnp.concatenate([dst, pad_idx])
    src3d = srcp.reshape(NW, CHD, K)
    dst3d = dstp.reshape(NW, CHD, K)
    src4 = jnp.stack([srcp, srcp + NPAD]).reshape(NC, NS, CH, K)
    dst3 = dstp.reshape(NS, CH, K)

    ones16 = jnp.ones((K, 16), jnp.float32)
    zeros16 = jnp.zeros((NPAD, 16), jnp.float32)
    zeros64 = jnp.zeros((NPAD, DH2), jnp.float32)

    degp, cloL, chiL, cdstL, cnts = _sc_degrees(src3d, dst3d, ones16, zeros16)
    clo3 = cloL.reshape(NW, CHW, K)
    chi3 = chiL.reshape(NW, CHW, K)
    cdst3 = cdstL.reshape(NW, CHW, K)
    degp4 = degp[:, :, :, 0:1]
    g2 = ln_gamma.reshape(1, D)
    be2 = ln_beta.reshape(1, D)
    h0, norms = _tc_prep(degp4, node, g2, be2)
    ns = norms[0]
    nd = norms[1]

    agg1 = _sc_gather_scatter(h0.reshape(2 * NPAD, DH2), src4, dst3, zeros64)
    h1 = _tc_layer(agg1, nd, ns, W0, b0.reshape(1, D))
    agg2e = _sc_gs_entity(h1.reshape(2 * NPAD, DH2), clo3, chi3, cdst3, cnts,
                          zeros64)
    nde = (nd[:B * num_node]
           .reshape(B, num_node, 1)[:, NM:NM + NE]
           .reshape(B * NE, 1))
    out = _tc_final(agg2e, nde, W1, b1.reshape(1, D),
                    fc_W, fc_b.reshape(1, D))
    return out.reshape(B, NE, D)

# --- scband reference (transcript-rebuilt; emitter-appended) ---
"""Pipeline reference for scband-gnn-47519518162992 (READ-ONLY COPY).

The authoritative reference and input builder live on the scoring server;
editing this copy changes nothing except your own understanding.
"""

import jax, jax.numpy as jnp
import numpy as np

N_NODES = 10000

def leaky_relu(x):
    return jnp.where(x >= 0, x, 0.01 * x)

def layer_norm(x, g, b, eps=1e-5):
    m = jnp.mean(x, axis=-1, keepdims=True)
    v = jnp.var(x, axis=-1, keepdims=True)
    return (x - m) / jnp.sqrt(v + eps) * g + b

def graph_conv(x, src, dst, W, b):
    # DGL GraphConv, norm='both': feat_src * out_deg^-1/2 -> sum to dst -> * in_deg^-1/2 -> @W + b
    n = x.shape[0]
    ones = jnp.ones(src.shape[0], dtype=x.dtype)
    deg_out = jnp.zeros((n,), x.dtype).at[src].add(ones)
    deg_in = jnp.zeros((n,), x.dtype).at[dst].add(ones)
    norm_src = jnp.clip(deg_out, 1.0, None) ** -0.5
    norm_dst = jnp.clip(deg_in, 1.0, None) ** -0.5
    h = x * norm_src[:, None]
    agg = jnp.zeros_like(x).at[dst].add(jnp.take(h, src, axis=0))
    agg = agg * norm_dst[:, None]
    out = agg @ W + b
    return leaky_relu(out)

def setup_inputs(seed: int = 0) -> dict:
    key = jax.random.key(seed)
    ks = jax.random.split(key, 16)
    B, NM, NE, NS, DH, DT = 4, 1500, 500, 500, 96, 32
    D = DH + DT  # 128 = in_feat_dim
    E = 320000
    inp = {}
    inp["mention_hidden_state"] = jax.random.normal(ks[0], (B, NM, DH), dtype=jnp.float32)
    inp["entity_hidden_state"] = jax.random.normal(ks[1], (B, NE, DH), dtype=jnp.float32)
    inp["sent_hidden_state"] = jax.random.normal(ks[2], (B, NS, DH), dtype=jnp.float32)
    inp["edge_index"] = jax.random.randint(ks[3], (2, E), 0, N_NODES, dtype=jnp.int64)
    inp["type_emb"] = jax.random.normal(ks[4], (3, DT), dtype=jnp.float32)
    inp["ln_gamma"] = jnp.ones((D,), dtype=jnp.float32)
    inp["ln_beta"] = jnp.zeros((D,), dtype=jnp.float32)
    inp["W0"] = jax.random.normal(ks[5], (D, D), dtype=jnp.float32) * 0.05
    inp["b0"] = jnp.zeros((D,), dtype=jnp.float32)
    inp["W1"] = jax.random.normal(ks[6], (D, D), dtype=jnp.float32) * 0.05
    inp["b1"] = jnp.zeros((D,), dtype=jnp.float32)
    inp["fc_W"] = jax.random.normal(ks[7], (D, D), dtype=jnp.float32) * 0.05
    inp["fc_b"] = jnp.zeros((D,), dtype=jnp.float32)
    return inp

def reference(mention_hidden_state, entity_hidden_state, sent_hidden_state, edge_index,
              type_emb, ln_gamma, ln_beta, W0, b0, W1, b1, fc_W, fc_b):
    B, NM, _ = mention_hidden_state.shape
    NE = entity_hidden_state.shape[1]
    NS = sent_hidden_state.shape[1]
    m_t = jnp.broadcast_to(type_emb[0].reshape(1, 1, -1), (B, NM, type_emb.shape[1]))
    e_t = jnp.broadcast_to(type_emb[1].reshape(1, 1, -1), (B, NE, type_emb.shape[1]))
    s_t = jnp.broadcast_to(type_emb[2].reshape(1, 1, -1), (B, NS, type_emb.shape[1]))
    m = jnp.concatenate((mention_hidden_state, m_t), axis=2)
    e = jnp.concatenate((entity_hidden_state, e_t), axis=2)
    s = jnp.concatenate((sent_hidden_state, s_t), axis=2)
    node = jnp.concatenate((m, e, s), axis=1)
    node = layer_norm(node, ln_gamma, ln_beta)
    num_node = node.shape[1]
    x = node.reshape(B * num_node, -1)
    src, dst = edge_index[0], edge_index[1]
    x = graph_conv(x, src, dst, W0, b0)
    x = graph_conv(x, src, dst, W1, b1)
    out = x @ fc_W + fc_b
    out = out.reshape(B, num_node, -1)
    return out[:, NM:NM + NE]

if __name__ == "__main__":
    import jax
    _d = setup_inputs()
    print(jax.jit(kernel)(*tuple(_d.values())))

</pallas_src>

<mosaic_0001>
#map = affine_map<(d0, d1) -> (0, 0)>
#map1 = affine_map<(d0, d1) -> (0, 0, 0, 0)>
#map2 = affine_map<(d0, d1) -> (0, 0, 0)>
module attributes {stable_mosaic.version = 14 : i64} {
  func.func @_sc_gather_scatter(%arg0: i32, %arg1: i32, %arg2: memref<20480x64xf32, #tpu.memory_space<hbm>>, %arg3: memref<2x16x80x256xi32, #tpu.memory_space<hbm>>, %arg4: memref<16x80x256xi32, #tpu.memory_space<hbm>>, %arg5: memref<10240x64xf32, #tpu.memory_space<hbm>>, %arg6: memref<2x10240x64xf32, #tpu.memory_space<hbm>>, %arg7: memref<80x256xi32, #tpu.memory_space<vmem>>, %arg8: memref<80x256xi32, #tpu.memory_space<vmem>>, %arg9: memref<2x256x64xf32, #tpu.memory_space<vmem>>, %arg10: memref<10240x64xf32, #tpu.memory_space<vmem_shared>>, %arg11: memref<!tpu.dma_semaphore, #tpu.memory_space<semaphore_mem>>, %arg12: memref<!tpu.dma_semaphore, #tpu.memory_space<semaphore_mem>>) attributes {dimension_semantics = [#tpu.dimension_semantics<core_parallel>, #tpu.dimension_semantics<subcore_parallel>], iteration_bounds = array<i64: 2, 16>, scalar_prefetch = 0 : i64, scratch_operands = 6 : i64, tpu.core_type = #tpu.core_type<sc_vector_subcore>, window_params = [{transform_indices = #map}, {transform_indices = #map1}, {transform_indices = #map2}, {transform_indices = #map}, {transform_indices = #map2}]} {
    %mul3A = arith.constant 640 : i32
    %mul3A_0 = arith.muli %arg1, %mul3A : i32
    %mul3A_1 = arith.constant 640 : i32
    %mul3A_2 = arith.muli %arg1, %mul3A_1 : i32
    "tpu.region"() ({
      %run_scoped3A = tpu.sem_alloc : memref<!tpu.dma_semaphore, #tpu.memory_space<semaphore_mem>>
      %dma_start3A_47 = arith.constant 0 : i32
      %dma_start3A_48 = tpu.memref_slice %arg10[%mul3A_2, %dma_start3A_47] : memref<10240x64xf32, #tpu.memory_space<vmem_shared>> -> memref<640x64xf32, #tpu.memory_space<vmem_shared>>
      %dma_start3A_49 = arith.constant 0 : i32
      %dma_start3A_50 = tpu.memref_slice %arg5[%mul3A_0, %dma_start3A_49] : memref<10240x64xf32, #tpu.memory_space<hbm>> -> memref<640x64xf32, #tpu.memory_space<hbm>>
      tpu.enqueue_dma source(%dma_start3A_50 : memref<640x64xf32, #tpu.memory_space<hbm>>) target(%dma_start3A_48 : memref<640x64xf32, #tpu.memory_space<vmem_shared>>) target_semaphore(%run_scoped3A : memref<!tpu.dma_semaphore, #tpu.memory_space<semaphore_mem>>)
      %dma_wait3A_51 = arith.constant 0 : i32
      %dma_wait3A_52 = tpu.memref_slice %arg10[%mul3A_2, %dma_wait3A_51] : memref<10240x64xf32, #tpu.memory_space<vmem_shared>> -> memref<640x64xf32, #tpu.memory_space<vmem_shared>>
      %dma_wait3A_53 = arith.constant 0 : i32
      %dma_wait3A_54 = tpu.memref_slice %arg5[%mul3A_0, %dma_wait3A_53] : memref<10240x64xf32, #tpu.memory_space<hbm>> -> memref<640x64xf32, #tpu.memory_space<hbm>>
      tpu.wait_dma2 semaphore(%run_scoped3A : memref<!tpu.dma_semaphore, #tpu.memory_space<semaphore_mem>>) src(%dma_wait3A_54 : memref<640x64xf32, #tpu.memory_space<hbm>>) dst(%dma_wait3A_52 : memref<640x64xf32, #tpu.memory_space<vmem_shared>>)
      tpu.yield
    }) : () -> ()
    "tpu.region"() ({
      %run_scoped3A = tpu.sem_alloc : memref<!tpu.dma_semaphore, #tpu.memory_space<semaphore_mem>>
      %dma_start3A_47 = arith.constant 0 : i32
      %dma_start3A_48 = arith.constant 0 : i32
      %dma_start3A_49 = tpu.memref_slice %arg3[%arg0, %arg1, %dma_start3A_47, %dma_start3A_48] : memref<2x16x80x256xi32, #tpu.memory_space<hbm>> -> memref<1x1x80x256xi32, #tpu.memory_space<hbm>>
      %dma_start3A_50 = tpu.memref_squeeze %dma_start3A_49 : memref<1x1x80x256xi32, #tpu.memory_space<hbm>> -> memref<80x256xi32, #tpu.memory_space<hbm>>
      %dma_start3A_51 = arith.constant 0 : i32
      %dma_start3A_52 = arith.constant 0 : i32
      %dma_start3A_53 = tpu.memref_slice %arg3[%arg0, %arg1, %dma_start3A_51, %dma_start3A_52] : memref<2x16x80x256xi32, #tpu.memory_space<hbm>> -> memref<1x1x80x256xi32, #tpu.memory_space<hbm>>
      %dma_start3A_54 = tpu.memref_squeeze %dma_start3A_53 : memref<1x1x80x256xi32, #tpu.memory_space<hbm>> -> memref<80x256xi32, #tpu.memory_space<hbm>>
      tpu.enqueue_dma source(%dma_start3A_54 : memref<80x256xi32, #tpu.memory_space<hbm>>) target(%arg7 : memref<80x256xi32, #tpu.memory_space<vmem>>) target_semaphore(%run_scoped3A : memref<!tpu.dma_semaphore, #tpu.memory_space<semaphore_mem>>)
      %dma_wait3A_55 = arith.constant 0 : i32
      %dma_wait3A_56 = arith.constant 0 : i32
      %dma_wait3A_57 = tpu.memref_slice %arg3[%arg0, %arg1, %dma_wait3A_55, %dma_wait3A_56] : memref<2x16x80x256xi32, #tpu.memory_space<hbm>> -> memref<1x1x80x256xi32, #tpu.memory_space<hbm>>
      %dma_wait3A_58 = tpu.memref_squeeze %dma_wait3A_57 : memref<1x1x80x256xi32, #tpu.memory_space<hbm>> -> memref<80x256xi32, #tpu.memory_space<hbm>>
      %dma_wait3A_59 = arith.constant 0 : i32
      %dma_wait3A_60 = arith.constant 0 : i32
      %dma_wait3A_61 = tpu.memref_slice %arg3[%arg0, %arg1, %dma_wait3A_59, %dma_wait3A_60] : memref<2x16x80x256xi32, #tpu.memory_space<hbm>> -> memref<1x1x80x256xi32, #tpu.memory_space<hbm>>
      %dma_wait3A_62 = tpu.memref_squeeze %dma_wait3A_61 : memref<1x1x80x256xi32, #tpu.memory_space<hbm>> -> memref<80x256xi32, #tpu.memory_space<hbm>>
      tpu.wait_dma2 semaphore(%run_scoped3A : memref<!tpu.dma_semaphore, #tpu.memory_space<semaphore_mem>>) src(%dma_wait3A_62 : memref<80x256xi32, #tpu.memory_space<hbm>>) dst(%arg7 : memref<80x256xi32, #tpu.memory_space<vmem>>)
      tpu.yield
    }) : () -> ()
    "tpu.region"() ({
      %run_scoped3A = tpu.sem_alloc : memref<!tpu.dma_semaphore, #tpu.memory_space<semaphore_mem>>
      %dma_start3A_47 = arith.constant 0 : i32
      %dma_start3A_48 = arith.constant 0 : i32
      %dma_start3A_49 = tpu.memref_slice %arg4[%arg1, %dma_start3A_47, %dma_start3A_48] : memref<16x80x256xi32, #tpu.memory_space<hbm>> -> memref<1x80x256xi32, #tpu.memory_space<hbm>>
      %dma_start3A_50 = tpu.memref_squeeze %dma_start3A_49 : memref<1x80x256xi32, #tpu.memory_space<hbm>> -> memref<80x256xi32, #tpu.memory_space<hbm>>
      %dma_start3A_51 = arith.constant 0 : i32
      %dma_start3A_52 = arith.constant 0 : i32
      %dma_start3A_53 = tpu.memref_slice %arg4[%arg1, %dma_start3A_51, %dma_start3A_52] : memref<16x80x256xi32, #tpu.memory_space<hbm>> -> memref<1x80x256xi32, #tpu.memory_space<hbm>>
      %dma_start3A_54 = tpu.memref_squeeze %dma_start3A_53 : memref<1x80x256xi32, #tpu.memory_space<hbm>> -> memref<80x256xi32, #tpu.memory_space<hbm>>
      tpu.enqueue_dma source(%dma_start3A_54 : memref<80x256xi32, #tpu.memory_space<hbm>>) target(%arg8 : memref<80x256xi32, #tpu.memory_space<vmem>>) target_semaphore(%run_scoped3A : memref<!tpu.dma_semaphore, #tpu.memory_space<semaphore_mem>>)
      %dma_wait3A_55 = arith.constant 0 : i32
      %dma_wait3A_56 = arith.constant 0 : i32
      %dma_wait3A_57 = tpu.memref_slice %arg4[%arg1, %dma_wait3A_55, %dma_wait3A_56] : memref<16x80x256xi32, #tpu.memory_space<hbm>> -> memref<1x80x256xi32, #tpu.memory_space<hbm>>
      %dma_wait3A_58 = tpu.memref_squeeze %dma_wait3A_57 : memref<1x80x256xi32, #tpu.memory_space<hbm>> -> memref<80x256xi32, #tpu.memory_space<hbm>>
      %dma_wait3A_59 = arith.constant 0 : i32
      %dma_wait3A_60 = arith.constant 0 : i32
      %dma_wait3A_61 = tpu.memref_slice %arg4[%arg1, %dma_wait3A_59, %dma_wait3A_60] : memref<16x80x256xi32, #tpu.memory_space<hbm>> -> memref<1x80x256xi32, #tpu.memory_space<hbm>>
      %dma_wait3A_62 = tpu.memref_squeeze %dma_wait3A_61 : memref<1x80x256xi32, #tpu.memory_space<hbm>> -> memref<80x256xi32, #tpu.memory_space<hbm>>
      tpu.wait_dma2 semaphore(%run_scoped3A : memref<!tpu.dma_semaphore, #tpu.memory_space<semaphore_mem>>) src(%dma_wait3A_62 : memref<80x256xi32, #tpu.memory_space<hbm>>) dst(%arg8 : memref<80x256xi32, #tpu.memory_space<vmem>>)
      tpu.yield
    }) : () -> ()
    %barrier3A = arith.constant 0 : index
    tpu.barrier barrier_id(%barrier3A)
    %dma_start3A = arith.constant 0 : i32
    %dma_start3A_3 = arith.constant 0 : i32
    %dma_start3A_4 = arith.constant 0 : i32
    %dma_start3A_5 = arith.constant 0 : i32
    %dma_start3A_6 = tpu.memref_slice %arg9[%dma_start3A_3, %dma_start3A_4, %dma_start3A_5] : memref<2x256x64xf32, #tpu.memory_space<vmem>> -> memref<1x256x64xf32, #tpu.memory_space<vmem>>
    %dma_start3A_7 = tpu.memref_squeeze %dma_start3A_6 : memref<1x256x64xf32, #tpu.memory_space<vmem>> -> memref<256x64xf32, #tpu.memory_space<vmem>>
    %dma_start3A_8 = arith.constant 0 : i32
    %dma_start3A_9 = tpu.memref_slice %arg7[%dma_start3A, %dma_start3A_8] : memref<80x256xi32, #tpu.memory_space<vmem>> -> memref<1x256xi32, #tpu.memory_space<vmem>>
    %dma_start3A_10 = tpu.memref_squeeze %dma_start3A_9 : memref<1x256xi32, #tpu.memory_space<vmem>> -> memref<256xi32, #tpu.memory_space<vmem>>
    %dma_start3A_11 = arith.constant 0 : i32
    %dma_start3A_12 = arith.constant 0 : i32
    %dma_start3A_13 = tpu.memref_slice %arg2[%dma_start3A_11, %dma_start3A_12] : memref<20480x64xf32, #tpu.memory_space<hbm>> -> memref<20480x64xf32, #tpu.memory_space<hbm>>
    tpu.enqueue_indirect_dma source(%dma_start3A_13 : memref<20480x64xf32, #tpu.memory_space<hbm>>) target(%dma_start3A_7 : memref<256x64xf32, #tpu.memory_space<vmem>>) offsets(%dma_start3A_10 : memref<256xi32, #tpu.memory_space<vmem>>) semaphore(%arg11 : memref<!tpu.dma_semaphore, #tpu.memory_space<semaphore_mem>>)
    %scan3A = arith.constant 0 : i32
    %scan3A_14 = arith.constant 0 : i32
    %scan3A_15 = arith.constant 40 : i32
    %scan3A_16 = arith.addi %scan3A_14, %scan3A_15 : i32
    %scan3A_17 = arith.constant 1 : i32
    scf.for %scan3A_47 = %scan3A_14 to %scan3A_16 step %scan3A_17  : i32 {
      %mul3A_48 = arith.constant 2 : i32
      %mul3A_49 = arith.muli %mul3A_48, %scan3A_47 : i32
      %add3A = arith.constant 0 : i32
      %add3A_50 = arith.addi %mul3A_49, %add3A : i32
      %dma_wait3A_51 = arith.constant 0 : i32
      %dma_wait3A_52 = arith.constant 0 : i32
      %dma_wait3A_53 = arith.constant 0 : i32
      %dma_wait3A_54 = tpu.memref_slice %arg9[%dma_wait3A_51, %dma_wait3A_52, %dma_wait3A_53] : memref<2x256x64xf32, #tpu.memory_space<vmem>> -> memref<1x256x64xf32, #tpu.memory_space<vmem>>
      %dma_wait3A_55 = tpu.memref_squeeze %dma_wait3A_54 : memref<1x256x64xf32, #tpu.memory_space<vmem>> -> memref<256x64xf32, #tpu.memory_space<vmem>>
      %dma_wait3A_56 = arith.constant 0 : i32
      %dma_wait3A_57 = tpu.memref_slice %arg7[%add3A_50, %dma_wait3A_56] : memref<80x256xi32, #tpu.memory_space<vmem>> -> memref<1x256xi32, #tpu.memory_space<vmem>>
      %dma_wait3A_58 = tpu.memref_squeeze %dma_wait3A_57 : memref<1x256xi32, #tpu.memory_space<vmem>> -> memref<256xi32, #tpu.memory_space<vmem>>
      %dma_wait3A_59 = arith.constant 0 : i32
      %dma_wait3A_60 = arith.constant 0 : i32
      %dma_wait3A_61 = tpu.memref_slice %arg2[%dma_wait3A_59, %dma_wait3A_60] : memref<20480x64xf32, #tpu.memory_space<hbm>> -> memref<20480x64xf32, #tpu.memory_space<hbm>>
      tpu.wait_indirect_dma semaphore(%arg11 : memref<!tpu.dma_semaphore, #tpu.memory_space<semaphore_mem>>) src(%dma_wait3A_61 : memref<20480x64xf32, #tpu.memory_space<hbm>>) dst(%dma_wait3A_55 : memref<256x64xf32, #tpu.memory_space<vmem>>)
      %add3A_62 = arith.constant 1 : i32
      %add3A_63 = arith.addi %add3A_50, %add3A_62 : i32
      %lt3A = arith.constant 80 : i32
      %lt3A_64 = arith.cmpi slt, %add3A_63, %lt3A : i32
      %convert_element_type3A = arith.extui %lt3A_64 : i1 to i32
      %cond3A = arith.constant 0 : i32
      %cond3A_65 = arith.cmpi ne, %convert_element_type3A, %cond3A : i32
      scf.if %cond3A_65 {
        %ge3A = arith.constant 1 : i32
        %ge3A_110 = arith.cmpi sge, %add3A_50, %ge3A : i32
        %convert_element_type3A_111 = arith.extui %ge3A_110 : i1 to i32
        %cond3A_112 = arith.constant 0 : i32
        %cond3A_113 = arith.cmpi ne, %convert_element_type3A_111, %cond3A_112 : i32
        scf.if %cond3A_113 {
          %dma_wait3A_127 = arith.constant 1 : i32
          %dma_wait3A_128 = arith.constant 0 : i32
          %dma_wait3A_129 = arith.constant 0 : i32
          %dma_wait3A_130 = arith.constant 0 : i32
          %dma_wait3A_131 = tpu.memref_slice %arg9[%dma_wait3A_127, %dma_wait3A_129, %dma_wait3A_130] : memref<2x256x64xf32, #tpu.memory_space<vmem>> -> memref<1x256x64xf32, #tpu.memory_space<vmem>>
          %dma_wait3A_132 = tpu.memref_squeeze %dma_wait3A_131 : memref<1x256x64xf32, #tpu.memory_space<vmem>> -> memref<256x64xf32, #tpu.memory_space<vmem>>
          %dma_wait3A_133 = arith.constant 0 : i32
          %dma_wait3A_134 = tpu.memref_slice %arg8[%dma_wait3A_128, %dma_wait3A_133] : memref<80x256xi32, #tpu.memory_space<vmem>> -> memref<1x256xi32, #tpu.memory_space<vmem>>
          %dma_wait3A_135 = tpu.memref_squeeze %dma_wait3A_134 : memref<1x256xi32, #tpu.memory_space<vmem>> -> memref<256xi32, #tpu.memory_space<vmem>>
          %dma_wait3A_136 = arith.constant 0 : i32
          %dma_wait3A_137 = arith.constant 0 : i32
          %dma_wait3A_138 = tpu.memref_slice %arg10[%dma_wait3A_136, %dma_wait3A_137] : memref<10240x64xf32, #tpu.memory_space<vmem_shared>> -> memref<10240x64xf32, #tpu.memory_space<vmem_shared>>
          tpu.wait_indirect_dma semaphore(%arg12 : memref<!tpu.dma_semaphore, #tpu.memory_space<semaphore_mem>>) src(%dma_wait3A_132 : memref<256x64xf32, #tpu.memory_space<vmem>>) dst(%dma_wait3A_138 : memref<10240x64xf32, #tpu.memory_space<vmem_shared>>)
        } else {
        }
        %add3A_114 = arith.constant 1 : i32
        %add3A_115 = arith.addi %add3A_50, %add3A_114 : i32
        %dma_start3A_116 = arith.constant 1 : i32
        %dma_start3A_117 = arith.constant 0 : i32
        %dma_start3A_118 = arith.constant 0 : i32
        %dma_start3A_119 = tpu.memref_slice %arg9[%dma_start3A_116, %dma_start3A_117, %dma_start3A_118] : memref<2x256x64xf32, #tpu.memory_space<vmem>> -> memref<1x256x64xf32, #tpu.memory_space<vmem>>
        %dma_start3A_120 = tpu.memref_squeeze %dma_start3A_119 : memref<1x256x64xf32, #tpu.memory_space<vmem>> -> memref<256x64xf32, #tpu.memory_space<vmem>>
        %dma_start3A_121 = arith.constant 0 : i32
        %dma_start3A_122 = tpu.memref_slice %arg7[%add3A_115, %dma_start3A_121] : memref<80x256xi32, #tpu.memory_space<vmem>> -> memref<1x256xi32, #tpu.memory_space<vmem>>
        %dma_start3A_123 = tpu.memref_squeeze %dma_start3A_122 : memref<1x256xi32, #tpu.memory_space<vmem>> -> memref<256xi32, #tpu.memory_space<vmem>>
        %dma_start3A_124 = arith.constant 0 : i32
        %dma_start3A_125 = arith.constant 0 : i32
        %dma_start3A_126 = tpu.memref_slice %arg2[%dma_start3A_124, %dma_start3A_125] : memref<20480x64xf32, #tpu.memory_space<hbm>> -> memref<20480x64xf32, #tpu.memory_space<hbm>>
        tpu.enqueue_indirect_dma source(%dma_start3A_126 : memref<20480x64xf32, #tpu.memory_space<hbm>>) target(%dma_start3A_120 : memref<256x64xf32, #tpu.memory_space<vmem>>) offsets(%dma_start3A_123 : memref<256xi32, #tpu.memory_space<vmem>>) semaphore(%arg11 : memref<!tpu.dma_semaphore, #tpu.memory_space<semaphore_mem>>)
      } else {
      }
      %dma_start3A_66 = arith.constant 0 : i32
      %dma_start3A_67 = arith.constant 0 : i32
      %dma_start3A_68 = arith.constant 0 : i32
      %dma_start3A_69 = tpu.memref_slice %arg9[%dma_start3A_66, %dma_start3A_67, %dma_start3A_68] : memref<2x256x64xf32, #tpu.memory_space<vmem>> -> memref<1x256x64xf32, #tpu.memory_space<vmem>>
      %dma_start3A_70 = tpu.memref_squeeze %dma_start3A_69 : memref<1x256x64xf32, #tpu.memory_space<vmem>> -> memref<256x64xf32, #tpu.memory_space<vmem>>
      %dma_start3A_71 = arith.constant 0 : i32
      %dma_start3A_72 = tpu.memref_slice %arg8[%add3A_50, %dma_start3A_71] : memref<80x256xi32, #tpu.memory_space<vmem>> -> memref<1x256xi32, #tpu.memory_space<vmem>>
      %dma_start3A_73 = tpu.memref_squeeze %dma_start3A_72 : memref<1x256xi32, #tpu.memory_space<vmem>> -> memref<256xi32, #tpu.memory_space<vmem>>
      %dma_start3A_74 = arith.constant 0 : i32
      %dma_start3A_75 = arith.constant 0 : i32
      %dma_start3A_76 = tpu.memref_slice %arg10[%dma_start3A_74, %dma_start3A_75] : memref<10240x64xf32, #tpu.memory_space<vmem_shared>> -> memref<10240x64xf32, #tpu.memory_space<vmem_shared>>
      tpu.enqueue_indirect_dma source(%dma_start3A_70 : memref<256x64xf32, #tpu.memory_space<vmem>>) target(%dma_start3A_76 : memref<10240x64xf32, #tpu.memory_space<vmem_shared>>) offsets(%dma_start3A_73 : memref<256xi32, #tpu.memory_space<vmem>>) semaphore(%arg12 : memref<!tpu.dma_semaphore, #tpu.memory_space<semaphore_mem>>) {add = true}
      %mul3A_77 = arith.constant 2 : i32
      %mul3A_78 = arith.muli %mul3A_77, %scan3A_47 : i32
      %add3A_79 = arith.constant 1 : i32
      %add3A_80 = arith.addi %mul3A_78, %add3A_79 : i32
      %dma_wait3A_81 = arith.constant 1 : i32
      %dma_wait3A_82 = arith.constant 0 : i32
      %dma_wait3A_83 = arith.constant 0 : i32
      %dma_wait3A_84 = tpu.memref_slice %arg9[%dma_wait3A_81, %dma_wait3A_82, %dma_wait3A_83] : memref<2x256x64xf32, #tpu.memory_space<vmem>> -> memref<1x256x64xf32, #tpu.memory_space<vmem>>
      %dma_wait3A_85 = tpu.memref_squeeze %dma_wait3A_84 : memref<1x256x64xf32, #tpu.memory_space<vmem>> -> memref<256x64xf32, #tpu.memory_space<vmem>>
      %dma_wait3A_86 = arith.constant 0 : i32
      %dma_wait3A_87 = tpu.memref_slice %arg7[%add3A_80, %dma_wait3A_86] : memref<80x256xi32, #tpu.memory_space<vmem>> -> memref<1x256xi32, #tpu.memory_space<vmem>>
      %dma_wait3A_88 = tpu.memref_squeeze %dma_wait3A_87 : memref<1x256xi32, #tpu.memory_space<vmem>> -> memref<256xi32, #tpu.memory_space<vmem>>
      %dma_wait3A_89 = arith.constant 0 : i32
      %dma_wait3A_90 = arith.constant 0 : i32
      %dma_wait3A_91 = tpu.memref_slice %arg2[%dma_wait3A_89, %dma_wait3A_90] : memref<20480x64xf32, #tpu.memory_space<hbm>> -> memref<20480x64xf32, #tpu.memory_space<hbm>>
      tpu.wait_indirect_dma semaphore(%arg11 : memref<!tpu.dma_semaphore, #tpu.memory_space<semaphore_mem>>) src(%dma_wait3A_91 : memref<20480x64xf32, #tpu.memory_space<hbm>>) dst(%dma_wait3A_85 : memref<256x64xf32, #tpu.memory_space<vmem>>)
      %add3A_92 = arith.constant 1 : i32
      %add3A_93 = arith.addi %add3A_80, %add3A_92 : i32
      %lt3A_94 = arith.constant 80 : i32
      %lt3A_95 = arith.cmpi slt, %add3A_93, %lt3A_94 : i32
      %convert_element_type3A_96 = arith.extui %lt3A_95 : i1 to i32
      %cond3A_97 = arith.constant 0 : i32
      %cond3A_98 = arith.cmpi ne, %convert_element_type3A_96, %cond3A_97 : i32
      scf.if %cond3A_98 {
        %ge3A = arith.constant 1 : i32
        %ge3A_110 = arith.cmpi sge, %add3A_80, %ge3A : i32
        %convert_element_type3A_111 = arith.extui %ge3A_110 : i1 to i32
        %cond3A_112 = arith.constant 0 : i32
        %cond3A_113 = arith.cmpi ne, %convert_element_type3A_111, %cond3A_112 : i32
        scf.if %cond3A_113 {
          %dma_wait3A_127 = arith.constant 0 : i32
          %dma_wait3A_128 = arith.constant 0 : i32
          %dma_wait3A_129 = arith.constant 0 : i32
          %dma_wait3A_130 = arith.constant 0 : i32
          %dma_wait3A_131 = tpu.memref_slice %arg9[%dma_wait3A_127, %dma_wait3A_129, %dma_wait3A_130] : memref<2x256x64xf32, #tpu.memory_space<vmem>> -> memref<1x256x64xf32, #tpu.memory_space<vmem>>
          %dma_wait3A_132 = tpu.memref_squeeze %dma_wait3A_131 : memref<1x256x64xf32, #tpu.memory_space<vmem>> -> memref<256x64xf32, #tpu.memory_space<vmem>>
          %dma_wait3A_133 = arith.constant 0 : i32
          %dma_wait3A_134 = tpu.memref_slice %arg8[%dma_wait3A_128, %dma_wait3A_133] : memref<80x256xi32, #tpu.memory_space<vmem>> -> memref<1x256xi32, #tpu.memory_space<vmem>>
          %dma_wait3A_135 = tpu.memref_squeeze %dma_wait3A_134 : memref<1x256xi32, #tpu.memory_space<vmem>> -> memref<256xi32, #tpu.memory_space<vmem>>
          %dma_wait3A_136 = arith.constant 0 : i32
          %dma_wait3A_137 = arith.constant 0 : i32
          %dma_wait3A_138 = tpu.memref_slice %arg10[%dma_wait3A_136, %dma_wait3A_137] : memref<10240x64xf32, #tpu.memory_space<vmem_shared>> -> memref<10240x64xf32, #tpu.memory_space<vmem_shared>>
          tpu.wait_indirect_dma semaphore(%arg12 : memref<!tpu.dma_semaphore, #tpu.memory_space<semaphore_mem>>) src(%dma_wait3A_132 : memref<256x64xf32, #tpu.memory_space<vmem>>) dst(%dma_wait3A_138 : memref<10240x64xf32, #tpu.memory_space<vmem_shared>>)
        } else {
        }
        %add3A_114 = arith.constant 1 : i32
        %add3A_115 = arith.addi %add3A_80, %add3A_114 : i32
        %dma_start3A_116 = arith.constant 0 : i32
        %dma_start3A_117 = arith.constant 0 : i32
        %dma_start3A_118 = arith.constant 0 : i32
        %dma_start3A_119 = tpu.memref_slice %arg9[%dma_start3A_116, %dma_start3A_117, %dma_start3A_118] : memref<2x256x64xf32, #tpu.memory_space<vmem>> -> memref<1x256x64xf32, #tpu.memory_space<vmem>>
        %dma_start3A_120 = tpu.memref_squeeze %dma_start3A_119 : memref<1x256x64xf32, #tpu.memory_space<vmem>> -> memref<256x64xf32, #tpu.memory_space<vmem>>
        %dma_start3A_121 = arith.constant 0 : i32
        %dma_start3A_122 = tpu.memref_slice %arg7[%add3A_115, %dma_start3A_121] : memref<80x256xi32, #tpu.memory_space<vmem>> -> memref<1x256xi32, #tpu.memory_space<vmem>>
        %dma_start3A_123 = tpu.memref_squeeze %dma_start3A_122 : memref<1x256xi32, #tpu.memory_space<vmem>> -> memref<256xi32, #tpu.memory_space<vmem>>
        %dma_start3A_124 = arith.constant 0 : i32
        %dma_start3A_125 = arith.constant 0 : i32
        %dma_start3A_126 = tpu.memref_slice %arg2[%dma_start3A_124, %dma_start3A_125] : memref<20480x64xf32, #tpu.memory_space<hbm>> -> memref<20480x64xf32, #tpu.memory_space<hbm>>
        tpu.enqueue_indirect_dma source(%dma_start3A_126 : memref<20480x64xf32, #tpu.memory_space<hbm>>) target(%dma_start3A_120 : memref<256x64xf32, #tpu.memory_space<vmem>>) offsets(%dma_start3A_123 : memref<256xi32, #tpu.memory_space<vmem>>) semaphore(%arg11 : memref<!tpu.dma_semaphore, #tpu.memory_space<semaphore_mem>>)
      } else {
      }
      %dma_start3A_99 = arith.constant 1 : i32
      %dma_start3A_100 = arith.constant 0 : i32
      %dma_start3A_101 = arith.constant 0 : i32
      %dma_start3A_102 = tpu.memref_slice %arg9[%dma_start3A_99, %dma_start3A_100, %dma_start3A_101] : memref<2x256x64xf32, #tpu.memory_space<vmem>> -> memref<1x256x64xf32, #tpu.memory_space<vmem>>
      %dma_start3A_103 = tpu.memref_squeeze %dma_start3A_102 : memref<1x256x64xf32, #tpu.memory_space<vmem>> -> memref<256x64xf32, #tpu.memory_space<vmem>>
      %dma_start3A_104 = arith.constant 0 : i32
      %dma_start3A_105 = tpu.memref_slice %arg8[%add3A_80, %dma_start3A_104] : memref<80x256xi32, #tpu.memory_space<vmem>> -> memref<1x256xi32, #tpu.memory_space<vmem>>
      %dma_start3A_106 = tpu.memref_squeeze %dma_start3A_105 : memref<1x256xi32, #tpu.memory_space<vmem>> -> memref<256xi32, #tpu.memory_space<vmem>>
      %dma_start3A_107 = arith.constant 0 : i32
      %dma_start3A_108 = arith.constant 0 : i32
      %dma_start3A_109 = tpu.memref_slice %arg10[%dma_start3A_107, %dma_start3A_108] : memref<10240x64xf32, #tpu.memory_space<vmem_shared>> -> memref<10240x64xf32, #tpu.memory_space<vmem_shared>>
      tpu.enqueue_indirect_dma source(%dma_start3A_103 : memref<256x64xf32, #tpu.memory_space<vmem>>) target(%dma_start3A_109 : memref<10240x64xf32, #tpu.memory_space<vmem_shared>>) offsets(%dma_start3A_106 : memref<256xi32, #tpu.memory_space<vmem>>) semaphore(%arg12 : memref<!tpu.dma_semaphore, #tpu.memory_space<semaphore_mem>>) {add = true}
    }
    %scan3A_18 = arith.constant 40 : i32
    %dma_wait3A = arith.constant 0 : i32
    %dma_wait3A_19 = arith.constant 0 : i32
    %dma_wait3A_20 = arith.constant 0 : i32
    %dma_wait3A_21 = arith.constant 0 : i32
    %dma_wait3A_22 = tpu.memref_slice %arg9[%dma_wait3A, %dma_wait3A_20, %dma_wait3A_21] : memref<2x256x64xf32, #tpu.memory_space<vmem>> -> memref<1x256x64xf32, #tpu.memory_space<vmem>>
    %dma_wait3A_23 = tpu.memref_squeeze %dma_wait3A_22 : memref<1x256x64xf32, #tpu.memory_space<vmem>> -> memref<256x64xf32, #tpu.memory_space<vmem>>
    %dma_wait3A_24 = arith.constant 0 : i32
    %dma_wait3A_25 = tpu.memref_slice %arg8[%dma_wait3A_19, %dma_wait3A_24] : memref<80x256xi32, #tpu.memory_space<vmem>> -> memref<1x256xi32, #tpu.memory_space<vmem>>
    %dma_wait3A_26 = tpu.memref_squeeze %dma_wait3A_25 : memref<1x256xi32, #tpu.memory_space<vmem>> -> memref<256xi32, #tpu.memory_space<vmem>>
    %dma_wait3A_27 = arith.constant 0 : i32
    %dma_wait3A_28 = arith.constant 0 : i32
    %dma_wait3A_29 = tpu.memref_slice %arg10[%dma_wait3A_27, %dma_wait3A_28] : memref<10240x64xf32, #tpu.memory_space<vmem_shared>> -> memref<10240x64xf32, #tpu.memory_space<vmem_shared>>
    tpu.wait_indirect_dma semaphore(%arg12 : memref<!tpu.dma_semaphore, #tpu.memory_space<semaphore_mem>>) src(%dma_wait3A_23 : memref<256x64xf32, #tpu.memory_space<vmem>>) dst(%dma_wait3A_29 : memref<10240x64xf32, #tpu.memory_space<vmem_shared>>)
    %dma_wait3A_30 = arith.constant 1 : i32
    %dma_wait3A_31 = arith.constant 0 : i32
    %dma_wait3A_32 = arith.constant 0 : i32
    %dma_wait3A_33 = arith.constant 0 : i32
    %dma_wait3A_34 = tpu.memref_slice %arg9[%dma_wait3A_30, %dma_wait3A_32, %dma_wait3A_33] : memref<2x256x64xf32, #tpu.memory_space<vmem>> -> memref<1x256x64xf32, #tpu.memory_space<vmem>>
    %dma_wait3A_35 = tpu.memref_squeeze %dma_wait3A_34 : memref<1x256x64xf32, #tpu.memory_space<vmem>> -> memref<256x64xf32, #tpu.memory_space<vmem>>
    %dma_wait3A_36 = arith.constant 0 : i32
    %dma_wait3A_37 = tpu.memref_slice %arg8[%dma_wait3A_31, %dma_wait3A_36] : memref<80x256xi32, #tpu.memory_space<vmem>> -> memref<1x256xi32, #tpu.memory_space<vmem>>
    %dma_wait3A_38 = tpu.memref_squeeze %dma_wait3A_37 : memref<1x256xi32, #tpu.memory_space<vmem>> -> memref<256xi32, #tpu.memory_space<vmem>>
    %dma_wait3A_39 = arith.constant 0 : i32
    %dma_wait3A_40 = arith.constant 0 : i32
    %dma_wait3A_41 = tpu.memref_slice %arg10[%dma_wait3A_39, %dma_wait3A_40] : memref<10240x64xf32, #tpu.memory_space<vmem_shared>> -> memref<10240x64xf32, #tpu.memory_space<vmem_shared>>
    tpu.wait_indirect_dma semaphore(%arg12 : memref<!tpu.dma_semaphore, #tpu.memory_space<semaphore_mem>>) src(%dma_wait3A_35 : memref<256x64xf32, #tpu.memory_space<vmem>>) dst(%dma_wait3A_41 : memref<10240x64xf32, #tpu.memory_space<vmem_shared>>)
    %barrier3A_42 = arith.constant 0 : index
    tpu.barrier barrier_id(%barrier3A_42)
    %mul3A_43 = arith.constant 640 : i32
    %mul3A_44 = arith.muli %arg1, %mul3A_43 : i32
    %mul3A_45 = arith.constant 640 : i32
    %mul3A_46 = arith.muli %arg1, %mul3A_45 : i32
    "tpu.region"() ({
      %run_scoped3A = tpu.sem_alloc : memref<!tpu.dma_semaphore, #tpu.memory_space<semaphore_mem>>
      %dma_start3A_47 = arith.constant 0 : i32
      %dma_start3A_48 = tpu.memref_slice %arg6[%arg0, %mul3A_46, %dma_start3A_47] : memref<2x10240x64xf32, #tpu.memory_space<hbm>> -> memref<1x640x64xf32, #tpu.memory_space<hbm>>
      %dma_start3A_49 = tpu.memref_squeeze %dma_start3A_48 : memref<1x640x64xf32, #tpu.memory_space<hbm>> -> memref<640x64xf32, #tpu.memory_space<hbm>>
      %dma_start3A_50 = arith.constant 0 : i32
      %dma_start3A_51 = tpu.memref_slice %arg10[%mul3A_44, %dma_start3A_50] : memref<10240x64xf32, #tpu.memory_space<vmem_shared>> -> memref<640x64xf32, #tpu.memory_space<vmem_shared>>
      tpu.enqueue_dma source(%dma_start3A_51 : memref<640x64xf32, #tpu.memory_space<vmem_shared>>) target(%dma_start3A_49 : memref<640x64xf32, #tpu.memory_space<hbm>>) target_semaphore(%run_scoped3A : memref<!tpu.dma_semaphore, #tpu.memory_space<semaphore_mem>>)
      %dma_wait3A_52 = arith.constant 0 : i32
      %dma_wait3A_53 = tpu.memref_slice %arg6[%arg0, %mul3A_46, %dma_wait3A_52] : memref<2x10240x64xf32, #tpu.memory_space<hbm>> -> memref<1x640x64xf32, #tpu.memory_space<hbm>>
      %dma_wait3A_54 = tpu.memref_squeeze %dma_wait3A_53 : memref<1x640x64xf32, #tpu.memory_space<hbm>> -> memref<640x64xf32, #tpu.memory_space<hbm>>
      %dma_wait3A_55 = arith.constant 0 : i32
      %dma_wait3A_56 = tpu.memref_slice %arg10[%mul3A_44, %dma_wait3A_55] : memref<10240x64xf32, #tpu.memory_space<vmem_shared>> -> memref<640x64xf32, #tpu.memory_space<vmem_shared>>
      tpu.wait_dma2 semaphore(%run_scoped3A : memref<!tpu.dma_semaphore, #tpu.memory_space<semaphore_mem>>) src(%dma_wait3A_56 : memref<640x64xf32, #tpu.memory_space<vmem_shared>>) dst(%dma_wait3A_54 : memref<640x64xf32, #tpu.memory_space<hbm>>)
      tpu.yield
    }) : () -> ()
    return
  }
}

#map = affine_map<(d0, d1) -> (0, 0, 0)>
#map1 = affine_map<(d0, d1) -> (0, 0)>
#map2 = affine_map<(d0, d1) -> (0, 0, 0, 0)>
module attributes {stable_mosaic.version = 14 : i64} {
  func.func @_sc_degrees(%arg0: i32, %arg1: i32, %arg2: memref<32x40x256xi32, #tpu.memory_space<hbm>>, %arg3: memref<32x40x256xi32, #tpu.memory_space<hbm>>, %arg4: memref<256x16xf32, #tpu.memory_space<hbm>>, %arg5: memref<10240x16xf32, #tpu.memory_space<hbm>>, %arg6: memref<2x2x10240x16xf32, #tpu.memory_space<hbm>>, %arg7: memref<32x10752xi32, #tpu.memory_space<hbm>>, %arg8: memref<32x10752xi32, #tpu.memory_space<hbm>>, %arg9: memref<32x10752xi32, #tpu.memory_space<hbm>>, %arg10: memref<32x16xi32, #tpu.memory_space<hbm>>, %arg11: memref<40x256xi32, #tpu.memory_space<vmem>>, %arg12: memref<40x256xi32, #tpu.memory_space<vmem>>, %arg13: memref<256x16xf32, #tpu.memory_space<vmem>>, %arg14: memref<10752xi32, #tpu.memory_space<vmem>>, %arg15: memref<10752xi32, #tpu.memory_space<vmem>>, %arg16: memref<10752xi32, #tpu.memory_space<vmem>>, %arg17: memref<16xi32, #tpu.memory_space<vmem>>, %arg18: memref<10240x16xf32, #tpu.memory_space<vmem_shared>>, %arg19: memref<10240x16xf32, #tpu.memory_space<vmem_shared>>, %arg20: memref<!tpu.dma_semaphore, #tpu.memory_space<semaphore_mem>>) attributes {dimension_semantics = [#tpu.dimension_semantics<core_parallel>, #tpu.dimension_semantics<subcore_parallel>], iteration_bounds = array<i64: 2, 16>, scalar_prefetch = 0 : i64, scratch_operands = 10 : i64, tpu.core_type = #tpu.core_type<sc_vector_subcore>, window_params = [{transform_indices = #map}, {transform_indices = #map}, {transform_indices = #map1}, {transform_indices = #map1}, {transform_indices = #map2}, {transform_indices = #map1}, {transform_indices = #map1}, {transform_indices = #map1}, {transform_indices = #map1}]} {
    %mul3A = arith.constant 16 : i32
    %mul3A_0 = arith.muli %arg0, %mul3A : i32
    %add3A = arith.addi %mul3A_0, %arg1 : i32
    "tpu.region"() ({
      %run_scoped3A_165 = tpu.sem_alloc : memref<!tpu.dma_semaphore, #tpu.memory_space<semaphore_mem>>
      tpu.enqueue_dma source(%arg4 : memref<256x16xf32, #tpu.memory_space<hbm>>) target(%arg13 : memref<256x16xf32, #tpu.memory_space<vmem>>) target_semaphore(%run_scoped3A_165 : memref<!tpu.dma_semaphore, #tpu.memory_space<semaphore_mem>>)
      tpu.wait_dma2 semaphore(%run_scoped3A_165 : memref<!tpu.dma_semaphore, #tpu.memory_space<semaphore_mem>>) src(%arg4 : memref<256x16xf32, #tpu.memory_space<hbm>>) dst(%arg13 : memref<256x16xf32, #tpu.memory_space<vmem>>)
      tpu.yield
    }) : () -> ()
    %mul3A_1 = arith.constant 640 : i32
    %mul3A_2 = arith.muli %arg1, %mul3A_1 : i32
    %mul3A_3 = arith.constant 640 : i32
    %mul3A_4 = arith.muli %arg1, %mul3A_3 : i32
    "tpu.region"() ({
      %run_scoped3A_165 = tpu.sem_alloc : memref<!tpu.dma_semaphore, #tpu.memory_space<semaphore_mem>>
      %dma_start3A = arith.constant 0 : i32
      %dma_start3A_166 = tpu.memref_slice %arg18[%mul3A_4, %dma_start3A] : memref<10240x16xf32, #tpu.memory_space<vmem_shared>> -> memref<640x16xf32, #tpu.memory_space<vmem_shared>>
      %dma_start3A_167 = arith.constant 0 : i32
      %dma_start3A_168 = tpu.memref_slice %arg5[%mul3A_2, %dma_start3A_167] : memref<10240x16xf32, #tpu.memory_space<hbm>> -> memref<640x16xf32, #tpu.memory_space<hbm>>
      tpu.enqueue_dma source(%dma_start3A_168 : memref<640x16xf32, #tpu.memory_space<hbm>>) target(%dma_start3A_166 : memref<640x16xf32, #tpu.memory_space<vmem_shared>>) target_semaphore(%run_scoped3A_165 : memref<!tpu.dma_semaphore, #tpu.memory_space<semaphore_mem>>)
      %dma_wait3A_169 = arith.constant 0 : i32
      %dma_wait3A_170 = tpu.memref_slice %arg18[%mul3A_4, %dma_wait3A_169] : memref<10240x16xf32, #tpu.memory_space<vmem_shared>> -> memref<640x16xf32, #tpu.memory_space<vmem_shared>>
      %dma_wait3A_171 = arith.constant 0 : i32
      %dma_wait3A_172 = tpu.memref_slice %arg5[%mul3A_2, %dma_wait3A_171] : memref<10240x16xf32, #tpu.memory_space<hbm>> -> memref<640x16xf32, #tpu.memory_space<hbm>>
      tpu.wait_dma2 semaphore(%run_scoped3A_165 : memref<!tpu.dma_semaphore, #tpu.memory_space<semaphore_mem>>) src(%dma_wait3A_172 : memref<640x16xf32, #tpu.memory_space<hbm>>) dst(%dma_wait3A_170 : memref<640x16xf32, #tpu.memory_space<vmem_shared>>)
      tpu.yield
    }) : () -> ()
    %mul3A_5 = arith.constant 640 : i32
    %mul3A_6 = arith.muli %arg1, %mul3A_5 : i32
    %mul3A_7 = arith.constant 640 : i32
    %mul3A_8 = arith.muli %arg1, %mul3A_7 : i32
    "tpu.region"() ({
      %run_scoped3A_165 = tpu.sem_alloc : memref<!tpu.dma_semaphore, #tpu.memory_space<semaphore_mem>>
      %dma_start3A = arith.constant 0 : i32
      %dma_start3A_166 = tpu.memref_slice %arg19[%mul3A_8, %dma_start3A] : memref<10240x16xf32, #tpu.memory_space<vmem_shared>> -> memref<640x16xf32, #tpu.memory_space<vmem_shared>>
      %dma_start3A_167 = arith.constant 0 : i32
      %dma_start3A_168 = tpu.memref_slice %arg5[%mul3A_6, %dma_start3A_167] : memref<10240x16xf32, #tpu.memory_space<hbm>> -> memref<640x16xf32, #tpu.memory_space<hbm>>
      tpu.enqueue_dma source(%dma_start3A_168 : memref<640x16xf32, #tpu.memory_space<hbm>>) target(%dma_start3A_166 : memref<640x16xf32, #tpu.memory_space<vmem_shared>>) target_semaphore(%run_scoped3A_165 : memref<!tpu.dma_semaphore, #tpu.memory_space<semaphore_mem>>)
      %dma_wait3A_169 = arith.constant 0 : i32
      %dma_wait3A_170 = tpu.memref_slice %arg19[%mul3A_8, %dma_wait3A_169] : memref<10240x16xf32, #tpu.memory_space<vmem_shared>> -> memref<640x16xf32, #tpu.memory_space<vmem_shared>>
      %dma_wait3A_171 = arith.constant 0 : i32
      %dma_wait3A_172 = tpu.memref_slice %arg5[%mul3A_6, %dma_wait3A_171] : memref<10240x16xf32, #tpu.memory_space<hbm>> -> memref<640x16xf32, #tpu.memory_space<hbm>>
      tpu.wait_dma2 semaphore(%run_scoped3A_165 : memref<!tpu.dma_semaphore, #tpu.memory_space<semaphore_mem>>) src(%dma_wait3A_172 : memref<640x16xf32, #tpu.memory_space<hbm>>) dst(%dma_wait3A_170 : memref<640x16xf32, #tpu.memory_space<vmem_shared>>)
      tpu.yield
    }) : () -> ()
    "tpu.region"() ({
      %run_scoped3A_165 = tpu.sem_alloc : memref<!tpu.dma_semaphore, #tpu.memory_space<semaphore_mem>>
      %dma_start3A = arith.constant 0 : i32
      %dma_start3A_166 = arith.constant 0 : i32
      %dma_start3A_167 = tpu.memref_slice %arg2[%add3A, %dma_start3A, %dma_start3A_166] : memref<32x40x256xi32, #tpu.memory_space<hbm>> -> memref<1x40x256xi32, #tpu.memory_space<hbm>>
      %dma_start3A_168 = tpu.memref_squeeze %dma_start3A_167 : memref<1x40x256xi32, #tpu.memory_space<hbm>> -> memref<40x256xi32, #tpu.memory_space<hbm>>
      %dma_start3A_169 = arith.constant 0 : i32
      %dma_start3A_170 = arith.constant 0 : i32
      %dma_start3A_171 = tpu.memref_slice %arg2[%add3A, %dma_start3A_169, %dma_start3A_170] : memref<32x40x256xi32, #tpu.memory_space<hbm>> -> memref<1x40x256xi32, #tpu.memory_space<hbm>>
      %dma_start3A_172 = tpu.memref_squeeze %dma_start3A_171 : memref<1x40x256xi32, #tpu.memory_space<hbm>> -> memref<40x256xi32, #tpu.memory_space<hbm>>
      tpu.enqueue_dma source(%dma_start3A_172 : memref<40x256xi32, #tpu.memory_space<hbm>>) target(%arg11 : memref<40x256xi32, #tpu.memory_space<vmem>>) target_semaphore(%run_scoped3A_165 : memref<!tpu.dma_semaphore, #tpu.memory_space<semaphore_mem>>)
      %dma_wait3A_173 = arith.constant 0 : i32
      %dma_wait3A_174 = arith.constant 0 : i32
      %dma_wait3A_175 = tpu.memref_slice %arg2[%add3A, %dma_wait3A_173, %dma_wait3A_174] : memref<32x40x256xi32, #tpu.memory_space<hbm>> -> memref<1x40x256xi32, #tpu.memory_space<hbm>>
      %dma_wait3A_176 = tpu.memref_squeeze %dma_wait3A_175 : memref<1x40x256xi32, #tpu.memory_space<hbm>> -> memref<40x256xi32, #tpu.memory_space<hbm>>
      %dma_wait3A_177 = arith.constant 0 : i32
      %dma_wait3A_178 = arith.constant 0 : i32
      %dma_wait3A_179 = tpu.memref_slice %arg2[%add3A, %dma_wait3A_177, %dma_wait3A_178] : memref<32x40x256xi32, #tpu.memory_space<hbm>> -> memref<1x40x256xi32, #tpu.memory_space<hbm>>
      %dma_wait3A_180 = tpu.memref_squeeze %dma_wait3A_179 : memref<1x40x256xi32, #tpu.memory_space<hbm>> -> memref<40x256xi32, #tpu.memory_space<hbm>>
      tpu.wait_dma2 semaphore(%run_scoped3A_165 : memref<!tpu.dma_semaphore, #tpu.memory_space<semaphore_mem>>) src(%dma_wait3A_180 : memref<40x256xi32, #tpu.memory_space<hbm>>) dst(%arg11 : memref<40x256xi32, #tpu.memory_space<vmem>>)
      tpu.yield
    }) : () -> ()
    "tpu.region"() ({
      %run_scoped3A_165 = tpu.sem_alloc : memref<!tpu.dma_semaphore, #tpu.memory_space<semaphore_mem>>
      %dma_start3A = arith.constant 0 : i32
      %dma_start3A_166 = arith.constant 0 : i32
      %dma_start3A_167 = tpu.memref_slice %arg3[%add3A, %dma_start3A, %dma_start3A_166] : memref<32x40x256xi32, #tpu.memory_space<hbm>> -> memref<1x40x256xi32, #tpu.memory_space<hbm>>
      %dma_start3A_168 = tpu.memref_squeeze %dma_start3A_167 : memref<1x40x256xi32, #tpu.memory_space<hbm>> -> memref<40x256xi32, #tpu.memory_space<hbm>>
      %dma_start3A_169 = arith.constant 0 : i32
      %dma_start3A_170 = arith.constant 0 : i32
      %dma_start3A_171 = tpu.memref_slice %arg3[%add3A, %dma_start3A_169, %dma_start3A_170] : memref<32x40x256xi32, #tpu.memory_space<hbm>> -> memref<1x40x256xi32, #tpu.memory_space<hbm>>
      %dma_start3A_172 = tpu.memref_squeeze %dma_start3A_171 : memref<1x40x256xi32, #tpu.memory_space<hbm>> -> memref<40x256xi32, #tpu.memory_space<hbm>>
      tpu.enqueue_dma source(%dma_start3A_172 : memref<40x256xi32, #tpu.memory_space<hbm>>) target(%arg12 : memref<40x256xi32, #tpu.memory_space<vmem>>) target_semaphore(%run_scoped3A_165 : memref<!tpu.dma_semaphore, #tpu.memory_space<semaphore_mem>>)
      %dma_wait3A_173 = arith.constant 0 : i32
      %dma_wait3A_174 = arith.constant 0 : i32
      %dma_wait3A_175 = tpu.memref_slice %arg3[%add3A, %dma_wait3A_173, %dma_wait3A_174] : memref<32x40x256xi32, #tpu.memory_space<hbm>> -> memref<1x40x256xi32, #tpu.memory_space<hbm>>
      %dma_wait3A_176 = tpu.memref_squeeze %dma_wait3A_175 : memref<1x40x256xi32, #tpu.memory_space<hbm>> -> memref<40x256xi32, #tpu.memory_space<hbm>>
      %dma_wait3A_177 = arith.constant 0 : i32
      %dma_wait3A_178 = arith.constant 0 : i32
      %dma_wait3A_179 = tpu.memref_slice %arg3[%add3A, %dma_wait3A_177, %dma_wait3A_178] : memref<32x40x256xi32, #tpu.memory_space<hbm>> -> memref<1x40x256xi32, #tpu.memory_space<hbm>>
      %dma_wait3A_180 = tpu.memref_squeeze %dma_wait3A_179 : memref<1x40x256xi32, #tpu.memory_space<hbm>> -> memref<40x256xi32, #tpu.memory_space<hbm>>
      tpu.wait_dma2 semaphore(%run_scoped3A_165 : memref<!tpu.dma_semaphore, #tpu.memory_space<semaphore_mem>>) src(%dma_wait3A_180 : memref<40x256xi32, #tpu.memory_space<hbm>>) dst(%arg12 : memref<40x256xi32, #tpu.memory_space<vmem>>)
      tpu.yield
    }) : () -> ()
    %barrier3A = arith.constant 0 : index
    tpu.barrier barrier_id(%barrier3A)
    %scan3A = arith.constant 0 : i32
    %scan3A_9 = arith.constant 0 : i32
    %scan3A_10 = arith.constant 40 : i32
    %scan3A_11 = arith.addi %scan3A_9, %scan3A_10 : i32
    %scan3A_12 = arith.constant 1 : i32
    scf.for %scan3A_165 = %scan3A_9 to %scan3A_11 step %scan3A_12  : i32 {
      %ge3A = arith.constant 2 : i32
      %ge3A_166 = arith.cmpi sge, %scan3A_165, %ge3A : i32
      %convert_element_type3A = arith.extui %ge3A_166 : i1 to i32
      %cond3A = arith.constant 0 : i32
      %cond3A_167 = arith.cmpi ne, %convert_element_type3A, %cond3A : i32
      scf.if %cond3A_167 {
        %dma_wait3A_179 = arith.constant 0 : i32
        %dma_wait3A_180 = arith.constant 0 : i32
        %dma_wait3A_181 = tpu.memref_slice %arg11[%dma_wait3A_179, %dma_wait3A_180] : memref<40x256xi32, #tpu.memory_space<vmem>> -> memref<1x256xi32, #tpu.memory_space<vmem>>
        %dma_wait3A_182 = tpu.memref_squeeze %dma_wait3A_181 : memref<1x256xi32, #tpu.memory_space<vmem>> -> memref<256xi32, #tpu.memory_space<vmem>>
        %dma_wait3A_183 = arith.constant 0 : i32
        %dma_wait3A_184 = arith.constant 0 : i32
        %dma_wait3A_185 = tpu.memref_slice %arg18[%dma_wait3A_183, %dma_wait3A_184] : memref<10240x16xf32, #tpu.memory_space<vmem_shared>> -> memref<10240x16xf32, #tpu.memory_space<vmem_shared>>
        tpu.wait_indirect_dma semaphore(%arg20 : memref<!tpu.dma_semaphore, #tpu.memory_space<semaphore_mem>>) src(%arg13 : memref<256x16xf32, #tpu.memory_space<vmem>>) dst(%dma_wait3A_185 : memref<10240x16xf32, #tpu.memory_space<vmem_shared>>)
        %dma_wait3A_186 = arith.constant 0 : i32
        %dma_wait3A_187 = arith.constant 0 : i32
        %dma_wait3A_188 = tpu.memref_slice %arg12[%dma_wait3A_186, %dma_wait3A_187] : memref<40x256xi32, #tpu.memory_space<vmem>> -> memref<1x256xi32, #tpu.memory_space<vmem>>
        %dma_wait3A_189 = tpu.memref_squeeze %dma_wait3A_188 : memref<1x256xi32, #tpu.memory_space<vmem>> -> memref<256xi32, #tpu.memory_space<vmem>>
        %dma_wait3A_190 = arith.constant 0 : i32
        %dma_wait3A_191 = arith.constant 0 : i32
        %dma_wait3A_192 = tpu.memref_slice %arg19[%dma_wait3A_190, %dma_wait3A_191] : memref<10240x16xf32, #tpu.memory_space<vmem_shared>> -> memref<10240x16xf32, #tpu.memory_space<vmem_shared>>
        tpu.wait_indirect_dma semaphore(%arg20 : memref<!tpu.dma_semaphore, #tpu.memory_space<semaphore_mem>>) src(%arg13 : memref<256x16xf32, #tpu.memory_space<vmem>>) dst(%dma_wait3A_192 : memref<10240x16xf32, #tpu.memory_space<vmem_shared>>)
      } else {
      }
      %dma_start3A = arith.constant 0 : i32
      %dma_start3A_168 = tpu.memref_slice %arg11[%scan3A_165, %dma_start3A] : memref<40x256xi32, #tpu.memory_space<vmem>> -> memref<1x256xi32, #tpu.memory_space<vmem>>
      %dma_start3A_169 = tpu.memref_squeeze %dma_start3A_168 : memref<1x256xi32, #tpu.memory_space<vmem>> -> memref<256xi32, #tpu.memory_space<vmem>>
      %dma_start3A_170 = arith.constant 0 : i32
      %dma_start3A_171 = arith.constant 0 : i32
      %dma_start3A_172 = tpu.memref_slice %arg18[%dma_start3A_170, %dma_start3A_171] : memref<10240x16xf32, #tpu.memory_space<vmem_shared>> -> memref<10240x16xf32, #tpu.memory_space<vmem_shared>>
      tpu.enqueue_indirect_dma source(%arg13 : memref<256x16xf32, #tpu.memory_space<vmem>>) target(%dma_start3A_172 : memref<10240x16xf32, #tpu.memory_space<vmem_shared>>) offsets(%dma_start3A_169 : memref<256xi32, #tpu.memory_space<vmem>>) semaphore(%arg20 : memref<!tpu.dma_semaphore, #tpu.memory_space<semaphore_mem>>) {add = true}
      %dma_start3A_173 = arith.constant 0 : i32
      %dma_start3A_174 = tpu.memref_slice %arg12[%scan3A_165, %dma_start3A_173] : memref<40x256xi32, #tpu.memory_space<vmem>> -> memref<1x256xi32, #tpu.memory_space<vmem>>
      %dma_start3A_175 = tpu.memref_squeeze %dma_start3A_174 : memref<1x256xi32, #tpu.memory_space<vmem>> -> memref<256xi32, #tpu.memory_space<vmem>>
      %dma_start3A_176 = arith.constant 0 : i32
      %dma_start3A_177 = arith.constant 0 : i32
      %dma_start3A_178 = tpu.memref_slice %arg19[%dma_start3A_176, %dma_start3A_177] : memref<10240x16xf32, #tpu.memory_space<vmem_shared>> -> memref<10240x16xf32, #tpu.memory_space<vmem_shared>>
      tpu.enqueue_indirect_dma source(%arg13 : memref<256x16xf32, #tpu.memory_space<vmem>>) target(%dma_start3A_178 : memref<10240x16xf32, #tpu.memory_space<vmem_shared>>) offsets(%dma_start3A_175 : memref<256xi32, #tpu.memory_space<vmem>>) semaphore(%arg20 : memref<!tpu.dma_semaphore, #tpu.memory_space<semaphore_mem>>) {add = true}
    }
    %scan3A_13 = arith.constant 40 : i32
    %scan3A_14 = arith.constant 0 : i32
    %scan3A_15 = arith.constant 0 : i32
    %scan3A_16 = arith.constant 640 : i32
    %scan3A_17 = arith.addi %scan3A_15, %scan3A_16 : i32
    %scan3A_18 = arith.constant 1 : i32
    %scan3A_19 = scf.for %scan3A_165 = %scan3A_15 to %scan3A_17 step %scan3A_18 iter_args(%scan3A_166 = %scan3A_14) -> (i32)  : i32 {
      %jit3A_167 = arith.constant 16 : i32
      %div3A_168 = arith.divsi %scan3A_165, %jit3A_167 : i32
      %sign3A_169 = arith.constant 0 : i32
      %sign3A_170 = arith.cmpi sgt, %scan3A_165, %sign3A_169 : i32
      %sign3A_171 = arith.extui %sign3A_170 : i1 to i32
      %sign3A_172 = arith.constant 0 : i32
      %sign3A_173 = arith.cmpi slt, %scan3A_165, %sign3A_172 : i32
      %sign3A_174 = arith.extui %sign3A_173 : i1 to i32
      %sign3A_175 = arith.subi %sign3A_171, %sign3A_174 : i32
      %sign3A_176 = arith.constant 0 : i32
      %sign3A_177 = arith.cmpi sgt, %jit3A_167, %sign3A_176 : i32
      %sign3A_178 = arith.extui %sign3A_177 : i1 to i32
      %sign3A_179 = arith.constant 0 : i32
      %sign3A_180 = arith.cmpi slt, %jit3A_167, %sign3A_179 : i32
      %sign3A_181 = arith.extui %sign3A_180 : i1 to i32
      %sign3A_182 = arith.subi %sign3A_178, %sign3A_181 : i32
      %ne3A_183 = arith.cmpi ne, %sign3A_175, %sign3A_182 : i32
      %rem3A_184 = arith.remsi %scan3A_165, %jit3A_167 : i32
      %ne3A_185 = arith.constant 0 : i32
      %ne3A_186 = arith.cmpi ne, %rem3A_184, %ne3A_185 : i32
      %and3A_187 = arith.andi %ne3A_183, %ne3A_186 : i1
      %sub3A_188 = arith.constant 1 : i32
      %sub3A_189 = arith.subi %div3A_168, %sub3A_188 : i32
      %select_n3A_190 = arith.select %and3A_187, %sub3A_189, %div3A_168 : i32
      %jit3A_191 = arith.constant 16 : i32
      %eq3A = arith.constant 0 : i32
      %eq3A_192 = arith.cmpi eq, %jit3A_191, %eq3A : i32
      %jit3A_193 = arith.constant 1 : i32
      %select_n3A_194 = arith.select %eq3A_192, %jit3A_193, %jit3A_191 : i32
      %rem3A_195 = arith.remsi %scan3A_165, %select_n3A_194 : i32
      %ne3A_196 = arith.constant 0 : i32
      %ne3A_197 = arith.cmpi ne, %rem3A_195, %ne3A_196 : i32
      %lt3A_198 = arith.constant 0 : i32
      %lt3A_199 = arith.cmpi slt, %rem3A_195, %lt3A_198 : i32
      %lt3A_200 = arith.constant 0 : i32
      %lt3A_201 = arith.cmpi slt, %select_n3A_194, %lt3A_200 : i32
      %ne3A_202 = arith.xori %lt3A_199, %lt3A_201 : i1
      %and3A_203 = arith.andi %ne3A_202, %ne3A_197 : i1
      %add3A_204 = arith.addi %rem3A_195, %select_n3A_194 : i32
      %select_n3A_205 = arith.select %and3A_203, %add3A_204, %rem3A_195 : i32
      %mul3A_206 = arith.constant 16 : i32
      %mul3A_207 = arith.muli %select_n3A_205, %mul3A_206 : i32
      %get3A_208 = arith.index_cast %select_n3A_190 : i32 to index
      %get3A_209 = arith.index_cast %mul3A_207 : i32 to index
      %get3A_210 = tpu.vector_load %arg12[%get3A_208, %get3A_209] {strides = array<i32>} : memref<40x256xi32, #tpu.memory_space<vmem>>, vector<16xi32>,
      %get3A_211 = arith.index_cast %select_n3A_190 : i32 to index
      %get3A_212 = arith.index_cast %mul3A_207 : i32 to index
      %get3A_213 = tpu.vector_load %arg11[%get3A_211, %get3A_212] {strides = array<i32>} : memref<40x256xi32, #tpu.memory_space<vmem>>, vector<16xi32>,
      %jit3A_214 = arith.constant 2500 : i32
      %div3A_215 = vector.broadcast %jit3A_214 : i32 to vector<16xi32>
      %div3A_216 = arith.divsi %get3A_210, %div3A_215 : vector<16xi32>
      %sign3A_217 = arith.constant 0 : i32
      %sign3A_218 = vector.broadcast %sign3A_217 : i32 to vector<16xi32>
      %sign3A_219 = arith.cmpi sgt, %get3A_210, %sign3A_218 : vector<16xi32>
      %sign3A_220 = arith.extui %sign3A_219 : vector<16xi1> to vector<16xi32>
      %sign3A_221 = arith.constant 0 : i32
      %sign3A_222 = vector.broadcast %sign3A_221 : i32 to vector<16xi32>
      %sign3A_223 = arith.cmpi slt, %get3A_210, %sign3A_222 : vector<16xi32>
      %sign3A_224 = arith.extui %sign3A_223 : vector<16xi1> to vector<16xi32>
      %sign3A_225 = arith.subi %sign3A_220, %sign3A_224 : vector<16xi32>
      %sign3A_226 = arith.constant 0 : i32
      %sign3A_227 = arith.cmpi sgt, %jit3A_214, %sign3A_226 : i32
      %sign3A_228 = arith.extui %sign3A_227 : i1 to i32
      %sign3A_229 = arith.constant 0 : i32
      %sign3A_230 = arith.cmpi slt, %jit3A_214, %sign3A_229 : i32
      %sign3A_231 = arith.extui %sign3A_230 : i1 to i32
      %sign3A_232 = arith.subi %sign3A_228, %sign3A_231 : i32
      %ne3A_233 = vector.broadcast %sign3A_232 : i32 to vector<16xi32>
      %ne3A_234 = arith.cmpi ne, %sign3A_225, %ne3A_233 : vector<16xi32>
      %rem3A_235 = vector.broadcast %jit3A_214 : i32 to vector<16xi32>
      %rem3A_236 = arith.remsi %get3A_210, %rem3A_235 : vector<16xi32>
      %ne3A_237 = arith.constant 0 : i32
      %ne3A_238 = vector.broadcast %ne3A_237 : i32 to vector<16xi32>
      %ne3A_239 = arith.cmpi ne, %rem3A_236, %ne3A_238 : vector<16xi32>
      %and3A_240 = arith.andi %ne3A_234, %ne3A_239 : vector<16xi1>
      %sub3A_241 = arith.constant 1 : i32
      %sub3A_242 = vector.broadcast %sub3A_241 : i32 to vector<16xi32>
      %sub3A_243 = arith.subi %div3A_216, %sub3A_242 : vector<16xi32>
      %select_n3A_244 = arith.select %and3A_240, %sub3A_243, %div3A_216 : vector<16xi1>, vector<16xi32>
      %mul3A_245 = arith.constant 2500 : i32
      %mul3A_246 = vector.broadcast %mul3A_245 : i32 to vector<16xi32>
      %mul3A_247 = arith.muli %select_n3A_244, %mul3A_246 : vector<16xi32>
      %sub3A_248 = arith.subi %get3A_210, %mul3A_247 : vector<16xi32>
      %ge3A = arith.constant 1500 : i32
      %ge3A_249 = vector.broadcast %ge3A : i32 to vector<16xi32>
      %ge3A_250 = arith.cmpi sge, %sub3A_248, %ge3A_249 : vector<16xi32>
      %lt3A_251 = arith.constant 2000 : i32
      %lt3A_252 = vector.broadcast %lt3A_251 : i32 to vector<16xi32>
      %lt3A_253 = arith.cmpi slt, %sub3A_248, %lt3A_252 : vector<16xi32>
      %and3A_254 = arith.andi %ge3A_250, %lt3A_253 : vector<16xi1>
      %swap3A_255 = arith.index_cast %scan3A_166 : i32 to index
      %swap3A_256 = tpu.vector_load %arg16[%swap3A_255] masked %and3A_254 {strides = array<i32>} : memref<10752xi32, #tpu.memory_space<vmem>>, vector<16xi32>, vector<16xi1>
      tpu.vector_store %arg16[%swap3A_255], %get3A_210 masked %and3A_254 {strides = array<i32>} : memref<10752xi32, #tpu.memory_space<vmem>>, vector<16xi32>, vector<16xi1>
      %swap3A_257 = arith.index_cast %scan3A_166 : i32 to index
      %swap3A_258 = tpu.vector_load %arg14[%swap3A_257] masked %and3A_254 {strides = array<i32>} : memref<10752xi32, #tpu.memory_space<vmem>>, vector<16xi32>, vector<16xi1>
      tpu.vector_store %arg14[%swap3A_257], %get3A_213 masked %and3A_254 {strides = array<i32>} : memref<10752xi32, #tpu.memory_space<vmem>>, vector<16xi32>, vector<16xi1>
      %add3A_259 = arith.constant 10240 : i32
      %add3A_260 = vector.broadcast %add3A_259 : i32 to vector<16xi32>
      %add3A_261 = arith.addi %get3A_213, %add3A_260 : vector<16xi32>
      %swap3A_262 = arith.index_cast %scan3A_166 : i32 to index
      %swap3A_263 = tpu.vector_load %arg15[%swap3A_262] masked %and3A_254 {strides = array<i32>} : memref<10752xi32, #tpu.memory_space<vmem>>, vector<16xi32>, vector<16xi1>
      tpu.vector_store %arg15[%swap3A_262], %add3A_261 masked %and3A_254 {strides = array<i32>} : memref<10752xi32, #tpu.memory_space<vmem>>, vector<16xi32>, vector<16xi1>
      %jit3A_264 = arith.constant 1 : i32
      %jit3A_265 = arith.constant 0 : i32
      %broadcast_in_dim3A_266 = vector.broadcast %jit3A_264 : i32 to vector<16xi32>
      %broadcast_in_dim3A_267 = vector.broadcast %jit3A_265 : i32 to vector<16xi32>
      %select_n3A_268 = arith.select %and3A_254, %broadcast_in_dim3A_266, %broadcast_in_dim3A_267 : vector<16xi1>, vector<16xi32>
      %reduce_sum3A = arith.constant true
      %reduce_sum3A_269 = vector.broadcast %reduce_sum3A : i1 to vector<16xi1>
      %reduce_sum3A_270 = tpu.scan <sum>, %select_n3A_268 masked %reduce_sum3A_269 : vector<16xi32>, vector<16xi1> -> vector<16xi32>
      %reduce_sum3A_271 = vector.extract %reduce_sum3A_270[15] : i32 from vector<16xi32>
      %add3A_272 = arith.addi %scan3A_166, %reduce_sum3A_271 : i32
      scf.yield %add3A_272 : i32
    }
    %scan3A_20 = arith.constant 640 : i32
    %add3A_21 = arith.constant 512 : i32
    %add3A_22 = arith.addi %scan3A_19, %add3A_21 : i32
    %sub3A = arith.constant 1 : i32
    %sub3A_23 = arith.subi %add3A_22, %sub3A : i32
    %jit3A = arith.constant 512 : i32
    %div3A = arith.divsi %sub3A_23, %jit3A : i32
    %sign3A = arith.constant 0 : i32
    %sign3A_24 = arith.cmpi sgt, %sub3A_23, %sign3A : i32
    %sign3A_25 = arith.extui %sign3A_24 : i1 to i32
    %sign3A_26 = arith.constant 0 : i32
    %sign3A_27 = arith.cmpi slt, %sub3A_23, %sign3A_26 : i32
    %sign3A_28 = arith.extui %sign3A_27 : i1 to i32
    %sign3A_29 = arith.subi %sign3A_25, %sign3A_28 : i32
    %sign3A_30 = arith.constant 0 : i32
    %sign3A_31 = arith.cmpi sgt, %jit3A, %sign3A_30 : i32
    %sign3A_32 = arith.extui %sign3A_31 : i1 to i32
    %sign3A_33 = arith.constant 0 : i32
    %sign3A_34 = arith.cmpi slt, %jit3A, %sign3A_33 : i32
    %sign3A_35 = arith.extui %sign3A_34 : i1 to i32
    %sign3A_36 = arith.subi %sign3A_32, %sign3A_35 : i32
    %ne3A = arith.cmpi ne, %sign3A_29, %sign3A_36 : i32
    %rem3A = arith.remsi %sub3A_23, %jit3A : i32
    %ne3A_37 = arith.constant 0 : i32
    %ne3A_38 = arith.cmpi ne, %rem3A, %ne3A_37 : i32
    %and3A = arith.andi %ne3A, %ne3A_38 : i1
    %sub3A_39 = arith.constant 1 : i32
    %sub3A_40 = arith.subi %div3A, %sub3A_39 : i32
    %select_n3A = arith.select %and3A, %sub3A_40, %div3A : i32
    %mul3A_41 = arith.constant 512 : i32
    %mul3A_42 = arith.muli %select_n3A, %mul3A_41 : i32
    %broadcast_in_dim3A = arith.constant 10064 : i32
    %broadcast_in_dim3A_43 = vector.broadcast %broadcast_in_dim3A : i32 to vector<16xi32>
    %jit3A_44 = arith.constant 16 : i32
    %div3A_45 = arith.divsi %scan3A_19, %jit3A_44 : i32
    %sign3A_46 = arith.constant 0 : i32
    %sign3A_47 = arith.cmpi sgt, %scan3A_19, %sign3A_46 : i32
    %sign3A_48 = arith.extui %sign3A_47 : i1 to i32
    %sign3A_49 = arith.constant 0 : i32
    %sign3A_50 = arith.cmpi slt, %scan3A_19, %sign3A_49 : i32
    %sign3A_51 = arith.extui %sign3A_50 : i1 to i32
    %sign3A_52 = arith.subi %sign3A_48, %sign3A_51 : i32
    %sign3A_53 = arith.constant 0 : i32
    %sign3A_54 = arith.cmpi sgt, %jit3A_44, %sign3A_53 : i32
    %sign3A_55 = arith.extui %sign3A_54 : i1 to i32
    %sign3A_56 = arith.constant 0 : i32
    %sign3A_57 = arith.cmpi slt, %jit3A_44, %sign3A_56 : i32
    %sign3A_58 = arith.extui %sign3A_57 : i1 to i32
    %sign3A_59 = arith.subi %sign3A_55, %sign3A_58 : i32
    %ne3A_60 = arith.cmpi ne, %sign3A_52, %sign3A_59 : i32
    %rem3A_61 = arith.remsi %scan3A_19, %jit3A_44 : i32
    %ne3A_62 = arith.constant 0 : i32
    %ne3A_63 = arith.cmpi ne, %rem3A_61, %ne3A_62 : i32
    %and3A_64 = arith.andi %ne3A_60, %ne3A_63 : i1
    %sub3A_65 = arith.constant 1 : i32
    %sub3A_66 = arith.subi %div3A_45, %sub3A_65 : i32
    %select_n3A_67 = arith.select %and3A_64, %sub3A_66, %div3A_45 : i32
    %mul3A_68 = arith.constant 16 : i32
    %mul3A_69 = arith.muli %select_n3A_67, %mul3A_68 : i32
    %sub3A_70 = arith.subi %scan3A_19, %mul3A_69 : i32
    %iota3A = tpu.iota {dimensions = array<i32: 0>} : vector<16xi32>
    %lt3A = vector.broadcast %sub3A_70 : i32 to vector<16xi32>
    %lt3A_71 = arith.cmpi slt, %iota3A, %lt3A : vector<16xi32>
    %get3A = arith.index_cast %mul3A_69 : i32 to index
    %get3A_72 = tpu.vector_load %arg16[%get3A] {strides = array<i32>} : memref<10752xi32, #tpu.memory_space<vmem>>, vector<16xi32>,
    %select_n3A_73 = arith.select %lt3A_71, %get3A_72, %broadcast_in_dim3A_43 : vector<16xi1>, vector<16xi32>
    %swap3A = arith.index_cast %mul3A_69 : i32 to index
    %swap3A_74 = tpu.vector_load %arg16[%swap3A] {strides = array<i32>} : memref<10752xi32, #tpu.memory_space<vmem>>, vector<16xi32>,
    tpu.vector_store %arg16[%swap3A], %select_n3A_73 {strides = array<i32>} : memref<10752xi32, #tpu.memory_space<vmem>>, vector<16xi32>,
    %get3A_75 = arith.index_cast %mul3A_69 : i32 to index
    %get3A_76 = tpu.vector_load %arg14[%get3A_75] {strides = array<i32>} : memref<10752xi32, #tpu.memory_space<vmem>>, vector<16xi32>,
    %select_n3A_77 = arith.select %lt3A_71, %get3A_76, %broadcast_in_dim3A_43 : vector<16xi1>, vector<16xi32>
    %swap3A_78 = arith.index_cast %mul3A_69 : i32 to index
    %swap3A_79 = tpu.vector_load %arg14[%swap3A_78] {strides = array<i32>} : memref<10752xi32, #tpu.memory_space<vmem>>, vector<16xi32>,
    tpu.vector_store %arg14[%swap3A_78], %select_n3A_77 {strides = array<i32>} : memref<10752xi32, #tpu.memory_space<vmem>>, vector<16xi32>,
    %get3A_80 = arith.index_cast %mul3A_69 : i32 to index
    %get3A_81 = tpu.vector_load %arg15[%get3A_80] {strides = array<i32>} : memref<10752xi32, #tpu.memory_space<vmem>>, vector<16xi32>,
    %select_n3A_82 = arith.select %lt3A_71, %get3A_81, %broadcast_in_dim3A_43 : vector<16xi1>, vector<16xi32>
    %swap3A_83 = arith.index_cast %mul3A_69 : i32 to index
    %swap3A_84 = tpu.vector_load %arg15[%swap3A_83] {strides = array<i32>} : memref<10752xi32, #tpu.memory_space<vmem>>, vector<16xi32>,
    tpu.vector_store %arg15[%swap3A_83], %select_n3A_82 {strides = array<i32>} : memref<10752xi32, #tpu.memory_space<vmem>>, vector<16xi32>,
    %sub3A_85 = arith.subi %mul3A_42, %mul3A_69 : i32
    %jit3A_86 = arith.constant 16 : i32
    %div3A_87 = arith.divsi %sub3A_85, %jit3A_86 : i32
    %sign3A_88 = arith.constant 0 : i32
    %sign3A_89 = arith.cmpi sgt, %sub3A_85, %sign3A_88 : i32
    %sign3A_90 = arith.extui %sign3A_89 : i1 to i32
    %sign3A_91 = arith.constant 0 : i32
    %sign3A_92 = arith.cmpi slt, %sub3A_85, %sign3A_91 : i32
    %sign3A_93 = arith.extui %sign3A_92 : i1 to i32
    %sign3A_94 = arith.subi %sign3A_90, %sign3A_93 : i32
    %sign3A_95 = arith.constant 0 : i32
    %sign3A_96 = arith.cmpi sgt, %jit3A_86, %sign3A_95 : i32
    %sign3A_97 = arith.extui %sign3A_96 : i1 to i32
    %sign3A_98 = arith.constant 0 : i32
    %sign3A_99 = arith.cmpi slt, %jit3A_86, %sign3A_98 : i32
    %sign3A_100 = arith.extui %sign3A_99 : i1 to i32
    %sign3A_101 = arith.subi %sign3A_97, %sign3A_100 : i32
    %ne3A_102 = arith.cmpi ne, %sign3A_94, %sign3A_101 : i32
    %rem3A_103 = arith.remsi %sub3A_85, %jit3A_86 : i32
    %ne3A_104 = arith.constant 0 : i32
    %ne3A_105 = arith.cmpi ne, %rem3A_103, %ne3A_104 : i32
    %and3A_106 = arith.andi %ne3A_102, %ne3A_105 : i1
    %sub3A_107 = arith.constant 1 : i32
    %sub3A_108 = arith.subi %div3A_87, %sub3A_107 : i32
    %select_n3A_109 = arith.select %and3A_106, %sub3A_108, %div3A_87 : i32
    %sub3A_110 = arith.constant 1 : i32
    %sub3A_111 = arith.subi %select_n3A_109, %sub3A_110 : i32
    %max3A = arith.constant 0 : i32
    %max3A_112 = arith.maxsi %sub3A_111, %max3A : i32
    %while3A = arith.constant 0 : i32
    %while3A_113 = arith.constant 0 : i32
    %while3A_114 = arith.subi %max3A_112, %while3A_113 : i32
    %while3A_115 = arith.addi %while3A_113, %while3A_114 : i32
    %while3A_116 = arith.constant 1 : i32
    %while3A_117 = arith.divsi %while3A_114, %while3A_116 : i32
    %while3A_118 = arith.muli %while3A_117, %while3A_116 : i32
    %while3A_119 = arith.addi %while3A_113, %while3A_118 : i32
    %while3A_120 = arith.constant 1 : i32
    scf.for %while3A_165 = %while3A_113 to %while3A_119 step %while3A_120  : i32 {
      %add3A_166 = arith.constant 1 : i32
      %add3A_167 = arith.addi %while3A_165, %add3A_166 : i32
      %mul3A_168 = arith.constant 16 : i32
      %mul3A_169 = arith.muli %add3A_167, %mul3A_168 : i32
      %add3A_170 = arith.addi %mul3A_69, %mul3A_169 : i32
      %swap3A_171 = arith.index_cast %add3A_170 : i32 to index
      %swap3A_172 = tpu.vector_load %arg16[%swap3A_171] {strides = array<i32>} : memref<10752xi32, #tpu.memory_space<vmem>>, vector<16xi32>,
      tpu.vector_store %arg16[%swap3A_171], %broadcast_in_dim3A_43 {strides = array<i32>} : memref<10752xi32, #tpu.memory_space<vmem>>, vector<16xi32>,
      %swap3A_173 = arith.index_cast %add3A_170 : i32 to index
      %swap3A_174 = tpu.vector_load %arg14[%swap3A_173] {strides = array<i32>} : memref<10752xi32, #tpu.memory_space<vmem>>, vector<16xi32>,
      tpu.vector_store %arg14[%swap3A_173], %broadcast_in_dim3A_43 {strides = array<i32>} : memref<10752xi32, #tpu.memory_space<vmem>>, vector<16xi32>,
      %swap3A_175 = arith.index_cast %add3A_170 : i32 to index
      %swap3A_176 = tpu.vector_load %arg15[%swap3A_175] {strides = array<i32>} : memref<10752xi32, #tpu.memory_space<vmem>>, vector<16xi32>,
      tpu.vector_store %arg15[%swap3A_175], %broadcast_in_dim3A_43 {strides = array<i32>} : memref<10752xi32, #tpu.memory_space<vmem>>, vector<16xi32>,
    }
    %while3A_121 = arith.constant 1 : i32
    scf.for %while3A_165 = %while3A_119 to %while3A_115 step %while3A_121  : i32 {
      %add3A_166 = arith.constant 1 : i32
      %add3A_167 = arith.addi %while3A_165, %add3A_166 : i32
      %mul3A_168 = arith.constant 16 : i32
      %mul3A_169 = arith.muli %add3A_167, %mul3A_168 : i32
      %add3A_170 = arith.addi %mul3A_69, %mul3A_169 : i32
      %swap3A_171 = arith.index_cast %add3A_170 : i32 to index
      %swap3A_172 = tpu.vector_load %arg16[%swap3A_171] {strides = array<i32>} : memref<10752xi32, #tpu.memory_space<vmem>>, vector<16xi32>,
      tpu.vector_store %arg16[%swap3A_171], %broadcast_in_dim3A_43 {strides = array<i32>} : memref<10752xi32, #tpu.memory_space<vmem>>, vector<16xi32>,
      %swap3A_173 = arith.index_cast %add3A_170 : i32 to index
      %swap3A_174 = tpu.vector_load %arg14[%swap3A_173] {strides = array<i32>} : memref<10752xi32, #tpu.memory_space<vmem>>, vector<16xi32>,
      tpu.vector_store %arg14[%swap3A_173], %broadcast_in_dim3A_43 {strides = array<i32>} : memref<10752xi32, #tpu.memory_space<vmem>>, vector<16xi32>,
      %swap3A_175 = arith.index_cast %add3A_170 : i32 to index
      %swap3A_176 = tpu.vector_load %arg15[%swap3A_175] {strides = array<i32>} : memref<10752xi32, #tpu.memory_space<vmem>>, vector<16xi32>,
      tpu.vector_store %arg15[%swap3A_175], %broadcast_in_dim3A_43 {strides = array<i32>} : memref<10752xi32, #tpu.memory_space<vmem>>, vector<16xi32>,
    }
    %broadcast_in_dim3A_122 = arith.constant 0 : i32
    %broadcast_in_dim3A_123 = vector.broadcast %broadcast_in_dim3A_122 : i32 to vector<16xi32>
    %add3A_124 = vector.broadcast %scan3A_19 : i32 to vector<16xi32>
    %add3A_125 = arith.addi %broadcast_in_dim3A_123, %add3A_124 : vector<16xi32>
    %swap3A_126 = arith.constant 0 : index
    %swap3A_127 = tpu.vector_load %arg17[%swap3A_126] {strides = array<i32>} : memref<16xi32, #tpu.memory_space<vmem>>, vector<16xi32>,
    tpu.vector_store %arg17[%swap3A_126], %add3A_125 {strides = array<i32>} : memref<16xi32, #tpu.memory_space<vmem>>, vector<16xi32>,
    "tpu.region"() ({
      %run_scoped3A_165 = tpu.sem_alloc : memref<!tpu.dma_semaphore, #tpu.memory_space<semaphore_mem>>
      %dma_start3A = arith.constant 0 : i32
      %dma_start3A_166 = tpu.memref_slice %arg7[%add3A, %dma_start3A] : memref<32x10752xi32, #tpu.memory_space<hbm>> -> memref<1x10752xi32, #tpu.memory_space<hbm>>
      %dma_start3A_167 = tpu.memref_squeeze %dma_start3A_166 : memref<1x10752xi32, #tpu.memory_space<hbm>> -> memref<10752xi32, #tpu.memory_space<hbm>>
      %dma_start3A_168 = arith.constant 0 : i32
      %dma_start3A_169 = tpu.memref_slice %arg7[%add3A, %dma_start3A_168] : memref<32x10752xi32, #tpu.memory_space<hbm>> -> memref<1x10752xi32, #tpu.memory_space<hbm>>
      %dma_start3A_170 = tpu.memref_squeeze %dma_start3A_169 : memref<1x10752xi32, #tpu.memory_space<hbm>> -> memref<10752xi32, #tpu.memory_space<hbm>>
      tpu.enqueue_dma source(%arg14 : memref<10752xi32, #tpu.memory_space<vmem>>) target(%dma_start3A_170 : memref<10752xi32, #tpu.memory_space<hbm>>) target_semaphore(%run_scoped3A_165 : memref<!tpu.dma_semaphore, #tpu.memory_space<semaphore_mem>>)
      %dma_wait3A_171 = arith.constant 0 : i32
      %dma_wait3A_172 = tpu.memref_slice %arg7[%add3A, %dma_wait3A_171] : memref<32x10752xi32, #tpu.memory_space<hbm>> -> memref<1x10752xi32, #tpu.memory_space<hbm>>
      %dma_wait3A_173 = tpu.memref_squeeze %dma_wait3A_172 : memref<1x10752xi32, #tpu.memory_space<hbm>> -> memref<10752xi32, #tpu.memory_space<hbm>>
      %dma_wait3A_174 = arith.constant 0 : i32
      %dma_wait3A_175 = tpu.memref_slice %arg7[%add3A, %dma_wait3A_174] : memref<32x10752xi32, #tpu.memory_space<hbm>> -> memref<1x10752xi32, #tpu.memory_space<hbm>>
      %dma_wait3A_176 = tpu.memref_squeeze %dma_wait3A_175 : memref<1x10752xi32, #tpu.memory_space<hbm>> -> memref<10752xi32, #tpu.memory_space<hbm>>
      tpu.wait_dma2 semaphore(%run_scoped3A_165 : memref<!tpu.dma_semaphore, #tpu.memory_space<semaphore_mem>>) src(%arg14 : memref<10752xi32, #tpu.memory_space<vmem>>) dst(%dma_wait3A_176 : memref<10752xi32, #tpu.memory_space<hbm>>)
      tpu.yield
    }) : () -> ()
    "tpu.region"() ({
      %run_scoped3A_165 = tpu.sem_alloc : memref<!tpu.dma_semaphore, #tpu.memory_space<semaphore_mem>>
      %dma_start3A = arith.constant 0 : i32
      %dma_start3A_166 = tpu.memref_slice %arg8[%add3A, %dma_start3A] : memref<32x10752xi32, #tpu.memory_space<hbm>> -> memref<1x10752xi32, #tpu.memory_space<hbm>>
      %dma_start3A_167 = tpu.memref_squeeze %dma_start3A_166 : memref<1x10752xi32, #tpu.memory_space<hbm>> -> memref<10752xi32, #tpu.memory_space<hbm>>
      %dma_start3A_168 = arith.constant 0 : i32
      %dma_start3A_169 = tpu.memref_slice %arg8[%add3A, %dma_start3A_168] : memref<32x10752xi32, #tpu.memory_space<hbm>> -> memref<1x10752xi32, #tpu.memory_space<hbm>>
      %dma_start3A_170 = tpu.memref_squeeze %dma_start3A_169 : memref<1x10752xi32, #tpu.memory_space<hbm>> -> memref<10752xi32, #tpu.memory_space<hbm>>
      tpu.enqueue_dma source(%arg15 : memref<10752xi32, #tpu.memory_space<vmem>>) target(%dma_start3A_170 : memref<10752xi32, #tpu.memory_space<hbm>>) target_semaphore(%run_scoped3A_165 : memref<!tpu.dma_semaphore, #tpu.memory_space<semaphore_mem>>)
      %dma_wait3A_171 = arith.constant 0 : i32
      %dma_wait3A_172 = tpu.memref_slice %arg8[%add3A, %dma_wait3A_171] : memref<32x10752xi32, #tpu.memory_space<hbm>> -> memref<1x10752xi32, #tpu.memory_space<hbm>>
      %dma_wait3A_173 = tpu.memref_squeeze %dma_wait3A_172 : memref<1x10752xi32, #tpu.memory_space<hbm>> -> memref<10752xi32, #tpu.memory_space<hbm>>
      %dma_wait3A_174 = arith.constant 0 : i32
      %dma_wait3A_175 = tpu.memref_slice %arg8[%add3A, %dma_wait3A_174] : memref<32x10752xi32, #tpu.memory_space<hbm>> -> memref<1x10752xi32, #tpu.memory_space<hbm>>
      %dma_wait3A_176 = tpu.memref_squeeze %dma_wait3A_175 : memref<1x10752xi32, #tpu.memory_space<hbm>> -> memref<10752xi32, #tpu.memory_space<hbm>>
      tpu.wait_dma2 semaphore(%run_scoped3A_165 : memref<!tpu.dma_semaphore, #tpu.memory_space<semaphore_mem>>) src(%arg15 : memref<10752xi32, #tpu.memory_space<vmem>>) dst(%dma_wait3A_176 : memref<10752xi32, #tpu.memory_space<hbm>>)
      tpu.yield
    }) : () -> ()
    "tpu.region"() ({
      %run_scoped3A_165 = tpu.sem_alloc : memref<!tpu.dma_semaphore, #tpu.memory_space<semaphore_mem>>
      %dma_start3A = arith.constant 0 : i32
      %dma_start3A_166 = tpu.memref_slice %arg9[%add3A, %dma_start3A] : memref<32x10752xi32, #tpu.memory_space<hbm>> -> memref<1x10752xi32, #tpu.memory_space<hbm>>
      %dma_start3A_167 = tpu.memref_squeeze %dma_start3A_166 : memref<1x10752xi32, #tpu.memory_space<hbm>> -> memref<10752xi32, #tpu.memory_space<hbm>>
      %dma_start3A_168 = arith.constant 0 : i32
      %dma_start3A_169 = tpu.memref_slice %arg9[%add3A, %dma_start3A_168] : memref<32x10752xi32, #tpu.memory_space<hbm>> -> memref<1x10752xi32, #tpu.memory_space<hbm>>
      %dma_start3A_170 = tpu.memref_squeeze %dma_start3A_169 : memref<1x10752xi32, #tpu.memory_space<hbm>> -> memref<10752xi32, #tpu.memory_space<hbm>>
      tpu.enqueue_dma source(%arg16 : memref<10752xi32, #tpu.memory_space<vmem>>) target(%dma_start3A_170 : memref<10752xi32, #tpu.memory_space<hbm>>) target_semaphore(%run_scoped3A_165 : memref<!tpu.dma_semaphore, #tpu.memory_space<semaphore_mem>>)
      %dma_wait3A_171 = arith.constant 0 : i32
      %dma_wait3A_172 = tpu.memref_slice %arg9[%add3A, %dma_wait3A_171] : memref<32x10752xi32, #tpu.memory_space<hbm>> -> memref<1x10752xi32, #tpu.memory_space<hbm>>
      %dma_wait3A_173 = tpu.memref_squeeze %dma_wait3A_172 : memref<1x10752xi32, #tpu.memory_space<hbm>> -> memref<10752xi32, #tpu.memory_space<hbm>>
      %dma_wait3A_174 = arith.constant 0 : i32
      %dma_wait3A_175 = tpu.memref_slice %arg9[%add3A, %dma_wait3A_174] : memref<32x10752xi32, #tpu.memory_space<hbm>> -> memref<1x10752xi32, #tpu.memory_space<hbm>>
      %dma_wait3A_176 = tpu.memref_squeeze %dma_wait3A_175 : memref<1x10752xi32, #tpu.memory_space<hbm>> -> memref<10752xi32, #tpu.memory_space<hbm>>
      tpu.wait_dma2 semaphore(%run_scoped3A_165 : memref<!tpu.dma_semaphore, #tpu.memory_space<semaphore_mem>>) src(%arg16 : memref<10752xi32, #tpu.memory_space<vmem>>) dst(%dma_wait3A_176 : memref<10752xi32, #tpu.memory_space<hbm>>)
      tpu.yield
    }) : () -> ()
    "tpu.region"() ({
      %run_scoped3A_165 = tpu.sem_alloc : memref<!tpu.dma_semaphore, #tpu.memory_space<semaphore_mem>>
      %dma_start3A = arith.constant 0 : i32
      %dma_start3A_166 = tpu.memref_slice %arg10[%add3A, %dma_start3A] : memref<32x16xi32, #tpu.memory_space<hbm>> -> memref<1x16xi32, #tpu.memory_space<hbm>>
      %dma_start3A_167 = tpu.memref_squeeze %dma_start3A_166 : memref<1x16xi32, #tpu.memory_space<hbm>> -> memref<16xi32, #tpu.memory_space<hbm>>
      %dma_start3A_168 = arith.constant 0 : i32
      %dma_start3A_169 = tpu.memref_slice %arg10[%add3A, %dma_start3A_168] : memref<32x16xi32, #tpu.memory_space<hbm>> -> memref<1x16xi32, #tpu.memory_space<hbm>>
      %dma_start3A_170 = tpu.memref_squeeze %dma_start3A_169 : memref<1x16xi32, #tpu.memory_space<hbm>> -> memref<16xi32, #tpu.memory_space<hbm>>
      tpu.enqueue_dma source(%arg17 : memref<16xi32, #tpu.memory_space<vmem>>) target(%dma_start3A_170 : memref<16xi32, #tpu.memory_space<hbm>>) target_semaphore(%run_scoped3A_165 : memref<!tpu.dma_semaphore, #tpu.memory_space<semaphore_mem>>)
      %dma_wait3A_171 = arith.constant 0 : i32
      %dma_wait3A_172 = tpu.memref_slice %arg10[%add3A, %dma_wait3A_171] : memref<32x16xi32, #tpu.memory_space<hbm>> -> memref<1x16xi32, #tpu.memory_space<hbm>>
      %dma_wait3A_173 = tpu.memref_squeeze %dma_wait3A_172 : memref<1x16xi32, #tpu.memory_space<hbm>> -> memref<16xi32, #tpu.memory_space<hbm>>
      %dma_wait3A_174 = arith.constant 0 : i32
      %dma_wait3A_175 = tpu.memref_slice %arg10[%add3A, %dma_wait3A_174] : memref<32x16xi32, #tpu.memory_space<hbm>> -> memref<1x16xi32, #tpu.memory_space<hbm>>
      %dma_wait3A_176 = tpu.memref_squeeze %dma_wait3A_175 : memref<1x16xi32, #tpu.memory_space<hbm>> -> memref<16xi32, #tpu.memory_space<hbm>>
      tpu.wait_dma2 semaphore(%run_scoped3A_165 : memref<!tpu.dma_semaphore, #tpu.memory_space<semaphore_mem>>) src(%arg17 : memref<16xi32, #tpu.memory_space<vmem>>) dst(%dma_wait3A_176 : memref<16xi32, #tpu.memory_space<hbm>>)
      tpu.yield
    }) : () -> ()
    %dma_wait3A = arith.constant 0 : i32
    %dma_wait3A_128 = arith.constant 0 : i32
    %dma_wait3A_129 = tpu.memref_slice %arg11[%dma_wait3A, %dma_wait3A_128] : memref<40x256xi32, #tpu.memory_space<vmem>> -> memref<1x256xi32, #tpu.memory_space<vmem>>
    %dma_wait3A_130 = tpu.memref_squeeze %dma_wait3A_129 : memref<1x256xi32, #tpu.memory_space<vmem>> -> memref<256xi32, #tpu.memory_space<vmem>>
    %dma_wait3A_131 = arith.constant 0 : i32
    %dma_wait3A_132 = arith.constant 0 : i32
    %dma_wait3A_133 = tpu.memref_slice %arg18[%dma_wait3A_131, %dma_wait3A_132] : memref<10240x16xf32, #tpu.memory_space<vmem_shared>> -> memref<10240x16xf32, #tpu.memory_space<vmem_shared>>
    tpu.wait_indirect_dma semaphore(%arg20 : memref<!tpu.dma_semaphore, #tpu.memory_space<semaphore_mem>>) src(%arg13 : memref<256x16xf32, #tpu.memory_space<vmem>>) dst(%dma_wait3A_133 : memref<10240x16xf32, #tpu.memory_space<vmem_shared>>)
    %dma_wait3A_134 = arith.constant 0 : i32
    %dma_wait3A_135 = arith.constant 0 : i32
    %dma_wait3A_136 = tpu.memref_slice %arg12[%dma_wait3A_134, %dma_wait3A_135] : memref<40x256xi32, #tpu.memory_space<vmem>> -> memref<1x256xi32, #tpu.memory_space<vmem>>
    %dma_wait3A_137 = tpu.memref_squeeze %dma_wait3A_136 : memref<1x256xi32, #tpu.memory_space<vmem>> -> memref<256xi32, #tpu.memory_space<vmem>>
    %dma_wait3A_138 = arith.constant 0 : i32
    %dma_wait3A_139 = arith.constant 0 : i32
    %dma_wait3A_140 = tpu.memref_slice %arg19[%dma_wait3A_138, %dma_wait3A_139] : memref<10240x16xf32, #tpu.memory_space<vmem_shared>> -> memref<10240x16xf32, #tpu.memory_space<vmem_shared>>
    tpu.wait_indirect_dma semaphore(%arg20 : memref<!tpu.dma_semaphore, #tpu.memory_space<semaphore_mem>>) src(%arg13 : memref<256x16xf32, #tpu.memory_space<vmem>>) dst(%dma_wait3A_140 : memref<10240x16xf32, #tpu.memory_space<vmem_shared>>)
    %dma_wait3A_141 = arith.constant 0 : i32
    %dma_wait3A_142 = arith.constant 0 : i32
    %dma_wait3A_143 = tpu.memref_slice %arg11[%dma_wait3A_141, %dma_wait3A_142] : memref<40x256xi32, #tpu.memory_space<vmem>> -> memref<1x256xi32, #tpu.memory_space<vmem>>
    %dma_wait3A_144 = tpu.memref_squeeze %dma_wait3A_143 : memref<1x256xi32, #tpu.memory_space<vmem>> -> memref<256xi32, #tpu.memory_space<vmem>>
    %dma_wait3A_145 = arith.constant 0 : i32
    %dma_wait3A_146 = arith.constant 0 : i32
    %dma_wait3A_147 = tpu.memref_slice %arg18[%dma_wait3A_145, %dma_wait3A_146] : memref<10240x16xf32, #tpu.memory_space<vmem_shared>> -> memref<10240x16xf32, #tpu.memory_space<vmem_shared>>
    tpu.wait_indirect_dma semaphore(%arg20 : memref<!tpu.dma_semaphore, #tpu.memory_space<semaphore_mem>>) src(%arg13 : memref<256x16xf32, #tpu.memory_space<vmem>>) dst(%dma_wait3A_147 : memref<10240x16xf32, #tpu.memory_space<vmem_shared>>)
    %dma_wait3A_148 = arith.constant 0 : i32
    %dma_wait3A_149 = arith.constant 0 : i32
    %dma_wait3A_150 = tpu.memref_slice %arg12[%dma_wait3A_148, %dma_wait3A_149] : memref<40x256xi32, #tpu.memory_space<vmem>> -> memref<1x256xi32, #tpu.memory_space<vmem>>
    %dma_wait3A_151 = tpu.memref_squeeze %dma_wait3A_150 : memref<1x256xi32, #tpu.memory_space<vmem>> -> memref<256xi32, #tpu.memory_space<vmem>>
    %dma_wait3A_152 = arith.constant 0 : i32
    %dma_wait3A_153 = arith.constant 0 : i32
    %dma_wait3A_154 = tpu.memref_slice %arg19[%dma_wait3A_152, %dma_wait3A_153] : memref<10240x16xf32, #tpu.memory_space<vmem_shared>> -> memref<10240x16xf32, #tpu.memory_space<vmem_shared>>
    tpu.wait_indirect_dma semaphore(%arg20 : memref<!tpu.dma_semaphore, #tpu.memory_space<semaphore_mem>>) src(%arg13 : memref<256x16xf32, #tpu.memory_space<vmem>>) dst(%dma_wait3A_154 : memref<10240x16xf32, #tpu.memory_space<vmem_shared>>)
    %barrier3A_155 = arith.constant 0 : index
    tpu.barrier barrier_id(%barrier3A_155)
    %mul3A_156 = arith.constant 640 : i32
    %mul3A_157 = arith.muli %arg1, %mul3A_156 : i32
    %mul3A_158 = arith.constant 640 : i32
    %mul3A_159 = arith.muli %arg1, %mul3A_158 : i32
    %run_scoped3A = arith.constant 0 : i32
    "tpu.region"() ({
      %run_scoped3A_165 = tpu.sem_alloc : memref<!tpu.dma_semaphore, #tpu.memory_space<semaphore_mem>>
      %dma_start3A = arith.constant 0 : i32
      %dma_start3A_166 = tpu.memref_slice %arg6[%arg0, %run_scoped3A, %mul3A_159, %dma_start3A] : memref<2x2x10240x16xf32, #tpu.memory_space<hbm>> -> memref<1x1x640x16xf32, #tpu.memory_space<hbm>>
      %dma_start3A_167 = tpu.memref_squeeze %dma_start3A_166 : memref<1x1x640x16xf32, #tpu.memory_space<hbm>> -> memref<640x16xf32, #tpu.memory_space<hbm>>
      %dma_start3A_168 = arith.constant 0 : i32
      %dma_start3A_169 = tpu.memref_slice %arg18[%mul3A_157, %dma_start3A_168] : memref<10240x16xf32, #tpu.memory_space<vmem_shared>> -> memref<640x16xf32, #tpu.memory_space<vmem_shared>>
      tpu.enqueue_dma source(%dma_start3A_169 : memref<640x16xf32, #tpu.memory_space<vmem_shared>>) target(%dma_start3A_167 : memref<640x16xf32, #tpu.memory_space<hbm>>) target_semaphore(%run_scoped3A_165 : memref<!tpu.dma_semaphore, #tpu.memory_space<semaphore_mem>>)
      %dma_wait3A_170 = arith.constant 0 : i32
      %dma_wait3A_171 = tpu.memref_slice %arg6[%arg0, %run_scoped3A, %mul3A_159, %dma_wait3A_170] : memref<2x2x10240x16xf32, #tpu.memory_space<hbm>> -> memref<1x1x640x16xf32, #tpu.memory_space<hbm>>
      %dma_wait3A_172 = tpu.memref_squeeze %dma_wait3A_171 : memref<1x1x640x16xf32, #tpu.memory_space<hbm>> -> memref<640x16xf32, #tpu.memory_space<hbm>>
      %dma_wait3A_173 = arith.constant 0 : i32
      %dma_wait3A_174 = tpu.memref_slice %arg18[%mul3A_157, %dma_wait3A_173] : memref<10240x16xf32, #tpu.memory_space<vmem_shared>> -> memref<640x16xf32, #tpu.memory_space<vmem_shared>>
      tpu.wait_dma2 semaphore(%run_scoped3A_165 : memref<!tpu.dma_semaphore, #tpu.memory_space<semaphore_mem>>) src(%dma_wait3A_174 : memref<640x16xf32, #tpu.memory_space<vmem_shared>>) dst(%dma_wait3A_172 : memref<640x16xf32, #tpu.memory_space<hbm>>)
      tpu.yield
    }) : () -> ()
    %mul3A_160 = arith.constant 640 : i32
    %mul3A_161 = arith.muli %arg1, %mul3A_160 : i32
    %mul3A_162 = arith.constant 640 : i32
    %mul3A_163 = arith.muli %arg1, %mul3A_162 : i32
    %run_scoped3A_164 = arith.constant 1 : i32
    "tpu.region"() ({
      %run_scoped3A_165 = tpu.sem_alloc : memref<!tpu.dma_semaphore, #tpu.memory_space<semaphore_mem>>
      %dma_start3A = arith.constant 0 : i32
      %dma_start3A_166 = tpu.memref_slice %arg6[%arg0, %run_scoped3A_164, %mul3A_163, %dma_start3A] : memref<2x2x10240x16xf32, #tpu.memory_space<hbm>> -> memref<1x1x640x16xf32, #tpu.memory_space<hbm>>
      %dma_start3A_167 = tpu.memref_squeeze %dma_start3A_166 : memref<1x1x640x16xf32, #tpu.memory_space<hbm>> -> memref<640x16xf32, #tpu.memory_space<hbm>>
      %dma_start3A_168 = arith.constant 0 : i32
      %dma_start3A_169 = tpu.memref_slice %arg19[%mul3A_161, %dma_start3A_168] : memref<10240x16xf32, #tpu.memory_space<vmem_shared>> -> memref<640x16xf32, #tpu.memory_space<vmem_shared>>
      tpu.enqueue_dma source(%dma_start3A_169 : memref<640x16xf32, #tpu.memory_space<vmem_shared>>) target(%dma_start3A_167 : memref<640x16xf32, #tpu.memory_space<hbm>>) target_semaphore(%run_scoped3A_165 : memref<!tpu.dma_semaphore, #tpu.memory_space<semaphore_mem>>)
      %dma_wait3A_170 = arith.constant 0 : i32
      %dma_wait3A_171 = tpu.memref_slice %arg6[%arg0, %run_scoped3A_164, %mul3A_163, %dma_wait3A_170] : memref<2x2x10240x16xf32, #tpu.memory_space<hbm>> -> memref<1x1x640x16xf32, #tpu.memory_space<hbm>>
      %dma_wait3A_172 = tpu.memref_squeeze %dma_wait3A_171 : memref<1x1x640x16xf32, #tpu.memory_space<hbm>> -> memref<640x16xf32, #tpu.memory_space<hbm>>
      %dma_wait3A_173 = arith.constant 0 : i32
      %dma_wait3A_174 = tpu.memref_slice %arg19[%mul3A_161, %dma_wait3A_173] : memref<10240x16xf32, #tpu.memory_space<vmem_shared>> -> memref<640x16xf32, #tpu.memory_space<vmem_shared>>
      tpu.wait_dma2 semaphore(%run_scoped3A_165 : memref<!tpu.dma_semaphore, #tpu.memory_space<semaphore_mem>>) src(%dma_wait3A_174 : memref<640x16xf32, #tpu.memory_space<vmem_shared>>) dst(%dma_wait3A_172 : memref<640x16xf32, #tpu.memory_space<hbm>>)
      tpu.yield
    }) : () -> ()
    return
  }
}

#map = affine_map<(d0, d1) -> (0, 0)>
#map1 = affine_map<(d0, d1) -> (0, 0, 0)>
module attributes {stable_mosaic.version = 14 : i64} {
  func.func @_sc_gs_entity(%arg0: i32, %arg1: i32, %arg2: memref<20480x64xf32, #tpu.memory_space<hbm>>, %arg3: memref<32x42x256xi32, #tpu.memory_space<hbm>>, %arg4: memref<32x42x256xi32, #tpu.memory_space<hbm>>, %arg5: memref<32x42x256xi32, #tpu.memory_space<hbm>>, %arg6: memref<32x16xi32, #tpu.memory_space<hbm>>, %arg7: memref<10240x64xf32, #tpu.memory_space<hbm>>, %arg8: memref<2x2000x64xf32, #tpu.memory_space<hbm>>, %arg9: memref<42x256xi32, #tpu.memory_space<vmem>>, %arg10: memref<42x256xi32, #tpu.memory_space<vmem>>, %arg11: memref<2x256x64xf32, #tpu.memory_space<vmem>>, %arg12: memref<16xi32, #tpu.memory_space<vmem>>, %arg13: memref<10240x64xf32, #tpu.memory_space<vmem_shared>>, %arg14: memref<!tpu.dma_semaphore, #tpu.memory_space<semaphore_mem>>, %arg15: memref<!tpu.dma_semaphore, #tpu.memory_space<semaphore_mem>>) attributes {dimension_semantics = [#tpu.dimension_semantics<core_parallel>, #tpu.dimension_semantics<subcore_parallel>], iteration_bounds = array<i64: 2, 16>, scalar_prefetch = 0 : i64, scratch_operands = 7 : i64, tpu.core_type = #tpu.core_type<sc_vector_subcore>, window_params = [{transform_indices = #map}, {transform_indices = #map1}, {transform_indices = #map1}, {transform_indices = #map1}, {transform_indices = #map}, {transform_indices = #map}, {transform_indices = #map1}]} {
    %jit3A = arith.constant 4 : i32
    %div3A = arith.divsi %arg1, %jit3A : i32
    %sign3A = arith.constant 0 : i32
    %sign3A_0 = arith.cmpi sgt, %arg1, %sign3A : i32
    %sign3A_1 = arith.extui %sign3A_0 : i1 to i32
    %sign3A_2 = arith.constant 0 : i32
    %sign3A_3 = arith.cmpi slt, %arg1, %sign3A_2 : i32
    %sign3A_4 = arith.extui %sign3A_3 : i1 to i32
    %sign3A_5 = arith.subi %sign3A_1, %sign3A_4 : i32
    %sign3A_6 = arith.constant 0 : i32
    %sign3A_7 = arith.cmpi sgt, %jit3A, %sign3A_6 : i32
    %sign3A_8 = arith.extui %sign3A_7 : i1 to i32
    %sign3A_9 = arith.constant 0 : i32
    %sign3A_10 = arith.cmpi slt, %jit3A, %sign3A_9 : i32
    %sign3A_11 = arith.extui %sign3A_10 : i1 to i32
    %sign3A_12 = arith.subi %sign3A_8, %sign3A_11 : i32
    %ne3A = arith.cmpi ne, %sign3A_5, %sign3A_12 : i32
    %rem3A = arith.remsi %arg1, %jit3A : i32
    %ne3A_13 = arith.constant 0 : i32
    %ne3A_14 = arith.cmpi ne, %rem3A, %ne3A_13 : i32
    %and3A = arith.andi %ne3A, %ne3A_14 : i1
    %sub3A = arith.constant 1 : i32
    %sub3A_15 = arith.subi %div3A, %sub3A : i32
    %select_n3A = arith.select %and3A, %sub3A_15, %div3A : i32
    %mul3A = arith.constant 2500 : i32
    %mul3A_16 = arith.muli %select_n3A, %mul3A : i32
    %add3A = arith.constant 1500 : i32
    %add3A_17 = arith.addi %mul3A_16, %add3A : i32
    %jit3A_18 = arith.constant 4 : i32
    %eq3A = arith.constant 0 : i32
    %eq3A_19 = arith.cmpi eq, %jit3A_18, %eq3A : i32
    %jit3A_20 = arith.constant 1 : i32
    %select_n3A_21 = arith.select %eq3A_19, %jit3A_20, %jit3A_18 : i32
    %rem3A_22 = arith.remsi %arg1, %select_n3A_21 : i32
    %ne3A_23 = arith.constant 0 : i32
    %ne3A_24 = arith.cmpi ne, %rem3A_22, %ne3A_23 : i32
    %lt3A = arith.constant 0 : i32
    %lt3A_25 = arith.cmpi slt, %rem3A_22, %lt3A : i32
    %lt3A_26 = arith.constant 0 : i32
    %lt3A_27 = arith.cmpi slt, %select_n3A_21, %lt3A_26 : i32
    %ne3A_28 = arith.xori %lt3A_25, %lt3A_27 : i1
    %and3A_29 = arith.andi %ne3A_28, %ne3A_24 : i1
    %add3A_30 = arith.addi %rem3A_22, %select_n3A_21 : i32
    %select_n3A_31 = arith.select %and3A_29, %add3A_30, %rem3A_22 : i32
    %mul3A_32 = arith.constant 125 : i32
    %mul3A_33 = arith.muli %select_n3A_31, %mul3A_32 : i32
    %add3A_34 = arith.addi %add3A_17, %mul3A_33 : i32
    "tpu.region"() ({
      %run_scoped3A = tpu.sem_alloc : memref<!tpu.dma_semaphore, #tpu.memory_space<semaphore_mem>>
      %dma_start3A = arith.constant 0 : i32
      %dma_start3A_131 = tpu.memref_slice %arg13[%add3A_34, %dma_start3A] : memref<10240x64xf32, #tpu.memory_space<vmem_shared>> -> memref<125x64xf32, #tpu.memory_space<vmem_shared>>
      %dma_start3A_132 = arith.constant 0 : i32
      %dma_start3A_133 = arith.constant 0 : i32
      %dma_start3A_134 = tpu.memref_slice %arg7[%dma_start3A_132, %dma_start3A_133] : memref<10240x64xf32, #tpu.memory_space<hbm>> -> memref<125x64xf32, #tpu.memory_space<hbm>>
      tpu.enqueue_dma source(%dma_start3A_134 : memref<125x64xf32, #tpu.memory_space<hbm>>) target(%dma_start3A_131 : memref<125x64xf32, #tpu.memory_space<vmem_shared>>) target_semaphore(%run_scoped3A : memref<!tpu.dma_semaphore, #tpu.memory_space<semaphore_mem>>)
      %dma_wait3A = arith.constant 0 : i32
      %dma_wait3A_135 = tpu.memref_slice %arg13[%add3A_34, %dma_wait3A] : memref<10240x64xf32, #tpu.memory_space<vmem_shared>> -> memref<125x64xf32, #tpu.memory_space<vmem_shared>>
      %dma_wait3A_136 = arith.constant 0 : i32
      %dma_wait3A_137 = arith.constant 0 : i32
      %dma_wait3A_138 = tpu.memref_slice %arg7[%dma_wait3A_136, %dma_wait3A_137] : memref<10240x64xf32, #tpu.memory_space<hbm>> -> memref<125x64xf32, #tpu.memory_space<hbm>>
      tpu.wait_dma2 semaphore(%run_scoped3A : memref<!tpu.dma_semaphore, #tpu.memory_space<semaphore_mem>>) src(%dma_wait3A_138 : memref<125x64xf32, #tpu.memory_space<hbm>>) dst(%dma_wait3A_135 : memref<125x64xf32, #tpu.memory_space<vmem_shared>>)
      tpu.yield
    }) : () -> ()
    %barrier3A = arith.constant 0 : index
    tpu.barrier barrier_id(%barrier3A)
    %mul3A_35 = arith.constant 2 : i32
    %mul3A_36 = arith.muli %mul3A_35, %arg1 : i32
    %add3A_37 = arith.constant 0 : i32
    %add3A_38 = arith.addi %mul3A_36, %add3A_37 : i32
    "tpu.region"() ({
      %run_scoped3A = tpu.sem_alloc : memref<!tpu.dma_semaphore, #tpu.memory_space<semaphore_mem>>
      %dma_start3A = arith.constant 0 : i32
      %dma_start3A_131 = tpu.memref_slice %arg6[%add3A_38, %dma_start3A] : memref<32x16xi32, #tpu.memory_space<hbm>> -> memref<1x16xi32, #tpu.memory_space<hbm>>
      %dma_start3A_132 = tpu.memref_squeeze %dma_start3A_131 : memref<1x16xi32, #tpu.memory_space<hbm>> -> memref<16xi32, #tpu.memory_space<hbm>>
      %dma_start3A_133 = arith.constant 0 : i32
      %dma_start3A_134 = tpu.memref_slice %arg6[%add3A_38, %dma_start3A_133] : memref<32x16xi32, #tpu.memory_space<hbm>> -> memref<1x16xi32, #tpu.memory_space<hbm>>
      %dma_start3A_135 = tpu.memref_squeeze %dma_start3A_134 : memref<1x16xi32, #tpu.memory_space<hbm>> -> memref<16xi32, #tpu.memory_space<hbm>>
      tpu.enqueue_dma source(%dma_start3A_135 : memref<16xi32, #tpu.memory_space<hbm>>) target(%arg12 : memref<16xi32, #tpu.memory_space<vmem>>) target_semaphore(%run_scoped3A : memref<!tpu.dma_semaphore, #tpu.memory_space<semaphore_mem>>)
      %dma_wait3A = arith.constant 0 : i32
      %dma_wait3A_136 = tpu.memref_slice %arg6[%add3A_38, %dma_wait3A] : memref<32x16xi32, #tpu.memory_space<hbm>> -> memref<1x16xi32, #tpu.memory_space<hbm>>
      %dma_wait3A_137 = tpu.memref_squeeze %dma_wait3A_136 : memref<1x16xi32, #tpu.memory_space<hbm>> -> memref<16xi32, #tpu.memory_space<hbm>>
      %dma_wait3A_138 = arith.constant 0 : i32
      %dma_wait3A_139 = tpu.memref_slice %arg6[%add3A_38, %dma_wait3A_138] : memref<32x16xi32, #tpu.memory_space<hbm>> -> memref<1x16xi32, #tpu.memory_space<hbm>>
      %dma_wait3A_140 = tpu.memref_squeeze %dma_wait3A_139 : memref<1x16xi32, #tpu.memory_space<hbm>> -> memref<16xi32, #tpu.memory_space<hbm>>
      tpu.wait_dma2 semaphore(%run_scoped3A : memref<!tpu.dma_semaphore, #tpu.memory_space<semaphore_mem>>) src(%dma_wait3A_140 : memref<16xi32, #tpu.memory_space<hbm>>) dst(%arg12 : memref<16xi32, #tpu.memory_space<vmem>>)
      tpu.yield
    }) : () -> ()
    %get3A = arith.constant 0 : index
    %get3A_39 = tpu.vector_load %arg12[%get3A] {strides = array<i32>} : memref<16xi32, #tpu.memory_space<vmem>>, vector<16xi32>,
    %reduce_max3A = arith.constant true
    %reduce_max3A_40 = vector.broadcast %reduce_max3A : i1 to vector<16xi1>
    %reduce_max3A_41 = arith.constant -2147483648 : i32
    %reduce_max3A_42 = vector.broadcast %reduce_max3A_41 : i32 to vector<16xi32>
    %reduce_max3A_43 = arith.xori %get3A_39, %reduce_max3A_42 : vector<16xi32>
    %reduce_max3A_44 = tpu.scan <max>, %reduce_max3A_43 masked %reduce_max3A_40 : vector<16xi32>, vector<16xi1> -> vector<16xi32>
    %reduce_max3A_45 = arith.xori %reduce_max3A_44, %reduce_max3A_42 : vector<16xi32>
    %reduce_max3A_46 = vector.extract %reduce_max3A_45[15] : i32 from vector<16xi32>
    %add3A_47 = arith.constant 512 : i32
    %add3A_48 = arith.addi %reduce_max3A_46, %add3A_47 : i32
    %sub3A_49 = arith.constant 1 : i32
    %sub3A_50 = arith.subi %add3A_48, %sub3A_49 : i32
    %jit3A_51 = arith.constant 512 : i32
    %div3A_52 = arith.divsi %sub3A_50, %jit3A_51 : i32
    %sign3A_53 = arith.constant 0 : i32
    %sign3A_54 = arith.cmpi sgt, %sub3A_50, %sign3A_53 : i32
    %sign3A_55 = arith.extui %sign3A_54 : i1 to i32
    %sign3A_56 = arith.constant 0 : i32
    %sign3A_57 = arith.cmpi slt, %sub3A_50, %sign3A_56 : i32
    %sign3A_58 = arith.extui %sign3A_57 : i1 to i32
    %sign3A_59 = arith.subi %sign3A_55, %sign3A_58 : i32
    %sign3A_60 = arith.constant 0 : i32
    %sign3A_61 = arith.cmpi sgt, %jit3A_51, %sign3A_60 : i32
    %sign3A_62 = arith.extui %sign3A_61 : i1 to i32
    %sign3A_63 = arith.constant 0 : i32
    %sign3A_64 = arith.cmpi slt, %jit3A_51, %sign3A_63 : i32
    %sign3A_65 = arith.extui %sign3A_64 : i1 to i32
    %sign3A_66 = arith.subi %sign3A_62, %sign3A_65 : i32
    %ne3A_67 = arith.cmpi ne, %sign3A_59, %sign3A_66 : i32
    %rem3A_68 = arith.remsi %sub3A_50, %jit3A_51 : i32
    %ne3A_69 = arith.constant 0 : i32
    %ne3A_70 = arith.cmpi ne, %rem3A_68, %ne3A_69 : i32
    %and3A_71 = arith.andi %ne3A_67, %ne3A_70 : i1
    %sub3A_72 = arith.constant 1 : i32
    %sub3A_73 = arith.subi %div3A_52, %sub3A_72 : i32
    %select_n3A_74 = arith.select %and3A_71, %sub3A_73, %div3A_52 : i32
    %mul3A_75 = arith.constant 2 : i32
    %mul3A_76 = arith.muli %mul3A_75, %select_n3A_74 : i32
    %gt3A = arith.constant 0 : i32
    %gt3A_77 = arith.cmpi sgt, %mul3A_76, %gt3A : i32
    %convert_element_type3A = arith.extui %gt3A_77 : i1 to i32
    %cond3A = arith.constant 0 : i32
    %cond3A_78 = arith.cmpi ne, %convert_element_type3A, %cond3A : i32
    scf.if %cond3A_78 {
      %eq3A_131 = arith.constant 0 : i32
      %eq3A_132 = arith.cmpi eq, %arg0, %eq3A_131 : i32
      %convert_element_type3A_133 = arith.extui %eq3A_132 : i1 to i32
      %cond3A_134 = arith.constant 0 : i32
      %cond3A_135 = arith.cmpi ne, %convert_element_type3A_133, %cond3A_134 : i32
      scf.if %cond3A_135 {
        "tpu.region"() ({
          %run_scoped3A = tpu.sem_alloc : memref<!tpu.dma_semaphore, #tpu.memory_space<semaphore_mem>>
          %dma_start3A_208 = arith.constant 0 : i32
          %dma_start3A_209 = arith.constant 0 : i32
          %dma_start3A_210 = tpu.memref_slice %arg3[%add3A_38, %dma_start3A_208, %dma_start3A_209] : memref<32x42x256xi32, #tpu.memory_space<hbm>> -> memref<1x42x256xi32, #tpu.memory_space<hbm>>
          %dma_start3A_211 = tpu.memref_squeeze %dma_start3A_210 : memref<1x42x256xi32, #tpu.memory_space<hbm>> -> memref<42x256xi32, #tpu.memory_space<hbm>>
          %dma_start3A_212 = arith.constant 0 : i32
          %dma_start3A_213 = arith.constant 0 : i32
          %dma_start3A_214 = tpu.memref_slice %arg3[%add3A_38, %dma_start3A_212, %dma_start3A_213] : memref<32x42x256xi32, #tpu.memory_space<hbm>> -> memref<1x42x256xi32, #tpu.memory_space<hbm>>
          %dma_start3A_215 = tpu.memref_squeeze %dma_start3A_214 : memref<1x42x256xi32, #tpu.memory_space<hbm>> -> memref<42x256xi32, #tpu.memory_space<hbm>>
          tpu.enqueue_dma source(%dma_start3A_215 : memref<42x256xi32, #tpu.memory_space<hbm>>) target(%arg9 : memref<42x256xi32, #tpu.memory_space<vmem>>) target_semaphore(%run_scoped3A : memref<!tpu.dma_semaphore, #tpu.memory_space<semaphore_mem>>)
          %dma_wait3A_216 = arith.constant 0 : i32
          %dma_wait3A_217 = arith.constant 0 : i32
          %dma_wait3A_218 = tpu.memref_slice %arg3[%add3A_38, %dma_wait3A_216, %dma_wait3A_217] : memref<32x42x256xi32, #tpu.memory_space<hbm>> -> memref<1x42x256xi32, #tpu.memory_space<hbm>>
          %dma_wait3A_219 = tpu.memref_squeeze %dma_wait3A_218 : memref<1x42x256xi32, #tpu.memory_space<hbm>> -> memref<42x256xi32, #tpu.memory_space<hbm>>
          %dma_wait3A_220 = arith.constant 0 : i32
          %dma_wait3A_221 = arith.constant 0 : i32
          %dma_wait3A_222 = tpu.memref_slice %arg3[%add3A_38, %dma_wait3A_220, %dma_wait3A_221] : memref<32x42x256xi32, #tpu.memory_space<hbm>> -> memref<1x42x256xi32, #tpu.memory_space<hbm>>
          %dma_wait3A_223 = tpu.memref_squeeze %dma_wait3A_222 : memref<1x42x256xi32, #tpu.memory_space<hbm>> -> memref<42x256xi32, #tpu.memory_space<hbm>>
          tpu.wait_dma2 semaphore(%run_scoped3A : memref<!tpu.dma_semaphore, #tpu.memory_space<semaphore_mem>>) src(%dma_wait3A_223 : memref<42x256xi32, #tpu.memory_space<hbm>>) dst(%arg9 : memref<42x256xi32, #tpu.memory_space<vmem>>)
          tpu.yield
        }) : () -> ()
      } else {
      }
      %eq3A_136 = arith.constant 1 : i32
      %eq3A_137 = arith.cmpi eq, %arg0, %eq3A_136 : i32
      %convert_element_type3A_138 = arith.extui %eq3A_137 : i1 to i32
      %cond3A_139 = arith.constant 0 : i32
      %cond3A_140 = arith.cmpi ne, %convert_element_type3A_138, %cond3A_139 : i32
      scf.if %cond3A_140 {
        "tpu.region"() ({
          %run_scoped3A = tpu.sem_alloc : memref<!tpu.dma_semaphore, #tpu.memory_space<semaphore_mem>>
          %dma_start3A_208 = arith.constant 0 : i32
          %dma_start3A_209 = arith.constant 0 : i32
          %dma_start3A_210 = tpu.memref_slice %arg4[%add3A_38, %dma_start3A_208, %dma_start3A_209] : memref<32x42x256xi32, #tpu.memory_space<hbm>> -> memref<1x42x256xi32, #tpu.memory_space<hbm>>
          %dma_start3A_211 = tpu.memref_squeeze %dma_start3A_210 : memref<1x42x256xi32, #tpu.memory_space<hbm>> -> memref<42x256xi32, #tpu.memory_space<hbm>>
          %dma_start3A_212 = arith.constant 0 : i32
          %dma_start3A_213 = arith.constant 0 : i32
          %dma_start3A_214 = tpu.memref_slice %arg4[%add3A_38, %dma_start3A_212, %dma_start3A_213] : memref<32x42x256xi32, #tpu.memory_space<hbm>> -> memref<1x42x256xi32, #tpu.memory_space<hbm>>
          %dma_start3A_215 = tpu.memref_squeeze %dma_start3A_214 : memref<1x42x256xi32, #tpu.memory_space<hbm>> -> memref<42x256xi32, #tpu.memory_space<hbm>>
          tpu.enqueue_dma source(%dma_start3A_215 : memref<42x256xi32, #tpu.memory_space<hbm>>) target(%arg9 : memref<42x256xi32, #tpu.memory_space<vmem>>) target_semaphore(%run_scoped3A : memref<!tpu.dma_semaphore, #tpu.memory_space<semaphore_mem>>)
          %dma_wait3A_216 = arith.constant 0 : i32
          %dma_wait3A_217 = arith.constant 0 : i32
          %dma_wait3A_218 = tpu.memref_slice %arg4[%add3A_38, %dma_wait3A_216, %dma_wait3A_217] : memref<32x42x256xi32, #tpu.memory_space<hbm>> -> memref<1x42x256xi32, #tpu.memory_space<hbm>>
          %dma_wait3A_219 = tpu.memref_squeeze %dma_wait3A_218 : memref<1x42x256xi32, #tpu.memory_space<hbm>> -> memref<42x256xi32, #tpu.memory_space<hbm>>
          %dma_wait3A_220 = arith.constant 0 : i32
          %dma_wait3A_221 = arith.constant 0 : i32
          %dma_wait3A_222 = tpu.memref_slice %arg4[%add3A_38, %dma_wait3A_220, %dma_wait3A_221] : memref<32x42x256xi32, #tpu.memory_space<hbm>> -> memref<1x42x256xi32, #tpu.memory_space<hbm>>
          %dma_wait3A_223 = tpu.memref_squeeze %dma_wait3A_222 : memref<1x42x256xi32, #tpu.memory_space<hbm>> -> memref<42x256xi32, #tpu.memory_space<hbm>>
          tpu.wait_dma2 semaphore(%run_scoped3A : memref<!tpu.dma_semaphore, #tpu.memory_space<semaphore_mem>>) src(%dma_wait3A_223 : memref<42x256xi32, #tpu.memory_space<hbm>>) dst(%arg9 : memref<42x256xi32, #tpu.memory_space<vmem>>)
          tpu.yield
        }) : () -> ()
      } else {
      }
      "tpu.region"() ({
        %run_scoped3A = tpu.sem_alloc : memref<!tpu.dma_semaphore, #tpu.memory_space<semaphore_mem>>
        %dma_start3A_208 = arith.constant 0 : i32
        %dma_start3A_209 = arith.constant 0 : i32
        %dma_start3A_210 = tpu.memref_slice %arg5[%add3A_38, %dma_start3A_208, %dma_start3A_209] : memref<32x42x256xi32, #tpu.memory_space<hbm>> -> memref<1x42x256xi32, #tpu.memory_space<hbm>>
        %dma_start3A_211 = tpu.memref_squeeze %dma_start3A_210 : memref<1x42x256xi32, #tpu.memory_space<hbm>> -> memref<42x256xi32, #tpu.memory_space<hbm>>
        %dma_start3A_212 = arith.constant 0 : i32
        %dma_start3A_213 = arith.constant 0 : i32
        %dma_start3A_214 = tpu.memref_slice %arg5[%add3A_38, %dma_start3A_212, %dma_start3A_213] : memref<32x42x256xi32, #tpu.memory_space<hbm>> -> memref<1x42x256xi32, #tpu.memory_space<hbm>>
        %dma_start3A_215 = tpu.memref_squeeze %dma_start3A_214 : memref<1x42x256xi32, #tpu.memory_space<hbm>> -> memref<42x256xi32, #tpu.memory_space<hbm>>
        tpu.enqueue_dma source(%dma_start3A_215 : memref<42x256xi32, #tpu.memory_space<hbm>>) target(%arg10 : memref<42x256xi32, #tpu.memory_space<vmem>>) target_semaphore(%run_scoped3A : memref<!tpu.dma_semaphore, #tpu.memory_space<semaphore_mem>>)
        %dma_wait3A_216 = arith.constant 0 : i32
        %dma_wait3A_217 = arith.constant 0 : i32
        %dma_wait3A_218 = tpu.memref_slice %arg5[%add3A_38, %dma_wait3A_216, %dma_wait3A_217] : memref<32x42x256xi32, #tpu.memory_space<hbm>> -> memref<1x42x256xi32, #tpu.memory_space<hbm>>
        %dma_wait3A_219 = tpu.memref_squeeze %dma_wait3A_218 : memref<1x42x256xi32, #tpu.memory_space<hbm>> -> memref<42x256xi32, #tpu.memory_space<hbm>>
        %dma_wait3A_220 = arith.constant 0 : i32
        %dma_wait3A_221 = arith.constant 0 : i32
        %dma_wait3A_222 = tpu.memref_slice %arg5[%add3A_38, %dma_wait3A_220, %dma_wait3A_221] : memref<32x42x256xi32, #tpu.memory_space<hbm>> -> memref<1x42x256xi32, #tpu.memory_space<hbm>>
        %dma_wait3A_223 = tpu.memref_squeeze %dma_wait3A_222 : memref<1x42x256xi32, #tpu.memory_space<hbm>> -> memref<42x256xi32, #tpu.memory_space<hbm>>
        tpu.wait_dma2 semaphore(%run_scoped3A : memref<!tpu.dma_semaphore, #tpu.memory_space<semaphore_mem>>) src(%dma_wait3A_223 : memref<42x256xi32, #tpu.memory_space<hbm>>) dst(%arg10 : memref<42x256xi32, #tpu.memory_space<vmem>>)
        tpu.yield
      }) : () -> ()
      %dma_start3A = arith.constant 0 : i32
      %dma_start3A_141 = arith.constant 0 : i32
      %dma_start3A_142 = arith.constant 0 : i32
      %dma_start3A_143 = arith.constant 0 : i32
      %dma_start3A_144 = tpu.memref_slice %arg11[%dma_start3A_141, %dma_start3A_142, %dma_start3A_143] : memref<2x256x64xf32, #tpu.memory_space<vmem>> -> memref<1x256x64xf32, #tpu.memory_space<vmem>>
      %dma_start3A_145 = tpu.memref_squeeze %dma_start3A_144 : memref<1x256x64xf32, #tpu.memory_space<vmem>> -> memref<256x64xf32, #tpu.memory_space<vmem>>
      %dma_start3A_146 = arith.constant 0 : i32
      %dma_start3A_147 = tpu.memref_slice %arg9[%dma_start3A, %dma_start3A_146] : memref<42x256xi32, #tpu.memory_space<vmem>> -> memref<1x256xi32, #tpu.memory_space<vmem>>
      %dma_start3A_148 = tpu.memref_squeeze %dma_start3A_147 : memref<1x256xi32, #tpu.memory_space<vmem>> -> memref<256xi32, #tpu.memory_space<vmem>>
      %dma_start3A_149 = arith.constant 0 : i32
      %dma_start3A_150 = arith.constant 0 : i32
      %dma_start3A_151 = tpu.memref_slice %arg2[%dma_start3A_149, %dma_start3A_150] : memref<20480x64xf32, #tpu.memory_space<hbm>> -> memref<20480x64xf32, #tpu.memory_space<hbm>>
      tpu.enqueue_indirect_dma source(%dma_start3A_151 : memref<20480x64xf32, #tpu.memory_space<hbm>>) target(%dma_start3A_145 : memref<256x64xf32, #tpu.memory_space<vmem>>) offsets(%dma_start3A_148 : memref<256xi32, #tpu.memory_space<vmem>>) semaphore(%arg14 : memref<!tpu.dma_semaphore, #tpu.memory_space<semaphore_mem>>)
      %jit3A_152 = arith.constant 2 : i32
      %div3A_153 = arith.divsi %mul3A_76, %jit3A_152 : i32
      %sign3A_154 = arith.constant 0 : i32
      %sign3A_155 = arith.cmpi sgt, %mul3A_76, %sign3A_154 : i32
      %sign3A_156 = arith.extui %sign3A_155 : i1 to i32
      %sign3A_157 = arith.constant 0 : i32
      %sign3A_158 = arith.cmpi slt, %mul3A_76, %sign3A_157 : i32
      %sign3A_159 = arith.extui %sign3A_158 : i1 to i32
      %sign3A_160 = arith.subi %sign3A_156, %sign3A_159 : i32
      %sign3A_161 = arith.constant 0 : i32
      %sign3A_162 = arith.cmpi sgt, %jit3A_152, %sign3A_161 : i32
      %sign3A_163 = arith.extui %sign3A_162 : i1 to i32
      %sign3A_164 = arith.constant 0 : i32
      %sign3A_165 = arith.cmpi slt, %jit3A_152, %sign3A_164 : i32
      %sign3A_166 = arith.extui %sign3A_165 : i1 to i32
      %sign3A_167 = arith.subi %sign3A_163, %sign3A_166 : i32
      %ne3A_168 = arith.cmpi ne, %sign3A_160, %sign3A_167 : i32
      %rem3A_169 = arith.remsi %mul3A_76, %jit3A_152 : i32
      %ne3A_170 = arith.constant 0 : i32
      %ne3A_171 = arith.cmpi ne, %rem3A_169, %ne3A_170 : i32
      %and3A_172 = arith.andi %ne3A_168, %ne3A_171 : i1
      %sub3A_173 = arith.constant 1 : i32
      %sub3A_174 = arith.subi %div3A_153, %sub3A_173 : i32
      %select_n3A_175 = arith.select %and3A_172, %sub3A_174, %div3A_153 : i32
      %while3A = arith.constant 0 : i32
      %while3A_176 = arith.constant 0 : i32
      %while3A_177 = arith.subi %select_n3A_175, %while3A_176 : i32
      %while3A_178 = arith.addi %while3A_176, %while3A_177 : i32
      %while3A_179 = arith.constant 1 : i32
      %while3A_180 = arith.divsi %while3A_177, %while3A_179 : i32
      %while3A_181 = arith.muli %while3A_180, %while3A_179 : i32
      %while3A_182 = arith.addi %while3A_176, %while3A_181 : i32
      %while3A_183 = arith.constant 1 : i32
      scf.for %while3A_208 = %while3A_176 to %while3A_182 step %while3A_183  : i32 {
        %mul3A_209 = arith.constant 2 : i32
        %mul3A_210 = arith.muli %mul3A_209, %while3A_208 : i32
        %add3A_211 = arith.constant 0 : i32
        %add3A_212 = arith.addi %mul3A_210, %add3A_211 : i32
        %dma_wait3A_213 = arith.constant 0 : i32
        %dma_wait3A_214 = arith.constant 0 : i32
        %dma_wait3A_215 = arith.constant 0 : i32
        %dma_wait3A_216 = tpu.memref_slice %arg11[%dma_wait3A_213, %dma_wait3A_214, %dma_wait3A_215] : memref<2x256x64xf32, #tpu.memory_space<vmem>> -> memref<1x256x64xf32, #tpu.memory_space<vmem>>
        %dma_wait3A_217 = tpu.memref_squeeze %dma_wait3A_216 : memref<1x256x64xf32, #tpu.memory_space<vmem>> -> memref<256x64xf32, #tpu.memory_space<vmem>>
        %dma_wait3A_218 = arith.constant 0 : i32
        %dma_wait3A_219 = tpu.memref_slice %arg9[%add3A_212, %dma_wait3A_218] : memref<42x256xi32, #tpu.memory_space<vmem>> -> memref<1x256xi32, #tpu.memory_space<vmem>>
        %dma_wait3A_220 = tpu.memref_squeeze %dma_wait3A_219 : memref<1x256xi32, #tpu.memory_space<vmem>> -> memref<256xi32, #tpu.memory_space<vmem>>
        %dma_wait3A_221 = arith.constant 0 : i32
        %dma_wait3A_222 = arith.constant 0 : i32
        %dma_wait3A_223 = tpu.memref_slice %arg2[%dma_wait3A_221, %dma_wait3A_222] : memref<20480x64xf32, #tpu.memory_space<hbm>> -> memref<20480x64xf32, #tpu.memory_space<hbm>>
        tpu.wait_indirect_dma semaphore(%arg14 : memref<!tpu.dma_semaphore, #tpu.memory_space<semaphore_mem>>) src(%dma_wait3A_223 : memref<20480x64xf32, #tpu.memory_space<hbm>>) dst(%dma_wait3A_217 : memref<256x64xf32, #tpu.memory_space<vmem>>)
        %add3A_224 = arith.constant 1 : i32
        %add3A_225 = arith.addi %add3A_212, %add3A_224 : i32
        %lt3A_226 = arith.cmpi slt, %add3A_225, %mul3A_76 : i32
        %convert_element_type3A_227 = arith.extui %lt3A_226 : i1 to i32
        %cond3A_228 = arith.constant 0 : i32
        %cond3A_229 = arith.cmpi ne, %convert_element_type3A_227, %cond3A_228 : i32
        scf.if %cond3A_229 {
          %ge3A = arith.constant 1 : i32
          %ge3A_273 = arith.cmpi sge, %add3A_212, %ge3A : i32
          %convert_element_type3A_274 = arith.extui %ge3A_273 : i1 to i32
          %cond3A_275 = arith.constant 0 : i32
          %cond3A_276 = arith.cmpi ne, %convert_element_type3A_274, %cond3A_275 : i32
          scf.if %cond3A_276 {
            %dma_wait3A_290 = arith.constant 1 : i32
            %dma_wait3A_291 = arith.constant 0 : i32
            %dma_wait3A_292 = arith.constant 0 : i32
            %dma_wait3A_293 = arith.constant 0 : i32
            %dma_wait3A_294 = tpu.memref_slice %arg11[%dma_wait3A_290, %dma_wait3A_292, %dma_wait3A_293] : memref<2x256x64xf32, #tpu.memory_space<vmem>> -> memref<1x256x64xf32, #tpu.memory_space<vmem>>
            %dma_wait3A_295 = tpu.memref_squeeze %dma_wait3A_294 : memref<1x256x64xf32, #tpu.memory_space<vmem>> -> memref<256x64xf32, #tpu.memory_space<vmem>>
            %dma_wait3A_296 = arith.constant 0 : i32
            %dma_wait3A_297 = tpu.memref_slice %arg10[%dma_wait3A_291, %dma_wait3A_296] : memref<42x256xi32, #tpu.memory_space<vmem>> -> memref<1x256xi32, #tpu.memory_space<vmem>>
            %dma_wait3A_298 = tpu.memref_squeeze %dma_wait3A_297 : memref<1x256xi32, #tpu.memory_space<vmem>> -> memref<256xi32, #tpu.memory_space<vmem>>
            %dma_wait3A_299 = arith.constant 0 : i32
            %dma_wait3A_300 = arith.constant 0 : i32
            %dma_wait3A_301 = tpu.memref_slice %arg13[%dma_wait3A_299, %dma_wait3A_300] : memref<10240x64xf32, #tpu.memory_space<vmem_shared>> -> memref<10240x64xf32, #tpu.memory_space<vmem_shared>>
            tpu.wait_indirect_dma semaphore(%arg15 : memref<!tpu.dma_semaphore, #tpu.memory_space<semaphore_mem>>) src(%dma_wait3A_295 : memref<256x64xf32, #tpu.memory_space<vmem>>) dst(%dma_wait3A_301 : memref<10240x64xf32, #tpu.memory_space<vmem_shared>>)
          } else {
          }
          %add3A_277 = arith.constant 1 : i32
          %add3A_278 = arith.addi %add3A_212, %add3A_277 : i32
          %dma_start3A_279 = arith.constant 1 : i32
          %dma_start3A_280 = arith.constant 0 : i32
          %dma_start3A_281 = arith.constant 0 : i32
          %dma_start3A_282 = tpu.memref_slice %arg11[%dma_start3A_279, %dma_start3A_280, %dma_start3A_281] : memref<2x256x64xf32, #tpu.memory_space<vmem>> -> memref<1x256x64xf32, #tpu.memory_space<vmem>>
          %dma_start3A_283 = tpu.memref_squeeze %dma_start3A_282 : memref<1x256x64xf32, #tpu.memory_space<vmem>> -> memref<256x64xf32, #tpu.memory_space<vmem>>
          %dma_start3A_284 = arith.constant 0 : i32
          %dma_start3A_285 = tpu.memref_slice %arg9[%add3A_278, %dma_start3A_284] : memref<42x256xi32, #tpu.memory_space<vmem>> -> memref<1x256xi32, #tpu.memory_space<vmem>>
          %dma_start3A_286 = tpu.memref_squeeze %dma_start3A_285 : memref<1x256xi32, #tpu.memory_space<vmem>> -> memref<256xi32, #tpu.memory_space<vmem>>
          %dma_start3A_287 = arith.constant 0 : i32
          %dma_start3A_288 = arith.constant 0 : i32
          %dma_start3A_289 = tpu.memref_slice %arg2[%dma_start3A_287, %dma_start3A_288] : memref<20480x64xf32, #tpu.memory_space<hbm>> -> memref<20480x64xf32, #tpu.memory_space<hbm>>
          tpu.enqueue_indirect_dma source(%dma_start3A_289 : memref<20480x64xf32, #tpu.memory_space<hbm>>) target(%dma_start3A_283 : memref<256x64xf32, #tpu.memory_space<vmem>>) offsets(%dma_start3A_286 : memref<256xi32, #tpu.memory_space<vmem>>) semaphore(%arg14 : memref<!tpu.dma_semaphore, #tpu.memory_space<semaphore_mem>>)
        } else {
        }
        %dma_start3A_230 = arith.constant 0 : i32
        %dma_start3A_231 = arith.constant 0 : i32
        %dma_start3A_232 = arith.constant 0 : i32
        %dma_start3A_233 = tpu.memref_slice %arg11[%dma_start3A_230, %dma_start3A_231, %dma_start3A_232] : memref<2x256x64xf32, #tpu.memory_space<vmem>> -> memref<1x256x64xf32, #tpu.memory_space<vmem>>
        %dma_start3A_234 = tpu.memref_squeeze %dma_start3A_233 : memref<1x256x64xf32, #tpu.memory_space<vmem>> -> memref<256x64xf32, #tpu.memory_space<vmem>>
        %dma_start3A_235 = arith.constant 0 : i32
        %dma_start3A_236 = tpu.memref_slice %arg10[%add3A_212, %dma_start3A_235] : memref<42x256xi32, #tpu.memory_space<vmem>> -> memref<1x256xi32, #tpu.memory_space<vmem>>
        %dma_start3A_237 = tpu.memref_squeeze %dma_start3A_236 : memref<1x256xi32, #tpu.memory_space<vmem>> -> memref<256xi32, #tpu.memory_space<vmem>>
        %dma_start3A_238 = arith.constant 0 : i32
        %dma_start3A_239 = arith.constant 0 : i32
        %dma_start3A_240 = tpu.memref_slice %arg13[%dma_start3A_238, %dma_start3A_239] : memref<10240x64xf32, #tpu.memory_space<vmem_shared>> -> memref<10240x64xf32, #tpu.memory_space<vmem_shared>>
        tpu.enqueue_indirect_dma source(%dma_start3A_234 : memref<256x64xf32, #tpu.memory_space<vmem>>) target(%dma_start3A_240 : memref<10240x64xf32, #tpu.memory_space<vmem_shared>>) offsets(%dma_start3A_237 : memref<256xi32, #tpu.memory_space<vmem>>) semaphore(%arg15 : memref<!tpu.dma_semaphore, #tpu.memory_space<semaphore_mem>>) {add = true}
        %mul3A_241 = arith.constant 2 : i32
        %mul3A_242 = arith.muli %mul3A_241, %while3A_208 : i32
        %add3A_243 = arith.constant 1 : i32
        %add3A_244 = arith.addi %mul3A_242, %add3A_243 : i32
        %dma_wait3A_245 = arith.constant 1 : i32
        %dma_wait3A_246 = arith.constant 0 : i32
        %dma_wait3A_247 = arith.constant 0 : i32
        %dma_wait3A_248 = tpu.memref_slice %arg11[%dma_wait3A_245, %dma_wait3A_246, %dma_wait3A_247] : memref<2x256x64xf32, #tpu.memory_space<vmem>> -> memref<1x256x64xf32, #tpu.memory_space<vmem>>
        %dma_wait3A_249 = tpu.memref_squeeze %dma_wait3A_248 : memref<1x256x64xf32, #tpu.memory_space<vmem>> -> memref<256x64xf32, #tpu.memory_space<vmem>>
        %dma_wait3A_250 = arith.constant 0 : i32
        %dma_wait3A_251 = tpu.memref_slice %arg9[%add3A_244, %dma_wait3A_250] : memref<42x256xi32, #tpu.memory_space<vmem>> -> memref<1x256xi32, #tpu.memory_space<vmem>>
        %dma_wait3A_252 = tpu.memref_squeeze %dma_wait3A_251 : memref<1x256xi32, #tpu.memory_space<vmem>> -> memref<256xi32, #tpu.memory_space<vmem>>
        %dma_wait3A_253 = arith.constant 0 : i32
        %dma_wait3A_254 = arith.constant 0 : i32
        %dma_wait3A_255 = tpu.memref_slice %arg2[%dma_wait3A_253, %dma_wait3A_254] : memref<20480x64xf32, #tpu.memory_space<hbm>> -> memref<20480x64xf32, #tpu.memory_space<hbm>>
        tpu.wait_indirect_dma semaphore(%arg14 : memref<!tpu.dma_semaphore, #tpu.memory_space<semaphore_mem>>) src(%dma_wait3A_255 : memref<20480x64xf32, #tpu.memory_space<hbm>>) dst(%dma_wait3A_249 : memref<256x64xf32, #tpu.memory_space<vmem>>)
        %add3A_256 = arith.constant 1 : i32
        %add3A_257 = arith.addi %add3A_244, %add3A_256 : i32
        %lt3A_258 = arith.cmpi slt, %add3A_257, %mul3A_76 : i32
        %convert_element_type3A_259 = arith.extui %lt3A_258 : i1 to i32
        %cond3A_260 = arith.constant 0 : i32
        %cond3A_261 = arith.cmpi ne, %convert_element_type3A_259, %cond3A_260 : i32
        scf.if %cond3A_261 {
          %ge3A = arith.constant 1 : i32
          %ge3A_273 = arith.cmpi sge, %add3A_244, %ge3A : i32
          %convert_element_type3A_274 = arith.extui %ge3A_273 : i1 to i32
          %cond3A_275 = arith.constant 0 : i32
          %cond3A_276 = arith.cmpi ne, %convert_element_type3A_274, %cond3A_275 : i32
          scf.if %cond3A_276 {
            %dma_wait3A_290 = arith.constant 0 : i32
            %dma_wait3A_291 = arith.constant 0 : i32
            %dma_wait3A_292 = arith.constant 0 : i32
            %dma_wait3A_293 = arith.constant 0 : i32
            %dma_wait3A_294 = tpu.memref_slice %arg11[%dma_wait3A_290, %dma_wait3A_292, %dma_wait3A_293] : memref<2x256x64xf32, #tpu.memory_space<vmem>> -> memref<1x256x64xf32, #tpu.memory_space<vmem>>
            %dma_wait3A_295 = tpu.memref_squeeze %dma_wait3A_294 : memref<1x256x64xf32, #tpu.memory_space<vmem>> -> memref<256x64xf32, #tpu.memory_space<vmem>>
            %dma_wait3A_296 = arith.constant 0 : i32
            %dma_wait3A_297 = tpu.memref_slice %arg10[%dma_wait3A_291, %dma_wait3A_296] : memref<42x256xi32, #tpu.memory_space<vmem>> -> memref<1x256xi32, #tpu.memory_space<vmem>>
            %dma_wait3A_298 = tpu.memref_squeeze %dma_wait3A_297 : memref<1x256xi32, #tpu.memory_space<vmem>> -> memref<256xi32, #tpu.memory_space<vmem>>
            %dma_wait3A_299 = arith.constant 0 : i32
            %dma_wait3A_300 = arith.constant 0 : i32
            %dma_wait3A_301 = tpu.memref_slice %arg13[%dma_wait3A_299, %dma_wait3A_300] : memref<10240x64xf32, #tpu.memory_space<vmem_shared>> -> memref<10240x64xf32, #tpu.memory_space<vmem_shared>>
            tpu.wait_indirect_dma semaphore(%arg15 : memref<!tpu.dma_semaphore, #tpu.memory_space<semaphore_mem>>) src(%dma_wait3A_295 : memref<256x64xf32, #tpu.memory_space<vmem>>) dst(%dma_wait3A_301 : memref<10240x64xf32, #tpu.memory_space<vmem_shared>>)
          } else {
          }
          %add3A_277 = arith.constant 1 : i32
          %add3A_278 = arith.addi %add3A_244, %add3A_277 : i32
          %dma_start3A_279 = arith.constant 0 : i32
          %dma_start3A_280 = arith.constant 0 : i32
          %dma_start3A_281 = arith.constant 0 : i32
          %dma_start3A_282 = tpu.memref_slice %arg11[%dma_start3A_279, %dma_start3A_280, %dma_start3A_281] : memref<2x256x64xf32, #tpu.memory_space<vmem>> -> memref<1x256x64xf32, #tpu.memory_space<vmem>>
          %dma_start3A_283 = tpu.memref_squeeze %dma_start3A_282 : memref<1x256x64xf32, #tpu.memory_space<vmem>> -> memref<256x64xf32, #tpu.memory_space<vmem>>
          %dma_start3A_284 = arith.constant 0 : i32
          %dma_start3A_285 = tpu.memref_slice %arg9[%add3A_278, %dma_start3A_284] : memref<42x256xi32, #tpu.memory_space<vmem>> -> memref<1x256xi32, #tpu.memory_space<vmem>>
          %dma_start3A_286 = tpu.memref_squeeze %dma_start3A_285 : memref<1x256xi32, #tpu.memory_space<vmem>> -> memref<256xi32, #tpu.memory_space<vmem>>
          %dma_start3A_287 = arith.constant 0 : i32
          %dma_start3A_288 = arith.constant 0 : i32
          %dma_start3A_289 = tpu.memref_slice %arg2[%dma_start3A_287, %dma_start3A_288] : memref<20480x64xf32, #tpu.memory_space<hbm>> -> memref<20480x64xf32, #tpu.memory_space<hbm>>
          tpu.enqueue_indirect_dma source(%dma_start3A_289 : memref<20480x64xf32, #tpu.memory_space<hbm>>) target(%dma_start3A_283 : memref<256x64xf32, #tpu.memory_space<vmem>>) offsets(%dma_start3A_286 : memref<256xi32, #tpu.memory_space<vmem>>) semaphore(%arg14 : memref<!tpu.dma_semaphore, #tpu.memory_space<semaphore_mem>>)
        } else {
        }
        %dma_start3A_262 = arith.constant 1 : i32
        %dma_start3A_263 = arith.constant 0 : i32
        %dma_start3A_264 = arith.constant 0 : i32
        %dma_start3A_265 = tpu.memref_slice %arg11[%dma_start3A_262, %dma_start3A_263, %dma_start3A_264] : memref<2x256x64xf32, #tpu.memory_space<vmem>> -> memref<1x256x64xf32, #tpu.memory_space<vmem>>
        %dma_start3A_266 = tpu.memref_squeeze %dma_start3A_265 : memref<1x256x64xf32, #tpu.memory_space<vmem>> -> memref<256x64xf32, #tpu.memory_space<vmem>>
        %dma_start3A_267 = arith.constant 0 : i32
        %dma_start3A_268 = tpu.memref_slice %arg10[%add3A_244, %dma_start3A_267] : memref<42x256xi32, #tpu.memory_space<vmem>> -> memref<1x256xi32, #tpu.memory_space<vmem>>
        %dma_start3A_269 = tpu.memref_squeeze %dma_start3A_268 : memref<1x256xi32, #tpu.memory_space<vmem>> -> memref<256xi32, #tpu.memory_space<vmem>>
        %dma_start3A_270 = arith.constant 0 : i32
        %dma_start3A_271 = arith.constant 0 : i32
        %dma_start3A_272 = tpu.memref_slice %arg13[%dma_start3A_270, %dma_start3A_271] : memref<10240x64xf32, #tpu.memory_space<vmem_shared>> -> memref<10240x64xf32, #tpu.memory_space<vmem_shared>>
        tpu.enqueue_indirect_dma source(%dma_start3A_266 : memref<256x64xf32, #tpu.memory_space<vmem>>) target(%dma_start3A_272 : memref<10240x64xf32, #tpu.memory_space<vmem_shared>>) offsets(%dma_start3A_269 : memref<256xi32, #tpu.memory_space<vmem>>) semaphore(%arg15 : memref<!tpu.dma_semaphore, #tpu.memory_space<semaphore_mem>>) {add = true}
      }
      %while3A_184 = arith.constant 1 : i32
      scf.for %while3A_208 = %while3A_182 to %while3A_178 step %while3A_184  : i32 {
        %mul3A_209 = arith.constant 2 : i32
        %mul3A_210 = arith.muli %mul3A_209, %while3A_208 : i32
        %add3A_211 = arith.constant 0 : i32
        %add3A_212 = arith.addi %mul3A_210, %add3A_211 : i32
        %dma_wait3A_213 = arith.constant 0 : i32
        %dma_wait3A_214 = arith.constant 0 : i32
        %dma_wait3A_215 = arith.constant 0 : i32
        %dma_wait3A_216 = tpu.memref_slice %arg11[%dma_wait3A_213, %dma_wait3A_214, %dma_wait3A_215] : memref<2x256x64xf32, #tpu.memory_space<vmem>> -> memref<1x256x64xf32, #tpu.memory_space<vmem>>
        %dma_wait3A_217 = tpu.memref_squeeze %dma_wait3A_216 : memref<1x256x64xf32, #tpu.memory_space<vmem>> -> memref<256x64xf32, #tpu.memory_space<vmem>>
        %dma_wait3A_218 = arith.constant 0 : i32
        %dma_wait3A_219 = tpu.memref_slice %arg9[%add3A_212, %dma_wait3A_218] : memref<42x256xi32, #tpu.memory_space<vmem>> -> memref<1x256xi32, #tpu.memory_space<vmem>>
        %dma_wait3A_220 = tpu.memref_squeeze %dma_wait3A_219 : memref<1x256xi32, #tpu.memory_space<vmem>> -> memref<256xi32, #tpu.memory_space<vmem>>
        %dma_wait3A_221 = arith.constant 0 : i32
        %dma_wait3A_222 = arith.constant 0 : i32
        %dma_wait3A_223 = tpu.memref_slice %arg2[%dma_wait3A_221, %dma_wait3A_222] : memref<20480x64xf32, #tpu.memory_space<hbm>> -> memref<20480x64xf32, #tpu.memory_space<hbm>>
        tpu.wait_indirect_dma semaphore(%arg14 : memref<!tpu.dma_semaphore, #tpu.memory_space<semaphore_mem>>) src(%dma_wait3A_223 : memref<20480x64xf32, #tpu.memory_space<hbm>>) dst(%dma_wait3A_217 : memref<256x64xf32, #tpu.memory_space<vmem>>)
        %add3A_224 = arith.constant 1 : i32
        %add3A_225 = arith.addi %add3A_212, %add3A_224 : i32
        %lt3A_226 = arith.cmpi slt, %add3A_225, %mul3A_76 : i32
        %convert_element_type3A_227 = arith.extui %lt3A_226 : i1 to i32
        %cond3A_228 = arith.constant 0 : i32
        %cond3A_229 = arith.cmpi ne, %convert_element_type3A_227, %cond3A_228 : i32
        scf.if %cond3A_229 {
          %ge3A = arith.constant 1 : i32
          %ge3A_273 = arith.cmpi sge, %add3A_212, %ge3A : i32
          %convert_element_type3A_274 = arith.extui %ge3A_273 : i1 to i32
          %cond3A_275 = arith.constant 0 : i32
          %cond3A_276 = arith.cmpi ne, %convert_element_type3A_274, %cond3A_275 : i32
          scf.if %cond3A_276 {
            %dma_wait3A_290 = arith.constant 1 : i32
            %dma_wait3A_291 = arith.constant 0 : i32
            %dma_wait3A_292 = arith.constant 0 : i32
            %dma_wait3A_293 = arith.constant 0 : i32
            %dma_wait3A_294 = tpu.memref_slice %arg11[%dma_wait3A_290, %dma_wait3A_292, %dma_wait3A_293] : memref<2x256x64xf32, #tpu.memory_space<vmem>> -> memref<1x256x64xf32, #tpu.memory_space<vmem>>
            %dma_wait3A_295 = tpu.memref_squeeze %dma_wait3A_294 : memref<1x256x64xf32, #tpu.memory_space<vmem>> -> memref<256x64xf32, #tpu.memory_space<vmem>>
            %dma_wait3A_296 = arith.constant 0 : i32
            %dma_wait3A_297 = tpu.memref_slice %arg10[%dma_wait3A_291, %dma_wait3A_296] : memref<42x256xi32, #tpu.memory_space<vmem>> -> memref<1x256xi32, #tpu.memory_space<vmem>>
            %dma_wait3A_298 = tpu.memref_squeeze %dma_wait3A_297 : memref<1x256xi32, #tpu.memory_space<vmem>> -> memref<256xi32, #tpu.memory_space<vmem>>
            %dma_wait3A_299 = arith.constant 0 : i32
            %dma_wait3A_300 = arith.constant 0 : i32
            %dma_wait3A_301 = tpu.memref_slice %arg13[%dma_wait3A_299, %dma_wait3A_300] : memref<10240x64xf32, #tpu.memory_space<vmem_shared>> -> memref<10240x64xf32, #tpu.memory_space<vmem_shared>>
            tpu.wait_indirect_dma semaphore(%arg15 : memref<!tpu.dma_semaphore, #tpu.memory_space<semaphore_mem>>) src(%dma_wait3A_295 : memref<256x64xf32, #tpu.memory_space<vmem>>) dst(%dma_wait3A_301 : memref<10240x64xf32, #tpu.memory_space<vmem_shared>>)
          } else {
          }
          %add3A_277 = arith.constant 1 : i32
          %add3A_278 = arith.addi %add3A_212, %add3A_277 : i32
          %dma_start3A_279 = arith.constant 1 : i32
          %dma_start3A_280 = arith.constant 0 : i32
          %dma_start3A_281 = arith.constant 0 : i32
          %dma_start3A_282 = tpu.memref_slice %arg11[%dma_start3A_279, %dma_start3A_280, %dma_start3A_281] : memref<2x256x64xf32, #tpu.memory_space<vmem>> -> memref<1x256x64xf32, #tpu.memory_space<vmem>>
          %dma_start3A_283 = tpu.memref_squeeze %dma_start3A_282 : memref<1x256x64xf32, #tpu.memory_space<vmem>> -> memref<256x64xf32, #tpu.memory_space<vmem>>
          %dma_start3A_284 = arith.constant 0 : i32
          %dma_start3A_285 = tpu.memref_slice %arg9[%add3A_278, %dma_start3A_284] : memref<42x256xi32, #tpu.memory_space<vmem>> -> memref<1x256xi32, #tpu.memory_space<vmem>>
          %dma_start3A_286 = tpu.memref_squeeze %dma_start3A_285 : memref<1x256xi32, #tpu.memory_space<vmem>> -> memref<256xi32, #tpu.memory_space<vmem>>
          %dma_start3A_287 = arith.constant 0 : i32
          %dma_start3A_288 = arith.constant 0 : i32
          %dma_start3A_289 = tpu.memref_slice %arg2[%dma_start3A_287, %dma_start3A_288] : memref<20480x64xf32, #tpu.memory_space<hbm>> -> memref<20480x64xf32, #tpu.memory_space<hbm>>
          tpu.enqueue_indirect_dma source(%dma_start3A_289 : memref<20480x64xf32, #tpu.memory_space<hbm>>) target(%dma_start3A_283 : memref<256x64xf32, #tpu.memory_space<vmem>>) offsets(%dma_start3A_286 : memref<256xi32, #tpu.memory_space<vmem>>) semaphore(%arg14 : memref<!tpu.dma_semaphore, #tpu.memory_space<semaphore_mem>>)
        } else {
        }
        %dma_start3A_230 = arith.constant 0 : i32
        %dma_start3A_231 = arith.constant 0 : i32
        %dma_start3A_232 = arith.constant 0 : i32
        %dma_start3A_233 = tpu.memref_slice %arg11[%dma_start3A_230, %dma_start3A_231, %dma_start3A_232] : memref<2x256x64xf32, #tpu.memory_space<vmem>> -> memref<1x256x64xf32, #tpu.memory_space<vmem>>
        %dma_start3A_234 = tpu.memref_squeeze %dma_start3A_233 : memref<1x256x64xf32, #tpu.memory_space<vmem>> -> memref<256x64xf32, #tpu.memory_space<vmem>>
        %dma_start3A_235 = arith.constant 0 : i32
        %dma_start3A_236 = tpu.memref_slice %arg10[%add3A_212, %dma_start3A_235] : memref<42x256xi32, #tpu.memory_space<vmem>> -> memref<1x256xi32, #tpu.memory_space<vmem>>
        %dma_start3A_237 = tpu.memref_squeeze %dma_start3A_236 : memref<1x256xi32, #tpu.memory_space<vmem>> -> memref<256xi32, #tpu.memory_space<vmem>>
        %dma_start3A_238 = arith.constant 0 : i32
        %dma_start3A_239 = arith.constant 0 : i32
        %dma_start3A_240 = tpu.memref_slice %arg13[%dma_start3A_238, %dma_start3A_239] : memref<10240x64xf32, #tpu.memory_space<vmem_shared>> -> memref<10240x64xf32, #tpu.memory_space<vmem_shared>>
        tpu.enqueue_indirect_dma source(%dma_start3A_234 : memref<256x64xf32, #tpu.memory_space<vmem>>) target(%dma_start3A_240 : memref<10240x64xf32, #tpu.memory_space<vmem_shared>>) offsets(%dma_start3A_237 : memref<256xi32, #tpu.memory_space<vmem>>) semaphore(%arg15 : memref<!tpu.dma_semaphore, #tpu.memory_space<semaphore_mem>>) {add = true}
        %mul3A_241 = arith.constant 2 : i32
        %mul3A_242 = arith.muli %mul3A_241, %while3A_208 : i32
        %add3A_243 = arith.constant 1 : i32
        %add3A_244 = arith.addi %mul3A_242, %add3A_243 : i32
        %dma_wait3A_245 = arith.constant 1 : i32
        %dma_wait3A_246 = arith.constant 0 : i32
        %dma_wait3A_247 = arith.constant 0 : i32
        %dma_wait3A_248 = tpu.memref_slice %arg11[%dma_wait3A_245, %dma_wait3A_246, %dma_wait3A_247] : memref<2x256x64xf32, #tpu.memory_space<vmem>> -> memref<1x256x64xf32, #tpu.memory_space<vmem>>
        %dma_wait3A_249 = tpu.memref_squeeze %dma_wait3A_248 : memref<1x256x64xf32, #tpu.memory_space<vmem>> -> memref<256x64xf32, #tpu.memory_space<vmem>>
        %dma_wait3A_250 = arith.constant 0 : i32
        %dma_wait3A_251 = tpu.memref_slice %arg9[%add3A_244, %dma_wait3A_250] : memref<42x256xi32, #tpu.memory_space<vmem>> -> memref<1x256xi32, #tpu.memory_space<vmem>>
        %dma_wait3A_252 = tpu.memref_squeeze %dma_wait3A_251 : memref<1x256xi32, #tpu.memory_space<vmem>> -> memref<256xi32, #tpu.memory_space<vmem>>
        %dma_wait3A_253 = arith.constant 0 : i32
        %dma_wait3A_254 = arith.constant 0 : i32
        %dma_wait3A_255 = tpu.memref_slice %arg2[%dma_wait3A_253, %dma_wait3A_254] : memref<20480x64xf32, #tpu.memory_space<hbm>> -> memref<20480x64xf32, #tpu.memory_space<hbm>>
        tpu.wait_indirect_dma semaphore(%arg14 : memref<!tpu.dma_semaphore, #tpu.memory_space<semaphore_mem>>) src(%dma_wait3A_255 : memref<20480x64xf32, #tpu.memory_space<hbm>>) dst(%dma_wait3A_249 : memref<256x64xf32, #tpu.memory_space<vmem>>)
        %add3A_256 = arith.constant 1 : i32
        %add3A_257 = arith.addi %add3A_244, %add3A_256 : i32
        %lt3A_258 = arith.cmpi slt, %add3A_257, %mul3A_76 : i32
        %convert_element_type3A_259 = arith.extui %lt3A_258 : i1 to i32
        %cond3A_260 = arith.constant 0 : i32
        %cond3A_261 = arith.cmpi ne, %convert_element_type3A_259, %cond3A_260 : i32
        scf.if %cond3A_261 {
          %ge3A = arith.constant 1 : i32
          %ge3A_273 = arith.cmpi sge, %add3A_244, %ge3A : i32
          %convert_element_type3A_274 = arith.extui %ge3A_273 : i1 to i32
          %cond3A_275 = arith.constant 0 : i32
          %cond3A_276 = arith.cmpi ne, %convert_element_type3A_274, %cond3A_275 : i32
          scf.if %cond3A_276 {
            %dma_wait3A_290 = arith.constant 0 : i32
            %dma_wait3A_291 = arith.constant 0 : i32
            %dma_wait3A_292 = arith.constant 0 : i32
            %dma_wait3A_293 = arith.constant 0 : i32
            %dma_wait3A_294 = tpu.memref_slice %arg11[%dma_wait3A_290, %dma_wait3A_292, %dma_wait3A_293] : memref<2x256x64xf32, #tpu.memory_space<vmem>> -> memref<1x256x64xf32, #tpu.memory_space<vmem>>
            %dma_wait3A_295 = tpu.memref_squeeze %dma_wait3A_294 : memref<1x256x64xf32, #tpu.memory_space<vmem>> -> memref<256x64xf32, #tpu.memory_space<vmem>>
            %dma_wait3A_296 = arith.constant 0 : i32
            %dma_wait3A_297 = tpu.memref_slice %arg10[%dma_wait3A_291, %dma_wait3A_296] : memref<42x256xi32, #tpu.memory_space<vmem>> -> memref<1x256xi32, #tpu.memory_space<vmem>>
            %dma_wait3A_298 = tpu.memref_squeeze %dma_wait3A_297 : memref<1x256xi32, #tpu.memory_space<vmem>> -> memref<256xi32, #tpu.memory_space<vmem>>
            %dma_wait3A_299 = arith.constant 0 : i32
            %dma_wait3A_300 = arith.constant 0 : i32
            %dma_wait3A_301 = tpu.memref_slice %arg13[%dma_wait3A_299, %dma_wait3A_300] : memref<10240x64xf32, #tpu.memory_space<vmem_shared>> -> memref<10240x64xf32, #tpu.memory_space<vmem_shared>>
            tpu.wait_indirect_dma semaphore(%arg15 : memref<!tpu.dma_semaphore, #tpu.memory_space<semaphore_mem>>) src(%dma_wait3A_295 : memref<256x64xf32, #tpu.memory_space<vmem>>) dst(%dma_wait3A_301 : memref<10240x64xf32, #tpu.memory_space<vmem_shared>>)
          } else {
          }
          %add3A_277 = arith.constant 1 : i32
          %add3A_278 = arith.addi %add3A_244, %add3A_277 : i32
          %dma_start3A_279 = arith.constant 0 : i32
          %dma_start3A_280 = arith.constant 0 : i32
          %dma_start3A_281 = arith.constant 0 : i32
          %dma_start3A_282 = tpu.memref_slice %arg11[%dma_start3A_279, %dma_start3A_280, %dma_start3A_281] : memref<2x256x64xf32, #tpu.memory_space<vmem>> -> memref<1x256x64xf32, #tpu.memory_space<vmem>>
          %dma_start3A_283 = tpu.memref_squeeze %dma_start3A_282 : memref<1x256x64xf32, #tpu.memory_space<vmem>> -> memref<256x64xf32, #tpu.memory_space<vmem>>
          %dma_start3A_284 = arith.constant 0 : i32
          %dma_start3A_285 = tpu.memref_slice %arg9[%add3A_278, %dma_start3A_284] : memref<42x256xi32, #tpu.memory_space<vmem>> -> memref<1x256xi32, #tpu.memory_space<vmem>>
          %dma_start3A_286 = tpu.memref_squeeze %dma_start3A_285 : memref<1x256xi32, #tpu.memory_space<vmem>> -> memref<256xi32, #tpu.memory_space<vmem>>
          %dma_start3A_287 = arith.constant 0 : i32
          %dma_start3A_288 = arith.constant 0 : i32
          %dma_start3A_289 = tpu.memref_slice %arg2[%dma_start3A_287, %dma_start3A_288] : memref<20480x64xf32, #tpu.memory_space<hbm>> -> memref<20480x64xf32, #tpu.memory_space<hbm>>
          tpu.enqueue_indirect_dma source(%dma_start3A_289 : memref<20480x64xf32, #tpu.memory_space<hbm>>) target(%dma_start3A_283 : memref<256x64xf32, #tpu.memory_space<vmem>>) offsets(%dma_start3A_286 : memref<256xi32, #tpu.memory_space<vmem>>) semaphore(%arg14 : memref<!tpu.dma_semaphore, #tpu.memory_space<semaphore_mem>>)
        } else {
        }
        %dma_start3A_262 = arith.constant 1 : i32
        %dma_start3A_263 = arith.constant 0 : i32
        %dma_start3A_264 = arith.constant 0 : i32
        %dma_start3A_265 = tpu.memref_slice %arg11[%dma_start3A_262, %dma_start3A_263, %dma_start3A_264] : memref<2x256x64xf32, #tpu.memory_space<vmem>> -> memref<1x256x64xf32, #tpu.memory_space<vmem>>
        %dma_start3A_266 = tpu.memref_squeeze %dma_start3A_265 : memref<1x256x64xf32, #tpu.memory_space<vmem>> -> memref<256x64xf32, #tpu.memory_space<vmem>>
        %dma_start3A_267 = arith.constant 0 : i32
        %dma_start3A_268 = tpu.memref_slice %arg10[%add3A_244, %dma_start3A_267] : memref<42x256xi32, #tpu.memory_space<vmem>> -> memref<1x256xi32, #tpu.memory_space<vmem>>
        %dma_start3A_269 = tpu.memref_squeeze %dma_start3A_268 : memref<1x256xi32, #tpu.memory_space<vmem>> -> memref<256xi32, #tpu.memory_space<vmem>>
        %dma_start3A_270 = arith.constant 0 : i32
        %dma_start3A_271 = arith.constant 0 : i32
        %dma_start3A_272 = tpu.memref_slice %arg13[%dma_start3A_270, %dma_start3A_271] : memref<10240x64xf32, #tpu.memory_space<vmem_shared>> -> memref<10240x64xf32, #tpu.memory_space<vmem_shared>>
        tpu.enqueue_indirect_dma source(%dma_start3A_266 : memref<256x64xf32, #tpu.memory_space<vmem>>) target(%dma_start3A_272 : memref<10240x64xf32, #tpu.memory_space<vmem_shared>>) offsets(%dma_start3A_269 : memref<256xi32, #tpu.memory_space<vmem>>) semaphore(%arg15 : memref<!tpu.dma_semaphore, #tpu.memory_space<semaphore_mem>>) {add = true}
      }
      %dma_wait3A = arith.constant 0 : i32
      %dma_wait3A_185 = arith.constant 0 : i32
      %dma_wait3A_186 = arith.constant 0 : i32
      %dma_wait3A_187 = arith.constant 0 : i32
      %dma_wait3A_188 = tpu.memref_slice %arg11[%dma_wait3A, %dma_wait3A_186, %dma_wait3A_187] : memref<2x256x64xf32, #tpu.memory_space<vmem>> -> memref<1x256x64xf32, #tpu.memory_space<vmem>>
      %dma_wait3A_189 = tpu.memref_squeeze %dma_wait3A_188 : memref<1x256x64xf32, #tpu.memory_space<vmem>> -> memref<256x64xf32, #tpu.memory_space<vmem>>
      %dma_wait3A_190 = arith.constant 0 : i32
      %dma_wait3A_191 = tpu.memref_slice %arg10[%dma_wait3A_185, %dma_wait3A_190] : memref<42x256xi32, #tpu.memory_space<vmem>> -> memref<1x256xi32, #tpu.memory_space<vmem>>
      %dma_wait3A_192 = tpu.memref_squeeze %dma_wait3A_191 : memref<1x256xi32, #tpu.memory_space<vmem>> -> memref<256xi32, #tpu.memory_space<vmem>>
      %dma_wait3A_193 = arith.constant 0 : i32
      %dma_wait3A_194 = arith.constant 0 : i32
      %dma_wait3A_195 = tpu.memref_slice %arg13[%dma_wait3A_193, %dma_wait3A_194] : memref<10240x64xf32, #tpu.memory_space<vmem_shared>> -> memref<10240x64xf32, #tpu.memory_space<vmem_shared>>
      tpu.wait_indirect_dma semaphore(%arg15 : memref<!tpu.dma_semaphore, #tpu.memory_space<semaphore_mem>>) src(%dma_wait3A_189 : memref<256x64xf32, #tpu.memory_space<vmem>>) dst(%dma_wait3A_195 : memref<10240x64xf32, #tpu.memory_space<vmem_shared>>)
      %dma_wait3A_196 = arith.constant 1 : i32
      %dma_wait3A_197 = arith.constant 0 : i32
      %dma_wait3A_198 = arith.constant 0 : i32
      %dma_wait3A_199 = arith.constant 0 : i32
      %dma_wait3A_200 = tpu.memref_slice %arg11[%dma_wait3A_196, %dma_wait3A_198, %dma_wait3A_199] : memref<2x256x64xf32, #tpu.memory_space<vmem>> -> memref<1x256x64xf32, #tpu.memory_space<vmem>>
      %dma_wait3A_201 = tpu.memref_squeeze %dma_wait3A_200 : memref<1x256x64xf32, #tpu.memory_space<vmem>> -> memref<256x64xf32, #tpu.memory_space<vmem>>
      %dma_wait3A_202 = arith.constant 0 : i32
      %dma_wait3A_203 = tpu.memref_slice %arg10[%dma_wait3A_197, %dma_wait3A_202] : memref<42x256xi32, #tpu.memory_space<vmem>> -> memref<1x256xi32, #tpu.memory_space<vmem>>
      %dma_wait3A_204 = tpu.memref_squeeze %dma_wait3A_203 : memref<1x256xi32, #tpu.memory_space<vmem>> -> memref<256xi32, #tpu.memory_space<vmem>>
      %dma_wait3A_205 = arith.constant 0 : i32
      %dma_wait3A_206 = arith.constant 0 : i32
      %dma_wait3A_207 = tpu.memref_slice %arg13[%dma_wait3A_205, %dma_wait3A_206] : memref<10240x64xf32, #tpu.memory_space<vmem_shared>> -> memref<10240x64xf32, #tpu.memory_space<vmem_shared>>
      tpu.wait_indirect_dma semaphore(%arg15 : memref<!tpu.dma_semaphore, #tpu.memory_space<semaphore_mem>>) src(%dma_wait3A_201 : memref<256x64xf32, #tpu.memory_space<vmem>>) dst(%dma_wait3A_207 : memref<10240x64xf32, #tpu.memory_space<vmem_shared>>)
    } else {
    }
    %mul3A_79 = arith.constant 2 : i32
    %mul3A_80 = arith.muli %mul3A_79, %arg1 : i32
    %add3A_81 = arith.constant 1 : i32
    %add3A_82 = arith.addi %mul3A_80, %add3A_81 : i32
    "tpu.region"() ({
      %run_scoped3A = tpu.sem_alloc : memref<!tpu.dma_semaphore, #tpu.memory_space<semaphore_mem>>
      %dma_start3A = arith.constant 0 : i32
      %dma_start3A_131 = tpu.memref_slice %arg6[%add3A_82, %dma_start3A] : memref<32x16xi32, #tpu.memory_space<hbm>> -> memref<1x16xi32, #tpu.memory_space<hbm>>
      %dma_start3A_132 = tpu.memref_squeeze %dma_start3A_131 : memref<1x16xi32, #tpu.memory_space<hbm>> -> memref<16xi32, #tpu.memory_space<hbm>>
      %dma_start3A_133 = arith.constant 0 : i32
      %dma_start3A_134 = tpu.memref_slice %arg6[%add3A_82, %dma_start3A_133] : memref<32x16xi32, #tpu.memory_space<hbm>> -> memref<1x16xi32, #tpu.memory_space<hbm>>
      %dma_start3A_135 = tpu.memref_squeeze %dma_start3A_134 : memref<1x16xi32, #tpu.memory_space<hbm>> -> memref<16xi32, #tpu.memory_space<hbm>>
      tpu.enqueue_dma source(%dma_start3A_135 : memref<16xi32, #tpu.memory_space<hbm>>) target(%arg12 : memref<16xi32, #tpu.memory_space<vmem>>) target_semaphore(%run_scoped3A : memref<!tpu.dma_semaphore, #tpu.memory_space<semaphore_mem>>)
      %dma_wait3A = arith.constant 0 : i32
      %dma_wait3A_136 = tpu.memref_slice %arg6[%add3A_82, %dma_wait3A] : memref<32x16xi32, #tpu.memory_space<hbm>> -> memref<1x16xi32, #tpu.memory_space<hbm>>
      %dma_wait3A_137 = tpu.memref_squeeze %dma_wait3A_136 : memref<1x16xi32, #tpu.memory_space<hbm>> -> memref<16xi32, #tpu.memory_space<hbm>>
      %dma_wait3A_138 = arith.constant 0 : i32
      %dma_wait3A_139 = tpu.memref_slice %arg6[%add3A_82, %dma_wait3A_138] : memref<32x16xi32, #tpu.memory_space<hbm>> -> memref<1x16xi32, #tpu.memory_space<hbm>>
      %dma_wait3A_140 = tpu.memref_squeeze %dma_wait3A_139 : memref<1x16xi32, #tpu.memory_space<hbm>> -> memref<16xi32, #tpu.memory_space<hbm>>
      tpu.wait_dma2 semaphore(%run_scoped3A : memref<!tpu.dma_semaphore, #tpu.memory_space<semaphore_mem>>) src(%dma_wait3A_140 : memref<16xi32, #tpu.memory_space<hbm>>) dst(%arg12 : memref<16xi32, #tpu.memory_space<vmem>>)
      tpu.yield
    }) : () -> ()
    %get3A_83 = arith.constant 0 : index
    %get3A_84 = tpu.vector_load %arg12[%get3A_83] {strides = array<i32>} : memref<16xi32, #tpu.memory_space<vmem>>, vector<16xi32>,
    %reduce_max3A_85 = arith.constant true
    %reduce_max3A_86 = vector.broadcast %reduce_max3A_85 : i1 to vector<16xi1>
    %reduce_max3A_87 = arith.constant -2147483648 : i32
    %reduce_max3A_88 = vector.broadcast %reduce_max3A_87 : i32 to vector<16xi32>
    %reduce_max3A_89 = arith.xori %get3A_84, %reduce_max3A_88 : vector<16xi32>
    %reduce_max3A_90 = tpu.scan <max>, %reduce_max3A_89 masked %reduce_max3A_86 : vector<16xi32>, vector<16xi1> -> vector<16xi32>
    %reduce_max3A_91 = arith.xori %reduce_max3A_90, %reduce_max3A_88 : vector<16xi32>
    %reduce_max3A_92 = vector.extract %reduce_max3A_91[15] : i32 from vector<16xi32>
    %add3A_93 = arith.constant 512 : i32
    %add3A_94 = arith.addi %reduce_max3A_92, %add3A_93 : i32
    %sub3A_95 = arith.constant 1 : i32
    %sub3A_96 = arith.subi %add3A_94, %sub3A_95 : i32
    %jit3A_97 = arith.constant 512 : i32
    %div3A_98 = arith.divsi %sub3A_96, %jit3A_97 : i32
    %sign3A_99 = arith.constant 0 : i32
    %sign3A_100 = arith.cmpi sgt, %sub3A_96, %sign3A_99 : i32
    %sign3A_101 = arith.extui %sign3A_100 : i1 to i32
    %sign3A_102 = arith.constant 0 : i32
    %sign3A_103 = arith.cmpi slt, %sub3A_96, %sign3A_102 : i32
    %sign3A_104 = arith.extui %sign3A_103 : i1 to i32
    %sign3A_105 = arith.subi %sign3A_101, %sign3A_104 : i32
    %sign3A_106 = arith.constant 0 : i32
    %sign3A_107 = arith.cmpi sgt, %jit3A_97, %sign3A_106 : i32
    %sign3A_108 = arith.extui %sign3A_107 : i1 to i32
    %sign3A_109 = arith.constant 0 : i32
    %sign3A_110 = arith.cmpi slt, %jit3A_97, %sign3A_109 : i32
    %sign3A_111 = arith.extui %sign3A_110 : i1 to i32
    %sign3A_112 = arith.subi %sign3A_108, %sign3A_111 : i32
    %ne3A_113 = arith.cmpi ne, %sign3A_105, %sign3A_112 : i32
    %rem3A_114 = arith.remsi %sub3A_96, %jit3A_97 : i32
    %ne3A_115 = arith.constant 0 : i32
    %ne3A_116 = arith.cmpi ne, %rem3A_114, %ne3A_115 : i32
    %and3A_117 = arith.andi %ne3A_113, %ne3A_116 : i1
    %sub3A_118 = arith.constant 1 : i32
    %sub3A_119 = arith.subi %div3A_98, %sub3A_118 : i32
    %select_n3A_120 = arith.select %and3A_117, %sub3A_119, %div3A_98 : i32
    %mul3A_121 = arith.constant 2 : i32
    %mul3A_122 = arith.muli %mul3A_121, %select_n3A_120 : i32
    %gt3A_123 = arith.constant 0 : i32
    %gt3A_124 = arith.cmpi sgt, %mul3A_122, %gt3A_123 : i32
    %convert_element_type3A_125 = arith.extui %gt3A_124 : i1 to i32
    %cond3A_126 = arith.constant 0 : i32
    %cond3A_127 = arith.cmpi ne, %convert_element_type3A_125, %cond3A_126 : i32
    scf.if %cond3A_127 {
      %eq3A_131 = arith.constant 0 : i32
      %eq3A_132 = arith.cmpi eq, %arg0, %eq3A_131 : i32
      %convert_element_type3A_133 = arith.extui %eq3A_132 : i1 to i32
      %cond3A_134 = arith.constant 0 : i32
      %cond3A_135 = arith.cmpi ne, %convert_element_type3A_133, %cond3A_134 : i32
      scf.if %cond3A_135 {
        "tpu.region"() ({
          %run_scoped3A = tpu.sem_alloc : memref<!tpu.dma_semaphore, #tpu.memory_space<semaphore_mem>>
          %dma_start3A_208 = arith.constant 0 : i32
          %dma_start3A_209 = arith.constant 0 : i32
          %dma_start3A_210 = tpu.memref_slice %arg3[%add3A_82, %dma_start3A_208, %dma_start3A_209] : memref<32x42x256xi32, #tpu.memory_space<hbm>> -> memref<1x42x256xi32, #tpu.memory_space<hbm>>
          %dma_start3A_211 = tpu.memref_squeeze %dma_start3A_210 : memref<1x42x256xi32, #tpu.memory_space<hbm>> -> memref<42x256xi32, #tpu.memory_space<hbm>>
          %dma_start3A_212 = arith.constant 0 : i32
          %dma_start3A_213 = arith.constant 0 : i32
          %dma_start3A_214 = tpu.memref_slice %arg3[%add3A_82, %dma_start3A_212, %dma_start3A_213] : memref<32x42x256xi32, #tpu.memory_space<hbm>> -> memref<1x42x256xi32, #tpu.memory_space<hbm>>
          %dma_start3A_215 = tpu.memref_squeeze %dma_start3A_214 : memref<1x42x256xi32, #tpu.memory_space<hbm>> -> memref<42x256xi32, #tpu.memory_space<hbm>>
          tpu.enqueue_dma source(%dma_start3A_215 : memref<42x256xi32, #tpu.memory_space<hbm>>) target(%arg9 : memref<42x256xi32, #tpu.memory_space<vmem>>) target_semaphore(%run_scoped3A : memref<!tpu.dma_semaphore, #tpu.memory_space<semaphore_mem>>)
          %dma_wait3A_216 = arith.constant 0 : i32
          %dma_wait3A_217 = arith.constant 0 : i32
          %dma_wait3A_218 = tpu.memref_slice %arg3[%add3A_82, %dma_wait3A_216, %dma_wait3A_217] : memref<32x42x256xi32, #tpu.memory_space<hbm>> -> memref<1x42x256xi32, #tpu.memory_space<hbm>>
          %dma_wait3A_219 = tpu.memref_squeeze %dma_wait3A_218 : memref<1x42x256xi32, #tpu.memory_space<hbm>> -> memref<42x256xi32, #tpu.memory_space<hbm>>
          %dma_wait3A_220 = arith.constant 0 : i32
          %dma_wait3A_221 = arith.constant 0 : i32
          %dma_wait3A_222 = tpu.memref_slice %arg3[%add3A_82, %dma_wait3A_220, %dma_wait3A_221] : memref<32x42x256xi32, #tpu.memory_space<hbm>> -> memref<1x42x256xi32, #tpu.memory_space<hbm>>
          %dma_wait3A_223 = tpu.memref_squeeze %dma_wait3A_222 : memref<1x42x256xi32, #tpu.memory_space<hbm>> -> memref<42x256xi32, #tpu.memory_space<hbm>>
          tpu.wait_dma2 semaphore(%run_scoped3A : memref<!tpu.dma_semaphore, #tpu.memory_space<semaphore_mem>>) src(%dma_wait3A_223 : memref<42x256xi32, #tpu.memory_space<hbm>>) dst(%arg9 : memref<42x256xi32, #tpu.memory_space<vmem>>)
          tpu.yield
        }) : () -> ()
      } else {
      }
      %eq3A_136 = arith.constant 1 : i32
      %eq3A_137 = arith.cmpi eq, %arg0, %eq3A_136 : i32
      %convert_element_type3A_138 = arith.extui %eq3A_137 : i1 to i32
      %cond3A_139 = arith.constant 0 : i32
      %cond3A_140 = arith.cmpi ne, %convert_element_type3A_138, %cond3A_139 : i32
      scf.if %cond3A_140 {
        "tpu.region"() ({
          %run_scoped3A = tpu.sem_alloc : memref<!tpu.dma_semaphore, #tpu.memory_space<semaphore_mem>>
          %dma_start3A_208 = arith.constant 0 : i32
          %dma_start3A_209 = arith.constant 0 : i32
          %dma_start3A_210 = tpu.memref_slice %arg4[%add3A_82, %dma_start3A_208, %dma_start3A_209] : memref<32x42x256xi32, #tpu.memory_space<hbm>> -> memref<1x42x256xi32, #tpu.memory_space<hbm>>
          %dma_start3A_211 = tpu.memref_squeeze %dma_start3A_210 : memref<1x42x256xi32, #tpu.memory_space<hbm>> -> memref<42x256xi32, #tpu.memory_space<hbm>>
          %dma_start3A_212 = arith.constant 0 : i32
          %dma_start3A_213 = arith.constant 0 : i32
          %dma_start3A_214 = tpu.memref_slice %arg4[%add3A_82, %dma_start3A_212, %dma_start3A_213] : memref<32x42x256xi32, #tpu.memory_space<hbm>> -> memref<1x42x256xi32, #tpu.memory_space<hbm>>
          %dma_start3A_215 = tpu.memref_squeeze %dma_start3A_214 : memref<1x42x256xi32, #tpu.memory_space<hbm>> -> memref<42x256xi32, #tpu.memory_space<hbm>>
          tpu.enqueue_dma source(%dma_start3A_215 : memref<42x256xi32, #tpu.memory_space<hbm>>) target(%arg9 : memref<42x256xi32, #tpu.memory_space<vmem>>) target_semaphore(%run_scoped3A : memref<!tpu.dma_semaphore, #tpu.memory_space<semaphore_mem>>)
          %dma_wait3A_216 = arith.constant 0 : i32
          %dma_wait3A_217 = arith.constant 0 : i32
          %dma_wait3A_218 = tpu.memref_slice %arg4[%add3A_82, %dma_wait3A_216, %dma_wait3A_217] : memref<32x42x256xi32, #tpu.memory_space<hbm>> -> memref<1x42x256xi32, #tpu.memory_space<hbm>>
          %dma_wait3A_219 = tpu.memref_squeeze %dma_wait3A_218 : memref<1x42x256xi32, #tpu.memory_space<hbm>> -> memref<42x256xi32, #tpu.memory_space<hbm>>
          %dma_wait3A_220 = arith.constant 0 : i32
          %dma_wait3A_221 = arith.constant 0 : i32
          %dma_wait3A_222 = tpu.memref_slice %arg4[%add3A_82, %dma_wait3A_220, %dma_wait3A_221] : memref<32x42x256xi32, #tpu.memory_space<hbm>> -> memref<1x42x256xi32, #tpu.memory_space<hbm>>
          %dma_wait3A_223 = tpu.memref_squeeze %dma_wait3A_222 : memref<1x42x256xi32, #tpu.memory_space<hbm>> -> memref<42x256xi32, #tpu.memory_space<hbm>>
          tpu.wait_dma2 semaphore(%run_scoped3A : memref<!tpu.dma_semaphore, #tpu.memory_space<semaphore_mem>>) src(%dma_wait3A_223 : memref<42x256xi32, #tpu.memory_space<hbm>>) dst(%arg9 : memref<42x256xi32, #tpu.memory_space<vmem>>)
          tpu.yield
        }) : () -> ()
      } else {
      }
      "tpu.region"() ({
        %run_scoped3A = tpu.sem_alloc : memref<!tpu.dma_semaphore, #tpu.memory_space<semaphore_mem>>
        %dma_start3A_208 = arith.constant 0 : i32
        %dma_start3A_209 = arith.constant 0 : i32
        %dma_start3A_210 = tpu.memref_slice %arg5[%add3A_82, %dma_start3A_208, %dma_start3A_209] : memref<32x42x256xi32, #tpu.memory_space<hbm>> -> memref<1x42x256xi32, #tpu.memory_space<hbm>>
        %dma_start3A_211 = tpu.memref_squeeze %dma_start3A_210 : memref<1x42x256xi32, #tpu.memory_space<hbm>> -> memref<42x256xi32, #tpu.memory_space<hbm>>
        %dma_start3A_212 = arith.constant 0 : i32
        %dma_start3A_213 = arith.constant 0 : i32
        %dma_start3A_214 = tpu.memref_slice %arg5[%add3A_82, %dma_start3A_212, %dma_start3A_213] : memref<32x42x256xi32, #tpu.memory_space<hbm>> -> memref<1x42x256xi32, #tpu.memory_space<hbm>>
        %dma_start3A_215 = tpu.memref_squeeze %dma_start3A_214 : memref<1x42x256xi32, #tpu.memory_space<hbm>> -> memref<42x256xi32, #tpu.memory_space<hbm>>
        tpu.enqueue_dma source(%dma_start3A_215 : memref<42x256xi32, #tpu.memory_space<hbm>>) target(%arg10 : memref<42x256xi32, #tpu.memory_space<vmem>>) target_semaphore(%run_scoped3A : memref<!tpu.dma_semaphore, #tpu.memory_space<semaphore_mem>>)
        %dma_wait3A_216 = arith.constant 0 : i32
        %dma_wait3A_217 = arith.constant 0 : i32
        %dma_wait3A_218 = tpu.memref_slice %arg5[%add3A_82, %dma_wait3A_216, %dma_wait3A_217] : memref<32x42x256xi32, #tpu.memory_space<hbm>> -> memref<1x42x256xi32, #tpu.memory_space<hbm>>
        %dma_wait3A_219 = tpu.memref_squeeze %dma_wait3A_218 : memref<1x42x256xi32, #tpu.memory_space<hbm>> -> memref<42x256xi32, #tpu.memory_space<hbm>>
        %dma_wait3A_220 = arith.constant 0 : i32
        %dma_wait3A_221 = arith.constant 0 : i32
        %dma_wait3A_222 = tpu.memref_slice %arg5[%add3A_82, %dma_wait3A_220, %dma_wait3A_221] : memref<32x42x256xi32, #tpu.memory_space<hbm>> -> memref<1x42x256xi32, #tpu.memory_space<hbm>>
        %dma_wait3A_223 = tpu.memref_squeeze %dma_wait3A_222 : memref<1x42x256xi32, #tpu.memory_space<hbm>> -> memref<42x256xi32, #tpu.memory_space<hbm>>
        tpu.wait_dma2 semaphore(%run_scoped3A : memref<!tpu.dma_semaphore, #tpu.memory_space<semaphore_mem>>) src(%dma_wait3A_223 : memref<42x256xi32, #tpu.memory_space<hbm>>) dst(%arg10 : memref<42x256xi32, #tpu.memory_space<vmem>>)
        tpu.yield
      }) : () -> ()
      %dma_start3A = arith.constant 0 : i32
      %dma_start3A_141 = arith.constant 0 : i32
      %dma_start3A_142 = arith.constant 0 : i32
      %dma_start3A_143 = arith.constant 0 : i32
      %dma_start3A_144 = tpu.memref_slice %arg11[%dma_start3A_141, %dma_start3A_142, %dma_start3A_143] : memref<2x256x64xf32, #tpu.memory_space<vmem>> -> memref<1x256x64xf32, #tpu.memory_space<vmem>>
      %dma_start3A_145 = tpu.memref_squeeze %dma_start3A_144 : memref<1x256x64xf32, #tpu.memory_space<vmem>> -> memref<256x64xf32, #tpu.memory_space<vmem>>
      %dma_start3A_146 = arith.constant 0 : i32
      %dma_start3A_147 = tpu.memref_slice %arg9[%dma_start3A, %dma_start3A_146] : memref<42x256xi32, #tpu.memory_space<vmem>> -> memref<1x256xi32, #tpu.memory_space<vmem>>
      %dma_start3A_148 = tpu.memref_squeeze %dma_start3A_147 : memref<1x256xi32, #tpu.memory_space<vmem>> -> memref<256xi32, #tpu.memory_space<vmem>>
      %dma_start3A_149 = arith.constant 0 : i32
      %dma_start3A_150 = arith.constant 0 : i32
      %dma_start3A_151 = tpu.memref_slice %arg2[%dma_start3A_149, %dma_start3A_150] : memref<20480x64xf32, #tpu.memory_space<hbm>> -> memref<20480x64xf32, #tpu.memory_space<hbm>>
      tpu.enqueue_indirect_dma source(%dma_start3A_151 : memref<20480x64xf32, #tpu.memory_space<hbm>>) target(%dma_start3A_145 : memref<256x64xf32, #tpu.memory_space<vmem>>) offsets(%dma_start3A_148 : memref<256xi32, #tpu.memory_space<vmem>>) semaphore(%arg14 : memref<!tpu.dma_semaphore, #tpu.memory_space<semaphore_mem>>)
      %jit3A_152 = arith.constant 2 : i32
      %div3A_153 = arith.divsi %mul3A_122, %jit3A_152 : i32
      %sign3A_154 = arith.constant 0 : i32
      %sign3A_155 = arith.cmpi sgt, %mul3A_122, %sign3A_154 : i32
      %sign3A_156 = arith.extui %sign3A_155 : i1 to i32
      %sign3A_157 = arith.constant 0 : i32
      %sign3A_158 = arith.cmpi slt, %mul3A_122, %sign3A_157 : i32
      %sign3A_159 = arith.extui %sign3A_158 : i1 to i32
      %sign3A_160 = arith.subi %sign3A_156, %sign3A_159 : i32
      %sign3A_161 = arith.constant 0 : i32
      %sign3A_162 = arith.cmpi sgt, %jit3A_152, %sign3A_161 : i32
      %sign3A_163 = arith.extui %sign3A_162 : i1 to i32
      %sign3A_164 = arith.constant 0 : i32
      %sign3A_165 = arith.cmpi slt, %jit3A_152, %sign3A_164 : i32
      %sign3A_166 = arith.extui %sign3A_165 : i1 to i32
      %sign3A_167 = arith.subi %sign3A_163, %sign3A_166 : i32
      %ne3A_168 = arith.cmpi ne, %sign3A_160, %sign3A_167 : i32
      %rem3A_169 = arith.remsi %mul3A_122, %jit3A_152 : i32
      %ne3A_170 = arith.constant 0 : i32
      %ne3A_171 = arith.cmpi ne, %rem3A_169, %ne3A_170 : i32
      %and3A_172 = arith.andi %ne3A_168, %ne3A_171 : i1
      %sub3A_173 = arith.constant 1 : i32
      %sub3A_174 = arith.subi %div3A_153, %sub3A_173 : i32
      %select_n3A_175 = arith.select %and3A_172, %sub3A_174, %div3A_153 : i32
      %while3A = arith.constant 0 : i32
      %while3A_176 = arith.constant 0 : i32
      %while3A_177 = arith.subi %select_n3A_175, %while3A_176 : i32
      %while3A_178 = arith.addi %while3A_176, %while3A_177 : i32
      %while3A_179 = arith.constant 1 : i32
      %while3A_180 = arith.divsi %while3A_177, %while3A_179 : i32
      %while3A_181 = arith.muli %while3A_180, %while3A_179 : i32
      %while3A_182 = arith.addi %while3A_176, %while3A_181 : i32
      %while3A_183 = arith.constant 1 : i32
      scf.for %while3A_208 = %while3A_176 to %while3A_182 step %while3A_183  : i32 {
        %mul3A_209 = arith.constant 2 : i32
        %mul3A_210 = arith.muli %mul3A_209, %while3A_208 : i32
        %add3A_211 = arith.constant 0 : i32
        %add3A_212 = arith.addi %mul3A_210, %add3A_211 : i32
        %dma_wait3A_213 = arith.constant 0 : i32
        %dma_wait3A_214 = arith.constant 0 : i32
        %dma_wait3A_215 = arith.constant 0 : i32
        %dma_wait3A_216 = tpu.memref_slice %arg11[%dma_wait3A_213, %dma_wait3A_214, %dma_wait3A_215] : memref<2x256x64xf32, #tpu.memory_space<vmem>> -> memref<1x256x64xf32, #tpu.memory_space<vmem>>
        %dma_wait3A_217 = tpu.memref_squeeze %dma_wait3A_216 : memref<1x256x64xf32, #tpu.memory_space<vmem>> -> memref<256x64xf32, #tpu.memory_space<vmem>>
        %dma_wait3A_218 = arith.constant 0 : i32
        %dma_wait3A_219 = tpu.memref_slice %arg9[%add3A_212, %dma_wait3A_218] : memref<42x256xi32, #tpu.memory_space<vmem>> -> memref<1x256xi32, #tpu.memory_space<vmem>>
        %dma_wait3A_220 = tpu.memref_squeeze %dma_wait3A_219 : memref<1x256xi32, #tpu.memory_space<vmem>> -> memref<256xi32, #tpu.memory_space<vmem>>
        %dma_wait3A_221 = arith.constant 0 : i32
        %dma_wait3A_222 = arith.constant 0 : i32
        %dma_wait3A_223 = tpu.memref_slice %arg2[%dma_wait3A_221, %dma_wait3A_222] : memref<20480x64xf32, #tpu.memory_space<hbm>> -> memref<20480x64xf32, #tpu.memory_space<hbm>>
        tpu.wait_indirect_dma semaphore(%arg14 : memref<!tpu.dma_semaphore, #tpu.memory_space<semaphore_mem>>) src(%dma_wait3A_223 : memref<20480x64xf32, #tpu.memory_space<hbm>>) dst(%dma_wait3A_217 : memref<256x64xf32, #tpu.memory_space<vmem>>)
        %add3A_224 = arith.constant 1 : i32
        %add3A_225 = arith.addi %add3A_212, %add3A_224 : i32
        %lt3A_226 = arith.cmpi slt, %add3A_225, %mul3A_122 : i32
        %convert_element_type3A_227 = arith.extui %lt3A_226 : i1 to i32
        %cond3A_228 = arith.constant 0 : i32
        %cond3A_229 = arith.cmpi ne, %convert_element_type3A_227, %cond3A_228 : i32
        scf.if %cond3A_229 {
          %ge3A = arith.constant 1 : i32
          %ge3A_273 = arith.cmpi sge, %add3A_212, %ge3A : i32
          %convert_element_type3A_274 = arith.extui %ge3A_273 : i1 to i32
          %cond3A_275 = arith.constant 0 : i32
          %cond3A_276 = arith.cmpi ne, %convert_element_type3A_274, %cond3A_275 : i32
          scf.if %cond3A_276 {
            %dma_wait3A_290 = arith.constant 1 : i32
            %dma_wait3A_291 = arith.constant 0 : i32
            %dma_wait3A_292 = arith.constant 0 : i32
            %dma_wait3A_293 = arith.constant 0 : i32
            %dma_wait3A_294 = tpu.memref_slice %arg11[%dma_wait3A_290, %dma_wait3A_292, %dma_wait3A_293] : memref<2x256x64xf32, #tpu.memory_space<vmem>> -> memref<1x256x64xf32, #tpu.memory_space<vmem>>
            %dma_wait3A_295 = tpu.memref_squeeze %dma_wait3A_294 : memref<1x256x64xf32, #tpu.memory_space<vmem>> -> memref<256x64xf32, #tpu.memory_space<vmem>>
            %dma_wait3A_296 = arith.constant 0 : i32
            %dma_wait3A_297 = tpu.memref_slice %arg10[%dma_wait3A_291, %dma_wait3A_296] : memref<42x256xi32, #tpu.memory_space<vmem>> -> memref<1x256xi32, #tpu.memory_space<vmem>>
            %dma_wait3A_298 = tpu.memref_squeeze %dma_wait3A_297 : memref<1x256xi32, #tpu.memory_space<vmem>> -> memref<256xi32, #tpu.memory_space<vmem>>
            %dma_wait3A_299 = arith.constant 0 : i32
            %dma_wait3A_300 = arith.constant 0 : i32
            %dma_wait3A_301 = tpu.memref_slice %arg13[%dma_wait3A_299, %dma_wait3A_300] : memref<10240x64xf32, #tpu.memory_space<vmem_shared>> -> memref<10240x64xf32, #tpu.memory_space<vmem_shared>>
            tpu.wait_indirect_dma semaphore(%arg15 : memref<!tpu.dma_semaphore, #tpu.memory_space<semaphore_mem>>) src(%dma_wait3A_295 : memref<256x64xf32, #tpu.memory_space<vmem>>) dst(%dma_wait3A_301 : memref<10240x64xf32, #tpu.memory_space<vmem_shared>>)
          } else {
          }
          %add3A_277 = arith.constant 1 : i32
          %add3A_278 = arith.addi %add3A_212, %add3A_277 : i32
          %dma_start3A_279 = arith.constant 1 : i32
          %dma_start3A_280 = arith.constant 0 : i32
          %dma_start3A_281 = arith.constant 0 : i32
          %dma_start3A_282 = tpu.memref_slice %arg11[%dma_start3A_279, %dma_start3A_280, %dma_start3A_281] : memref<2x256x64xf32, #tpu.memory_space<vmem>> -> memref<1x256x64xf32, #tpu.memory_space<vmem>>
          %dma_start3A_283 = tpu.memref_squeeze %dma_start3A_282 : memref<1x256x64xf32, #tpu.memory_space<vmem>> -> memref<256x64xf32, #tpu.memory_space<vmem>>
          %dma_start3A_284 = arith.constant 0 : i32
          %dma_start3A_285 = tpu.memref_slice %arg9[%add3A_278, %dma_start3A_284] : memref<42x256xi32, #tpu.memory_space<vmem>> -> memref<1x256xi32, #tpu.memory_space<vmem>>
          %dma_start3A_286 = tpu.memref_squeeze %dma_start3A_285 : memref<1x256xi32, #tpu.memory_space<vmem>> -> memref<256xi32, #tpu.memory_space<vmem>>
          %dma_start3A_287 = arith.constant 0 : i32
          %dma_start3A_288 = arith.constant 0 : i32
          %dma_start3A_289 = tpu.memref_slice %arg2[%dma_start3A_287, %dma_start3A_288] : memref<20480x64xf32, #tpu.memory_space<hbm>> -> memref<20480x64xf32, #tpu.memory_space<hbm>>
          tpu.enqueue_indirect_dma source(%dma_start3A_289 : memref<20480x64xf32, #tpu.memory_space<hbm>>) target(%dma_start3A_283 : memref<256x64xf32, #tpu.memory_space<vmem>>) offsets(%dma_start3A_286 : memref<256xi32, #tpu.memory_space<vmem>>) semaphore(%arg14 : memref<!tpu.dma_semaphore, #tpu.memory_space<semaphore_mem>>)
        } else {
        }
        %dma_start3A_230 = arith.constant 0 : i32
        %dma_start3A_231 = arith.constant 0 : i32
        %dma_start3A_232 = arith.constant 0 : i32
        %dma_start3A_233 = tpu.memref_slice %arg11[%dma_start3A_230, %dma_start3A_231, %dma_start3A_232] : memref<2x256x64xf32, #tpu.memory_space<vmem>> -> memref<1x256x64xf32, #tpu.memory_space<vmem>>
        %dma_start3A_234 = tpu.memref_squeeze %dma_start3A_233 : memref<1x256x64xf32, #tpu.memory_space<vmem>> -> memref<256x64xf32, #tpu.memory_space<vmem>>
        %dma_start3A_235 = arith.constant 0 : i32
        %dma_start3A_236 = tpu.memref_slice %arg10[%add3A_212, %dma_start3A_235] : memref<42x256xi32, #tpu.memory_space<vmem>> -> memref<1x256xi32, #tpu.memory_space<vmem>>
        %dma_start3A_237 = tpu.memref_squeeze %dma_start3A_236 : memref<1x256xi32, #tpu.memory_space<vmem>> -> memref<256xi32, #tpu.memory_space<vmem>>
        %dma_start3A_238 = arith.constant 0 : i32
        %dma_start3A_239 = arith.constant 0 : i32
        %dma_start3A_240 = tpu.memref_slice %arg13[%dma_start3A_238, %dma_start3A_239] : memref<10240x64xf32, #tpu.memory_space<vmem_shared>> -> memref<10240x64xf32, #tpu.memory_space<vmem_shared>>
        tpu.enqueue_indirect_dma source(%dma_start3A_234 : memref<256x64xf32, #tpu.memory_space<vmem>>) target(%dma_start3A_240 : memref<10240x64xf32, #tpu.memory_space<vmem_shared>>) offsets(%dma_start3A_237 : memref<256xi32, #tpu.memory_space<vmem>>) semaphore(%arg15 : memref<!tpu.dma_semaphore, #tpu.memory_space<semaphore_mem>>) {add = true}
        %mul3A_241 = arith.constant 2 : i32
        %mul3A_242 = arith.muli %mul3A_241, %while3A_208 : i32
        %add3A_243 = arith.constant 1 : i32
        %add3A_244 = arith.addi %mul3A_242, %add3A_243 : i32
        %dma_wait3A_245 = arith.constant 1 : i32
        %dma_wait3A_246 = arith.constant 0 : i32
        %dma_wait3A_247 = arith.constant 0 : i32
        %dma_wait3A_248 = tpu.memref_slice %arg11[%dma_wait3A_245, %dma_wait3A_246, %dma_wait3A_247] : memref<2x256x64xf32, #tpu.memory_space<vmem>> -> memref<1x256x64xf32, #tpu.memory_space<vmem>>
        %dma_wait3A_249 = tpu.memref_squeeze %dma_wait3A_248 : memref<1x256x64xf32, #tpu.memory_space<vmem>> -> memref<256x64xf32, #tpu.memory_space<vmem>>
        %dma_wait3A_250 = arith.constant 0 : i32
        %dma_wait3A_251 = tpu.memref_slice %arg9[%add3A_244, %dma_wait3A_250] : memref<42x256xi32, #tpu.memory_space<vmem>> -> memref<1x256xi32, #tpu.memory_space<vmem>>
        %dma_wait3A_252 = tpu.memref_squeeze %dma_wait3A_251 : memref<1x256xi32, #tpu.memory_space<vmem>> -> memref<256xi32, #tpu.memory_space<vmem>>
        %dma_wait3A_253 = arith.constant 0 : i32
        %dma_wait3A_254 = arith.constant 0 : i32
        %dma_wait3A_255 = tpu.memref_slice %arg2[%dma_wait3A_253, %dma_wait3A_254] : memref<20480x64xf32, #tpu.memory_space<hbm>> -> memref<20480x64xf32, #tpu.memory_space<hbm>>
        tpu.wait_indirect_dma semaphore(%arg14 : memref<!tpu.dma_semaphore, #tpu.memory_space<semaphore_mem>>) src(%dma_wait3A_255 : memref<20480x64xf32, #tpu.memory_space<hbm>>) dst(%dma_wait3A_249 : memref<256x64xf32, #tpu.memory_space<vmem>>)
        %add3A_256 = arith.constant 1 : i32
        %add3A_257 = arith.addi %add3A_244, %add3A_256 : i32
        %lt3A_258 = arith.cmpi slt, %add3A_257, %mul3A_122 : i32
        %convert_element_type3A_259 = arith.extui %lt3A_258 : i1 to i32
        %cond3A_260 = arith.constant 0 : i32
        %cond3A_261 = arith.cmpi ne, %convert_element_type3A_259, %cond3A_260 : i32
        scf.if %cond3A_261 {
          %ge3A = arith.constant 1 : i32
          %ge3A_273 = arith.cmpi sge, %add3A_244, %ge3A : i32
          %convert_element_type3A_274 = arith.extui %ge3A_273 : i1 to i32
          %cond3A_275 = arith.constant 0 : i32
          %cond3A_276 = arith.cmpi ne, %convert_element_type3A_274, %cond3A_275 : i32
          scf.if %cond3A_276 {
            %dma_wait3A_290 = arith.constant 0 : i32
            %dma_wait3A_291 = arith.constant 0 : i32
            %dma_wait3A_292 = arith.constant 0 : i32
            %dma_wait3A_293 = arith.constant 0 : i32
            %dma_wait3A_294 = tpu.memref_slice %arg11[%dma_wait3A_290, %dma_wait3A_292, %dma_wait3A_293] : memref<2x256x64xf32, #tpu.memory_space<vmem>> -> memref<1x256x64xf32, #tpu.memory_space<vmem>>
            %dma_wait3A_295 = tpu.memref_squeeze %dma_wait3A_294 : memref<1x256x64xf32, #tpu.memory_space<vmem>> -> memref<256x64xf32, #tpu.memory_space<vmem>>
            %dma_wait3A_296 = arith.constant 0 : i32
            %dma_wait3A_297 = tpu.memref_slice %arg10[%dma_wait3A_291, %dma_wait3A_296] : memref<42x256xi32, #tpu.memory_space<vmem>> -> memref<1x256xi32, #tpu.memory_space<vmem>>
            %dma_wait3A_298 = tpu.memref_squeeze %dma_wait3A_297 : memref<1x256xi32, #tpu.memory_space<vmem>> -> memref<256xi32, #tpu.memory_space<vmem>>
            %dma_wait3A_299 = arith.constant 0 : i32
            %dma_wait3A_300 = arith.constant 0 : i32
            %dma_wait3A_301 = tpu.memref_slice %arg13[%dma_wait3A_299, %dma_wait3A_300] : memref<10240x64xf32, #tpu.memory_space<vmem_shared>> -> memref<10240x64xf32, #tpu.memory_space<vmem_shared>>
            tpu.wait_indirect_dma semaphore(%arg15 : memref<!tpu.dma_semaphore, #tpu.memory_space<semaphore_mem>>) src(%dma_wait3A_295 : memref<256x64xf32, #tpu.memory_space<vmem>>) dst(%dma_wait3A_301 : memref<10240x64xf32, #tpu.memory_space<vmem_shared>>)
          } else {
          }
          %add3A_277 = arith.constant 1 : i32
          %add3A_278 = arith.addi %add3A_244, %add3A_277 : i32
          %dma_start3A_279 = arith.constant 0 : i32
          %dma_start3A_280 = arith.constant 0 : i32
          %dma_start3A_281 = arith.constant 0 : i32
          %dma_start3A_282 = tpu.memref_slice %arg11[%dma_start3A_279, %dma_start3A_280, %dma_start3A_281] : memref<2x256x64xf32, #tpu.memory_space<vmem>> -> memref<1x256x64xf32, #tpu.memory_space<vmem>>
          %dma_start3A_283 = tpu.memref_squeeze %dma_start3A_282 : memref<1x256x64xf32, #tpu.memory_space<vmem>> -> memref<256x64xf32, #tpu.memory_space<vmem>>
          %dma_start3A_284 = arith.constant 0 : i32
          %dma_start3A_285 = tpu.memref_slice %arg9[%add3A_278, %dma_start3A_284] : memref<42x256xi32, #tpu.memory_space<vmem>> -> memref<1x256xi32, #tpu.memory_space<vmem>>
          %dma_start3A_286 = tpu.memref_squeeze %dma_start3A_285 : memref<1x256xi32, #tpu.memory_space<vmem>> -> memref<256xi32, #tpu.memory_space<vmem>>
          %dma_start3A_287 = arith.constant 0 : i32
          %dma_start3A_288 = arith.constant 0 : i32
          %dma_start3A_289 = tpu.memref_slice %arg2[%dma_start3A_287, %dma_start3A_288] : memref<20480x64xf32, #tpu.memory_space<hbm>> -> memref<20480x64xf32, #tpu.memory_space<hbm>>
          tpu.enqueue_indirect_dma source(%dma_start3A_289 : memref<20480x64xf32, #tpu.memory_space<hbm>>) target(%dma_start3A_283 : memref<256x64xf32, #tpu.memory_space<vmem>>) offsets(%dma_start3A_286 : memref<256xi32, #tpu.memory_space<vmem>>) semaphore(%arg14 : memref<!tpu.dma_semaphore, #tpu.memory_space<semaphore_mem>>)
        } else {
        }
        %dma_start3A_262 = arith.constant 1 : i32
        %dma_start3A_263 = arith.constant 0 : i32
        %dma_start3A_264 = arith.constant 0 : i32
        %dma_start3A_265 = tpu.memref_slice %arg11[%dma_start3A_262, %dma_start3A_263, %dma_start3A_264] : memref<2x256x64xf32, #tpu.memory_space<vmem>> -> memref<1x256x64xf32, #tpu.memory_space<vmem>>
        %dma_start3A_266 = tpu.memref_squeeze %dma_start3A_265 : memref<1x256x64xf32, #tpu.memory_space<vmem>> -> memref<256x64xf32, #tpu.memory_space<vmem>>
        %dma_start3A_267 = arith.constant 0 : i32
        %dma_start3A_268 = tpu.memref_slice %arg10[%add3A_244, %dma_start3A_267] : memref<42x256xi32, #tpu.memory_space<vmem>> -> memref<1x256xi32, #tpu.memory_space<vmem>>
        %dma_start3A_269 = tpu.memref_squeeze %dma_start3A_268 : memref<1x256xi32, #tpu.memory_space<vmem>> -> memref<256xi32, #tpu.memory_space<vmem>>
        %dma_start3A_270 = arith.constant 0 : i32
        %dma_start3A_271 = arith.constant 0 : i32
        %dma_start3A_272 = tpu.memref_slice %arg13[%dma_start3A_270, %dma_start3A_271] : memref<10240x64xf32, #tpu.memory_space<vmem_shared>> -> memref<10240x64xf32, #tpu.memory_space<vmem_shared>>
        tpu.enqueue_indirect_dma source(%dma_start3A_266 : memref<256x64xf32, #tpu.memory_space<vmem>>) target(%dma_start3A_272 : memref<10240x64xf32, #tpu.memory_space<vmem_shared>>) offsets(%dma_start3A_269 : memref<256xi32, #tpu.memory_space<vmem>>) semaphore(%arg15 : memref<!tpu.dma_semaphore, #tpu.memory_space<semaphore_mem>>) {add = true}
      }
      %while3A_184 = arith.constant 1 : i32
      scf.for %while3A_208 = %while3A_182 to %while3A_178 step %while3A_184  : i32 {
        %mul3A_209 = arith.constant 2 : i32
        %mul3A_210 = arith.muli %mul3A_209, %while3A_208 : i32
        %add3A_211 = arith.constant 0 : i32
        %add3A_212 = arith.addi %mul3A_210, %add3A_211 : i32
        %dma_wait3A_213 = arith.constant 0 : i32
        %dma_wait3A_214 = arith.constant 0 : i32
        %dma_wait3A_215 = arith.constant 0 : i32
        %dma_wait3A_216 = tpu.memref_slice %arg11[%dma_wait3A_213, %dma_wait3A_214, %dma_wait3A_215] : memref<2x256x64xf32, #tpu.memory_space<vmem>> -> memref<1x256x64xf32, #tpu.memory_space<vmem>>
        %dma_wait3A_217 = tpu.memref_squeeze %dma_wait3A_216 : memref<1x256x64xf32, #tpu.memory_space<vmem>> -> memref<256x64xf32, #tpu.memory_space<vmem>>
        %dma_wait3A_218 = arith.constant 0 : i32
        %dma_wait3A_219 = tpu.memref_slice %arg9[%add3A_212, %dma_wait3A_218] : memref<42x256xi32, #tpu.memory_space<vmem>> -> memref<1x256xi32, #tpu.memory_space<vmem>>
        %dma_wait3A_220 = tpu.memref_squeeze %dma_wait3A_219 : memref<1x256xi32, #tpu.memory_space<vmem>> -> memref<256xi32, #tpu.memory_space<vmem>>
        %dma_wait3A_221 = arith.constant 0 : i32
        %dma_wait3A_222 = arith.constant 0 : i32
        %dma_wait3A_223 = tpu.memref_slice %arg2[%dma_wait3A_221, %dma_wait3A_222] : memref<20480x64xf32, #tpu.memory_space<hbm>> -> memref<20480x64xf32, #tpu.memory_space<hbm>>
        tpu.wait_indirect_dma semaphore(%arg14 : memref<!tpu.dma_semaphore, #tpu.memory_space<semaphore_mem>>) src(%dma_wait3A_223 : memref<20480x64xf32, #tpu.memory_space<hbm>>) dst(%dma_wait3A_217 : memref<256x64xf32, #tpu.memory_space<vmem>>)
        %add3A_224 = arith.constant 1 : i32
        %add3A_225 = arith.addi %add3A_212, %add3A_224 : i32
        %lt3A_226 = arith.cmpi slt, %add3A_225, %mul3A_122 : i32
        %convert_element_type3A_227 = arith.extui %lt3A_226 : i1 to i32
        %cond3A_228 = arith.constant 0 : i32
        %cond3A_229 = arith.cmpi ne, %convert_element_type3A_227, %cond3A_228 : i32
        scf.if %cond3A_229 {
          %ge3A = arith.constant 1 : i32
          %ge3A_273 = arith.cmpi sge, %add3A_212, %ge3A : i32
          %convert_element_type3A_274 = arith.extui %ge3A_273 : i1 to i32
          %cond3A_275 = arith.constant 0 : i32
          %cond3A_276 = arith.cmpi ne, %convert_element_type3A_274, %cond3A_275 : i32
          scf.if %cond3A_276 {
            %dma_wait3A_290 = arith.constant 1 : i32
            %dma_wait3A_291 = arith.constant 0 : i32
            %dma_wait3A_292 = arith.constant 0 : i32
            %dma_wait3A_293 = arith.constant 0 : i32
            %dma_wait3A_294 = tpu.memref_slice %arg11[%dma_wait3A_290, %dma_wait3A_292, %dma_wait3A_293] : memref<2x256x64xf32, #tpu.memory_space<vmem>> -> memref<1x256x64xf32, #tpu.memory_space<vmem>>
            %dma_wait3A_295 = tpu.memref_squeeze %dma_wait3A_294 : memref<1x256x64xf32, #tpu.memory_space<vmem>> -> memref<256x64xf32, #tpu.memory_space<vmem>>
            %dma_wait3A_296 = arith.constant 0 : i32
            %dma_wait3A_297 = tpu.memref_slice %arg10[%dma_wait3A_291, %dma_wait3A_296] : memref<42x256xi32, #tpu.memory_space<vmem>> -> memref<1x256xi32, #tpu.memory_space<vmem>>
            %dma_wait3A_298 = tpu.memref_squeeze %dma_wait3A_297 : memref<1x256xi32, #tpu.memory_space<vmem>> -> memref<256xi32, #tpu.memory_space<vmem>>
            %dma_wait3A_299 = arith.constant 0 : i32
            %dma_wait3A_300 = arith.constant 0 : i32
            %dma_wait3A_301 = tpu.memref_slice %arg13[%dma_wait3A_299, %dma_wait3A_300] : memref<10240x64xf32, #tpu.memory_space<vmem_shared>> -> memref<10240x64xf32, #tpu.memory_space<vmem_shared>>
            tpu.wait_indirect_dma semaphore(%arg15 : memref<!tpu.dma_semaphore, #tpu.memory_space<semaphore_mem>>) src(%dma_wait3A_295 : memref<256x64xf32, #tpu.memory_space<vmem>>) dst(%dma_wait3A_301 : memref<10240x64xf32, #tpu.memory_space<vmem_shared>>)
          } else {
          }
          %add3A_277 = arith.constant 1 : i32
          %add3A_278 = arith.addi %add3A_212, %add3A_277 : i32
          %dma_start3A_279 = arith.constant 1 : i32
          %dma_start3A_280 = arith.constant 0 : i32
          %dma_start3A_281 = arith.constant 0 : i32
          %dma_start3A_282 = tpu.memref_slice %arg11[%dma_start3A_279, %dma_start3A_280, %dma_start3A_281] : memref<2x256x64xf32, #tpu.memory_space<vmem>> -> memref<1x256x64xf32, #tpu.memory_space<vmem>>
          %dma_start3A_283 = tpu.memref_squeeze %dma_start3A_282 : memref<1x256x64xf32, #tpu.memory_space<vmem>> -> memref<256x64xf32, #tpu.memory_space<vmem>>
          %dma_start3A_284 = arith.constant 0 : i32
          %dma_start3A_285 = tpu.memref_slice %arg9[%add3A_278, %dma_start3A_284] : memref<42x256xi32, #tpu.memory_space<vmem>> -> memref<1x256xi32, #tpu.memory_space<vmem>>
          %dma_start3A_286 = tpu.memref_squeeze %dma_start3A_285 : memref<1x256xi32, #tpu.memory_space<vmem>> -> memref<256xi32, #tpu.memory_space<vmem>>
          %dma_start3A_287 = arith.constant 0 : i32
          %dma_start3A_288 = arith.constant 0 : i32
          %dma_start3A_289 = tpu.memref_slice %arg2[%dma_start3A_287, %dma_start3A_288] : memref<20480x64xf32, #tpu.memory_space<hbm>> -> memref<20480x64xf32, #tpu.memory_space<hbm>>
          tpu.enqueue_indirect_dma source(%dma_start3A_289 : memref<20480x64xf32, #tpu.memory_space<hbm>>) target(%dma_start3A_283 : memref<256x64xf32, #tpu.memory_space<vmem>>) offsets(%dma_start3A_286 : memref<256xi32, #tpu.memory_space<vmem>>) semaphore(%arg14 : memref<!tpu.dma_semaphore, #tpu.memory_space<semaphore_mem>>)
        } else {
        }
        %dma_start3A_230 = arith.constant 0 : i32
        %dma_start3A_231 = arith.constant 0 : i32
        %dma_start3A_232 = arith.constant 0 : i32
        %dma_start3A_233 = tpu.memref_slice %arg11[%dma_start3A_230, %dma_start3A_231, %dma_start3A_232] : memref<2x256x64xf32, #tpu.memory_space<vmem>> -> memref<1x256x64xf32, #tpu.memory_space<vmem>>
        %dma_start3A_234 = tpu.memref_squeeze %dma_start3A_233 : memref<1x256x64xf32, #tpu.memory_space<vmem>> -> memref<256x64xf32, #tpu.memory_space<vmem>>
        %dma_start3A_235 = arith.constant 0 : i32
        %dma_start3A_236 = tpu.memref_slice %arg10[%add3A_212, %dma_start3A_235] : memref<42x256xi32, #tpu.memory_space<vmem>> -> memref<1x256xi32, #tpu.memory_space<vmem>>
        %dma_start3A_237 = tpu.memref_squeeze %dma_start3A_236 : memref<1x256xi32, #tpu.memory_space<vmem>> -> memref<256xi32, #tpu.memory_space<vmem>>
        %dma_start3A_238 = arith.constant 0 : i32
        %dma_start3A_239 = arith.constant 0 : i32
        %dma_start3A_240 = tpu.memref_slice %arg13[%dma_start3A_238, %dma_start3A_239] : memref<10240x64xf32, #tpu.memory_space<vmem_shared>> -> memref<10240x64xf32, #tpu.memory_space<vmem_shared>>
        tpu.enqueue_indirect_dma source(%dma_start3A_234 : memref<256x64xf32, #tpu.memory_space<vmem>>) target(%dma_start3A_240 : memref<10240x64xf32, #tpu.memory_space<vmem_shared>>) offsets(%dma_start3A_237 : memref<256xi32, #tpu.memory_space<vmem>>) semaphore(%arg15 : memref<!tpu.dma_semaphore, #tpu.memory_space<semaphore_mem>>) {add = true}
        %mul3A_241 = arith.constant 2 : i32
        %mul3A_242 = arith.muli %mul3A_241, %while3A_208 : i32
        %add3A_243 = arith.constant 1 : i32
        %add3A_244 = arith.addi %mul3A_242, %add3A_243 : i32
        %dma_wait3A_245 = arith.constant 1 : i32
        %dma_wait3A_246 = arith.constant 0 : i32
        %dma_wait3A_247 = arith.constant 0 : i32
        %dma_wait3A_248 = tpu.memref_slice %arg11[%dma_wait3A_245, %dma_wait3A_246, %dma_wait3A_247] : memref<2x256x64xf32, #tpu.memory_space<vmem>> -> memref<1x256x64xf32, #tpu.memory_space<vmem>>
        %dma_wait3A_249 = tpu.memref_squeeze %dma_wait3A_248 : memref<1x256x64xf32, #tpu.memory_space<vmem>> -> memref<256x64xf32, #tpu.memory_space<vmem>>
        %dma_wait3A_250 = arith.constant 0 : i32
        %dma_wait3A_251 = tpu.memref_slice %arg9[%add3A_244, %dma_wait3A_250] : memref<42x256xi32, #tpu.memory_space<vmem>> -> memref<1x256xi32, #tpu.memory_space<vmem>>
        %dma_wait3A_252 = tpu.memref_squeeze %dma_wait3A_251 : memref<1x256xi32, #tpu.memory_space<vmem>> -> memref<256xi32, #tpu.memory_space<vmem>>
        %dma_wait3A_253 = arith.constant 0 : i32
        %dma_wait3A_254 = arith.constant 0 : i32
        %dma_wait3A_255 = tpu.memref_slice %arg2[%dma_wait3A_253, %dma_wait3A_254] : memref<20480x64xf32, #tpu.memory_space<hbm>> -> memref<20480x64xf32, #tpu.memory_space<hbm>>
        tpu.wait_indirect_dma semaphore(%arg14 : memref<!tpu.dma_semaphore, #tpu.memory_space<semaphore_mem>>) src(%dma_wait3A_255 : memref<20480x64xf32, #tpu.memory_space<hbm>>) dst(%dma_wait3A_249 : memref<256x64xf32, #tpu.memory_space<vmem>>)
        %add3A_256 = arith.constant 1 : i32
        %add3A_257 = arith.addi %add3A_244, %add3A_256 : i32
        %lt3A_258 = arith.cmpi slt, %add3A_257, %mul3A_122 : i32
        %convert_element_type3A_259 = arith.extui %lt3A_258 : i1 to i32
        %cond3A_260 = arith.constant 0 : i32
        %cond3A_261 = arith.cmpi ne, %convert_element_type3A_259, %cond3A_260 : i32
        scf.if %cond3A_261 {
          %ge3A = arith.constant 1 : i32
          %ge3A_273 = arith.cmpi sge, %add3A_244, %ge3A : i32
          %convert_element_type3A_274 = arith.extui %ge3A_273 : i1 to i32
          %cond3A_275 = arith.constant 0 : i32
          %cond3A_276 = arith.cmpi ne, %convert_element_type3A_274, %cond3A_275 : i32
          scf.if %cond3A_276 {
            %dma_wait3A_290 = arith.constant 0 : i32
            %dma_wait3A_291 = arith.constant 0 : i32
            %dma_wait3A_292 = arith.constant 0 : i32
            %dma_wait3A_293 = arith.constant 0 : i32
            %dma_wait3A_294 = tpu.memref_slice %arg11[%dma_wait3A_290, %dma_wait3A_292, %dma_wait3A_293] : memref<2x256x64xf32, #tpu.memory_space<vmem>> -> memref<1x256x64xf32, #tpu.memory_space<vmem>>
            %dma_wait3A_295 = tpu.memref_squeeze %dma_wait3A_294 : memref<1x256x64xf32, #tpu.memory_space<vmem>> -> memref<256x64xf32, #tpu.memory_space<vmem>>
            %dma_wait3A_296 = arith.constant 0 : i32
            %dma_wait3A_297 = tpu.memref_slice %arg10[%dma_wait3A_291, %dma_wait3A_296] : memref<42x256xi32, #tpu.memory_space<vmem>> -> memref<1x256xi32, #tpu.memory_space<vmem>>
            %dma_wait3A_298 = tpu.memref_squeeze %dma_wait3A_297 : memref<1x256xi32, #tpu.memory_space<vmem>> -> memref<256xi32, #tpu.memory_space<vmem>>
            %dma_wait3A_299 = arith.constant 0 : i32
            %dma_wait3A_300 = arith.constant 0 : i32
            %dma_wait3A_301 = tpu.memref_slice %arg13[%dma_wait3A_299, %dma_wait3A_300] : memref<10240x64xf32, #tpu.memory_space<vmem_shared>> -> memref<10240x64xf32, #tpu.memory_space<vmem_shared>>
            tpu.wait_indirect_dma semaphore(%arg15 : memref<!tpu.dma_semaphore, #tpu.memory_space<semaphore_mem>>) src(%dma_wait3A_295 : memref<256x64xf32, #tpu.memory_space<vmem>>) dst(%dma_wait3A_301 : memref<10240x64xf32, #tpu.memory_space<vmem_shared>>)
          } else {
          }
          %add3A_277 = arith.constant 1 : i32
          %add3A_278 = arith.addi %add3A_244, %add3A_277 : i32
          %dma_start3A_279 = arith.constant 0 : i32
          %dma_start3A_280 = arith.constant 0 : i32
          %dma_start3A_281 = arith.constant 0 : i32
          %dma_start3A_282 = tpu.memref_slice %arg11[%dma_start3A_279, %dma_start3A_280, %dma_start3A_281] : memref<2x256x64xf32, #tpu.memory_space<vmem>> -> memref<1x256x64xf32, #tpu.memory_space<vmem>>
          %dma_start3A_283 = tpu.memref_squeeze %dma_start3A_282 : memref<1x256x64xf32, #tpu.memory_space<vmem>> -> memref<256x64xf32, #tpu.memory_space<vmem>>
          %dma_start3A_284 = arith.constant 0 : i32
          %dma_start3A_285 = tpu.memref_slice %arg9[%add3A_278, %dma_start3A_284] : memref<42x256xi32, #tpu.memory_space<vmem>> -> memref<1x256xi32, #tpu.memory_space<vmem>>
          %dma_start3A_286 = tpu.memref_squeeze %dma_start3A_285 : memref<1x256xi32, #tpu.memory_space<vmem>> -> memref<256xi32, #tpu.memory_space<vmem>>
          %dma_start3A_287 = arith.constant 0 : i32
          %dma_start3A_288 = arith.constant 0 : i32
          %dma_start3A_289 = tpu.memref_slice %arg2[%dma_start3A_287, %dma_start3A_288] : memref<20480x64xf32, #tpu.memory_space<hbm>> -> memref<20480x64xf32, #tpu.memory_space<hbm>>
          tpu.enqueue_indirect_dma source(%dma_start3A_289 : memref<20480x64xf32, #tpu.memory_space<hbm>>) target(%dma_start3A_283 : memref<256x64xf32, #tpu.memory_space<vmem>>) offsets(%dma_start3A_286 : memref<256xi32, #tpu.memory_space<vmem>>) semaphore(%arg14 : memref<!tpu.dma_semaphore, #tpu.memory_space<semaphore_mem>>)
        } else {
        }
        %dma_start3A_262 = arith.constant 1 : i32
        %dma_start3A_263 = arith.constant 0 : i32
        %dma_start3A_264 = arith.constant 0 : i32
        %dma_start3A_265 = tpu.memref_slice %arg11[%dma_start3A_262, %dma_start3A_263, %dma_start3A_264] : memref<2x256x64xf32, #tpu.memory_space<vmem>> -> memref<1x256x64xf32, #tpu.memory_space<vmem>>
        %dma_start3A_266 = tpu.memref_squeeze %dma_start3A_265 : memref<1x256x64xf32, #tpu.memory_space<vmem>> -> memref<256x64xf32, #tpu.memory_space<vmem>>
        %dma_start3A_267 = arith.constant 0 : i32
        %dma_start3A_268 = tpu.memref_slice %arg10[%add3A_244, %dma_start3A_267] : memref<42x256xi32, #tpu.memory_space<vmem>> -> memref<1x256xi32, #tpu.memory_space<vmem>>
        %dma_start3A_269 = tpu.memref_squeeze %dma_start3A_268 : memref<1x256xi32, #tpu.memory_space<vmem>> -> memref<256xi32, #tpu.memory_space<vmem>>
        %dma_start3A_270 = arith.constant 0 : i32
        %dma_start3A_271 = arith.constant 0 : i32
        %dma_start3A_272 = tpu.memref_slice %arg13[%dma_start3A_270, %dma_start3A_271] : memref<10240x64xf32, #tpu.memory_space<vmem_shared>> -> memref<10240x64xf32, #tpu.memory_space<vmem_shared>>
        tpu.enqueue_indirect_dma source(%dma_start3A_266 : memref<256x64xf32, #tpu.memory_space<vmem>>) target(%dma_start3A_272 : memref<10240x64xf32, #tpu.memory_space<vmem_shared>>) offsets(%dma_start3A_269 : memref<256xi32, #tpu.memory_space<vmem>>) semaphore(%arg15 : memref<!tpu.dma_semaphore, #tpu.memory_space<semaphore_mem>>) {add = true}
      }
      %dma_wait3A = arith.constant 0 : i32
      %dma_wait3A_185 = arith.constant 0 : i32
      %dma_wait3A_186 = arith.constant 0 : i32
      %dma_wait3A_187 = arith.constant 0 : i32
      %dma_wait3A_188 = tpu.memref_slice %arg11[%dma_wait3A, %dma_wait3A_186, %dma_wait3A_187] : memref<2x256x64xf32, #tpu.memory_space<vmem>> -> memref<1x256x64xf32, #tpu.memory_space<vmem>>
      %dma_wait3A_189 = tpu.memref_squeeze %dma_wait3A_188 : memref<1x256x64xf32, #tpu.memory_space<vmem>> -> memref<256x64xf32, #tpu.memory_space<vmem>>
      %dma_wait3A_190 = arith.constant 0 : i32
      %dma_wait3A_191 = tpu.memref_slice %arg10[%dma_wait3A_185, %dma_wait3A_190] : memref<42x256xi32, #tpu.memory_space<vmem>> -> memref<1x256xi32, #tpu.memory_space<vmem>>
      %dma_wait3A_192 = tpu.memref_squeeze %dma_wait3A_191 : memref<1x256xi32, #tpu.memory_space<vmem>> -> memref<256xi32, #tpu.memory_space<vmem>>
      %dma_wait3A_193 = arith.constant 0 : i32
      %dma_wait3A_194 = arith.constant 0 : i32
      %dma_wait3A_195 = tpu.memref_slice %arg13[%dma_wait3A_193, %dma_wait3A_194] : memref<10240x64xf32, #tpu.memory_space<vmem_shared>> -> memref<10240x64xf32, #tpu.memory_space<vmem_shared>>
      tpu.wait_indirect_dma semaphore(%arg15 : memref<!tpu.dma_semaphore, #tpu.memory_space<semaphore_mem>>) src(%dma_wait3A_189 : memref<256x64xf32, #tpu.memory_space<vmem>>) dst(%dma_wait3A_195 : memref<10240x64xf32, #tpu.memory_space<vmem_shared>>)
      %dma_wait3A_196 = arith.constant 1 : i32
      %dma_wait3A_197 = arith.constant 0 : i32
      %dma_wait3A_198 = arith.constant 0 : i32
      %dma_wait3A_199 = arith.constant 0 : i32
      %dma_wait3A_200 = tpu.memref_slice %arg11[%dma_wait3A_196, %dma_wait3A_198, %dma_wait3A_199] : memref<2x256x64xf32, #tpu.memory_space<vmem>> -> memref<1x256x64xf32, #tpu.memory_space<vmem>>
      %dma_wait3A_201 = tpu.memref_squeeze %dma_wait3A_200 : memref<1x256x64xf32, #tpu.memory_space<vmem>> -> memref<256x64xf32, #tpu.memory_space<vmem>>
      %dma_wait3A_202 = arith.constant 0 : i32
      %dma_wait3A_203 = tpu.memref_slice %arg10[%dma_wait3A_197, %dma_wait3A_202] : memref<42x256xi32, #tpu.memory_space<vmem>> -> memref<1x256xi32, #tpu.memory_space<vmem>>
      %dma_wait3A_204 = tpu.memref_squeeze %dma_wait3A_203 : memref<1x256xi32, #tpu.memory_space<vmem>> -> memref<256xi32, #tpu.memory_space<vmem>>
      %dma_wait3A_205 = arith.constant 0 : i32
      %dma_wait3A_206 = arith.constant 0 : i32
      %dma_wait3A_207 = tpu.memref_slice %arg13[%dma_wait3A_205, %dma_wait3A_206] : memref<10240x64xf32, #tpu.memory_space<vmem_shared>> -> memref<10240x64xf32, #tpu.memory_space<vmem_shared>>
      tpu.wait_indirect_dma semaphore(%arg15 : memref<!tpu.dma_semaphore, #tpu.memory_space<semaphore_mem>>) src(%dma_wait3A_201 : memref<256x64xf32, #tpu.memory_space<vmem>>) dst(%dma_wait3A_207 : memref<10240x64xf32, #tpu.memory_space<vmem_shared>>)
    } else {
    }
    %barrier3A_128 = arith.constant 0 : index
    tpu.barrier barrier_id(%barrier3A_128)
    %mul3A_129 = arith.constant 125 : i32
    %mul3A_130 = arith.muli %arg1, %mul3A_129 : i32
    "tpu.region"() ({
      %run_scoped3A = tpu.sem_alloc : memref<!tpu.dma_semaphore, #tpu.memory_space<semaphore_mem>>
      %dma_start3A = arith.constant 0 : i32
      %dma_start3A_131 = tpu.memref_slice %arg8[%arg0, %mul3A_130, %dma_start3A] : memref<2x2000x64xf32, #tpu.memory_space<hbm>> -> memref<1x125x64xf32, #tpu.memory_space<hbm>>
      %dma_start3A_132 = tpu.memref_squeeze %dma_start3A_131 : memref<1x125x64xf32, #tpu.memory_space<hbm>> -> memref<125x64xf32, #tpu.memory_space<hbm>>
      %dma_start3A_133 = arith.constant 0 : i32
      %dma_start3A_134 = tpu.memref_slice %arg13[%add3A_34, %dma_start3A_133] : memref<10240x64xf32, #tpu.memory_space<vmem_shared>> -> memref<125x64xf32, #tpu.memory_space<vmem_shared>>
      tpu.enqueue_dma source(%dma_start3A_134 : memref<125x64xf32, #tpu.memory_space<vmem_shared>>) target(%dma_start3A_132 : memref<125x64xf32, #tpu.memory_space<hbm>>) target_semaphore(%run_scoped3A : memref<!tpu.dma_semaphore, #tpu.memory_space<semaphore_mem>>)
      %dma_wait3A = arith.constant 0 : i32
      %dma_wait3A_135 = tpu.memref_slice %arg8[%arg0, %mul3A_130, %dma_wait3A] : memref<2x2000x64xf32, #tpu.memory_space<hbm>> -> memref<1x125x64xf32, #tpu.memory_space<hbm>>
      %dma_wait3A_136 = tpu.memref_squeeze %dma_wait3A_135 : memref<1x125x64xf32, #tpu.memory_space<hbm>> -> memref<125x64xf32, #tpu.memory_space<hbm>>
      %dma_wait3A_137 = arith.constant 0 : i32
      %dma_wait3A_138 = tpu.memref_slice %arg13[%add3A_34, %dma_wait3A_137] : memref<10240x64xf32, #tpu.memory_space<vmem_shared>> -> memref<125x64xf32, #tpu.memory_space<vmem_shared>>
      tpu.wait_dma2 semaphore(%run_scoped3A : memref<!tpu.dma_semaphore, #tpu.memory_space<semaphore_mem>>) src(%dma_wait3A_138 : memref<125x64xf32, #tpu.memory_space<vmem_shared>>) dst(%dma_wait3A_136 : memref<125x64xf32, #tpu.memory_space<hbm>>)
      tpu.yield
    }) : () -> ()
    return
  }
}

module attributes {stable_mosaic.version = 14 : i64} {
  func.func @_prep_body(%arg0: i32, %arg1: memref<2x2x1024x1xf32, #tpu.memory_space<vmem>>, %arg2: memref<1024x128xf32, #tpu.memory_space<vmem>>, %arg3: memref<1x128xf32, #tpu.memory_space<vmem>>, %arg4: memref<1x128xf32, #tpu.memory_space<vmem>>, %arg5: memref<2x1024x64xf32, #tpu.memory_space<vmem>>, %arg6: memref<2x1024x1xf32, #tpu.memory_space<vmem>>) attributes {dimension_semantics = [#tpu.dimension_semantics<arbitrary>], iteration_bounds = array<i64: 10>, scalar_prefetch = 0 : i64, scratch_operands = 0 : i64, tpu.core_type = #tpu.core_type<tc>, window_params = [{transform_indices = @transform_0, window_bounds = array<i64: 2, 2, 1024, 1>}, {transform_indices = @transform_1, window_bounds = array<i64: 1024, 128>}, {pipeline_mode = #tpu.pipeline_mode<synchronous>, transform_indices = @transform_2, window_bounds = array<i64: 1, 128>}, {pipeline_mode = #tpu.pipeline_mode<synchronous>, transform_indices = @transform_3, window_bounds = array<i64: 1, 128>}, {transform_indices = @transform_4, window_bounds = array<i64: 2, 1024, 64>}, {transform_indices = @transform_5, window_bounds = array<i64: 2, 1024, 1>}]} {
    %get3A = arith.constant 0 : index
    %get3A_0 = arith.constant 0 : index
    %get3A_1 = arith.constant 0 : index
    %get3A_2 = arith.constant 0 : index
    %get3A_3 = vector.load %arg1[%get3A, %get3A_0, %get3A_1, %get3A_2] : memref<2x2x1024x1xf32, #tpu.memory_space<vmem>>, vector<1x1x1024x1xf32>
    %get3A_4 = vector.shape_cast %get3A_3 : vector<1x1x1024x1xf32> to vector<1024x1xf32>
    %get3A_5 = arith.constant 1 : index
    %get3A_6 = arith.constant 0 : index
    %get3A_7 = arith.constant 0 : index
    %get3A_8 = arith.constant 0 : index
    %get3A_9 = vector.load %arg1[%get3A_5, %get3A_6, %get3A_7, %get3A_8] : memref<2x2x1024x1xf32, #tpu.memory_space<vmem>>, vector<1x1x1024x1xf32>
    %get3A_10 = vector.shape_cast %get3A_9 : vector<1x1x1024x1xf32> to vector<1024x1xf32>
    %add3A = arith.addf %get3A_4, %get3A_10 : vector<1024x1xf32>
    %get3A_11 = arith.constant 0 : index
    %get3A_12 = arith.constant 1 : index
    %get3A_13 = arith.constant 0 : index
    %get3A_14 = arith.constant 0 : index
    %get3A_15 = vector.load %arg1[%get3A_11, %get3A_12, %get3A_13, %get3A_14] : memref<2x2x1024x1xf32, #tpu.memory_space<vmem>>, vector<1x1x1024x1xf32>
    %get3A_16 = vector.shape_cast %get3A_15 : vector<1x1x1024x1xf32> to vector<1024x1xf32>
    %get3A_17 = arith.constant 1 : index
    %get3A_18 = arith.constant 1 : index
    %get3A_19 = arith.constant 0 : index
    %get3A_20 = arith.constant 0 : index
    %get3A_21 = vector.load %arg1[%get3A_17, %get3A_18, %get3A_19, %get3A_20] : memref<2x2x1024x1xf32, #tpu.memory_space<vmem>>, vector<1x1x1024x1xf32>
    %get3A_22 = vector.shape_cast %get3A_21 : vector<1x1x1024x1xf32> to vector<1024x1xf32>
    %add3A_23 = arith.addf %get3A_16, %get3A_22 : vector<1024x1xf32>
    %max3A = arith.constant 1.000000e+00 : f32
    %max3A_24 = vector.broadcast %max3A : f32 to vector<1024x1xf32>
    %max3A_25 = arith.maximumf %add3A, %max3A_24 : vector<1024x1xf32>
    %rsqrt3A = math.rsqrt %max3A_25 : vector<1024x1xf32>
    %swap3A = arith.constant 0 : index
    %swap3A_26 = arith.constant 0 : index
    %swap3A_27 = arith.constant 0 : index
    %swap3A_28 = vector.load %arg6[%swap3A, %swap3A_26, %swap3A_27] : memref<2x1024x1xf32, #tpu.memory_space<vmem>>, vector<1x1024x1xf32>
    %swap3A_29 = vector.shape_cast %swap3A_28 : vector<1x1024x1xf32> to vector<1024x1xf32>
    %swap3A_30 = vector.shape_cast %rsqrt3A : vector<1024x1xf32> to vector<1x1024x1xf32>
    tpu.vector_store %arg6[%swap3A, %swap3A_26, %swap3A_27], %swap3A_30 {strides = array<i32>} : memref<2x1024x1xf32, #tpu.memory_space<vmem>>, vector<1x1024x1xf32>,
    %max3A_31 = arith.constant 1.000000e+00 : f32
    %max3A_32 = vector.broadcast %max3A_31 : f32 to vector<1024x1xf32>
    %max3A_33 = arith.maximumf %add3A_23, %max3A_32 : vector<1024x1xf32>
    %rsqrt3A_34 = math.rsqrt %max3A_33 : vector<1024x1xf32>
    %swap3A_35 = arith.constant 1 : index
    %swap3A_36 = arith.constant 0 : index
    %swap3A_37 = arith.constant 0 : index
    %swap3A_38 = vector.load %arg6[%swap3A_35, %swap3A_36, %swap3A_37] : memref<2x1024x1xf32, #tpu.memory_space<vmem>>, vector<1x1024x1xf32>
    %swap3A_39 = vector.shape_cast %swap3A_38 : vector<1x1024x1xf32> to vector<1024x1xf32>
    %swap3A_40 = vector.shape_cast %rsqrt3A_34 : vector<1024x1xf32> to vector<1x1024x1xf32>
    tpu.vector_store %arg6[%swap3A_35, %swap3A_36, %swap3A_37], %swap3A_40 {strides = array<i32>} : memref<2x1024x1xf32, #tpu.memory_space<vmem>>, vector<1x1024x1xf32>,
    %get3A_41 = arith.constant 0 : index
    %get3A_42 = arith.constant 0 : index
    %get3A_43 = vector.load %arg2[%get3A_41, %get3A_42] : memref<1024x128xf32, #tpu.memory_space<vmem>>, vector<1024x128xf32>
    %reduce_sum3A = arith.constant dense<0.000000e+00> : vector<1024xf32>
    %reduce_sum3A_44 = vector.multi_reduction <add>, %get3A_43, %reduce_sum3A [1] : vector<1024x128xf32> to vector<1024xf32>
    %broadcast_in_dim3A = vector.shape_cast %reduce_sum3A_44 : vector<1024xf32> to vector<1024x1xf32>
    %div3A = arith.constant 1.280000e+02 : f32
    %div3A_45 = vector.broadcast %div3A : f32 to vector<1024x1xf32>
    %div3A_46 = arith.divf %broadcast_in_dim3A, %div3A_45 : vector<1024x1xf32>
    %sub3A = vector.broadcast %div3A_46 : vector<1024x1xf32> to vector<1024x128xf32>
    %sub3A_47 = arith.subf %get3A_43, %sub3A : vector<1024x128xf32>
    %sub3A_48 = vector.broadcast %div3A_46 : vector<1024x1xf32> to vector<1024x128xf32>
    %sub3A_49 = arith.subf %get3A_43, %sub3A_48 : vector<1024x128xf32>
    %mul3A = arith.mulf %sub3A_47, %sub3A_49 : vector<1024x128xf32>
    %reduce_sum3A_50 = arith.constant dense<0.000000e+00> : vector<1024xf32>
    %reduce_sum3A_51 = vector.multi_reduction <add>, %mul3A, %reduce_sum3A_50 [1] : vector<1024x128xf32> to vector<1024xf32>
    %broadcast_in_dim3A_52 = vector.shape_cast %reduce_sum3A_51 : vector<1024xf32> to vector<1024x1xf32>
    %div3A_53 = arith.constant 1.280000e+02 : f32
    %div3A_54 = vector.broadcast %div3A_53 : f32 to vector<1024x1xf32>
    %div3A_55 = arith.divf %broadcast_in_dim3A_52, %div3A_54 : vector<1024x1xf32>
    %sub3A_56 = vector.broadcast %div3A_46 : vector<1024x1xf32> to vector<1024x128xf32>
    %sub3A_57 = arith.subf %get3A_43, %sub3A_56 : vector<1024x128xf32>
    %add3A_58 = arith.constant 9.99999974E-6 : f32
    %add3A_59 = vector.broadcast %add3A_58 : f32 to vector<1024x1xf32>
    %add3A_60 = arith.addf %div3A_55, %add3A_59 : vector<1024x1xf32>
    %rsqrt3A_61 = math.rsqrt %add3A_60 : vector<1024x1xf32>
    %mul3A_62 = vector.broadcast %rsqrt3A_61 : vector<1024x1xf32> to vector<1024x128xf32>
    %mul3A_63 = arith.mulf %sub3A_57, %mul3A_62 : vector<1024x128xf32>
    %get3A_64 = arith.constant 0 : index
    %get3A_65 = arith.constant 0 : index
    %get3A_66 = vector.load %arg3[%get3A_64, %get3A_65] : memref<1x128xf32, #tpu.memory_space<vmem>>, vector<1x128xf32>
    %mul3A_67 = vector.broadcast %get3A_66 : vector<1x128xf32> to vector<1024x128xf32>
    %mul3A_68 = arith.mulf %mul3A_63, %mul3A_67 : vector<1024x128xf32>
    %get3A_69 = arith.constant 0 : index
    %get3A_70 = arith.constant 0 : index
    %get3A_71 = vector.load %arg4[%get3A_69, %get3A_70] : memref<1x128xf32, #tpu.memory_space<vmem>>, vector<1x128xf32>
    %add3A_72 = vector.broadcast %get3A_71 : vector<1x128xf32> to vector<1024x128xf32>
    %add3A_73 = arith.addf %mul3A_68, %add3A_72 : vector<1024x128xf32>
    %mul3A_74 = vector.broadcast %rsqrt3A : vector<1024x1xf32> to vector<1024x128xf32>
    %mul3A_75 = arith.mulf %add3A_73, %mul3A_74 : vector<1024x128xf32>
    %slice3A = vector.extract_strided_slice %mul3A_75 {offsets = [0, 0], sizes = [1024, 64], strides = [1, 1]} : vector<1024x128xf32> to vector<1024x64xf32>
    %swap3A_76 = arith.constant 0 : index
    %swap3A_77 = arith.constant 0 : index
    %swap3A_78 = arith.constant 0 : index
    %swap3A_79 = vector.load %arg5[%swap3A_76, %swap3A_77, %swap3A_78] : memref<2x1024x64xf32, #tpu.memory_space<vmem>>, vector<1x1024x64xf32>
    %swap3A_80 = vector.shape_cast %swap3A_79 : vector<1x1024x64xf32> to vector<1024x64xf32>
    %swap3A_81 = vector.shape_cast %slice3A : vector<1024x64xf32> to vector<1x1024x64xf32>
    tpu.vector_store %arg5[%swap3A_76, %swap3A_77, %swap3A_78], %swap3A_81 {strides = array<i32>} : memref<2x1024x64xf32, #tpu.memory_space<vmem>>, vector<1x1024x64xf32>,
    %slice3A_82 = vector.extract_strided_slice %mul3A_75 {offsets = [0, 64], sizes = [1024, 64], strides = [1, 1]} : vector<1024x128xf32> to vector<1024x64xf32>
    %swap3A_83 = arith.constant 1 : index
    %swap3A_84 = arith.constant 0 : index
    %swap3A_85 = arith.constant 0 : index
    %swap3A_86 = vector.load %arg5[%swap3A_83, %swap3A_84, %swap3A_85] : memref<2x1024x64xf32, #tpu.memory_space<vmem>>, vector<1x1024x64xf32>
    %swap3A_87 = vector.shape_cast %swap3A_86 : vector<1x1024x64xf32> to vector<1024x64xf32>
    %swap3A_88 = vector.shape_cast %slice3A_82 : vector<1024x64xf32> to vector<1x1024x64xf32>
    tpu.vector_store %arg5[%swap3A_83, %swap3A_84, %swap3A_85], %swap3A_88 {strides = array<i32>} : memref<2x1024x64xf32, #tpu.memory_space<vmem>>, vector<1x1024x64xf32>,
    return
  }
  func.func @transform_0(%arg0: i32) -> (i32, i32, i32, i32) {
    %c0_i32 = arith.constant 0 : i32
    %c0_i32_0 = arith.constant 0 : i32
    %c0_i32_1 = arith.constant 0 : i32
    %c0_i32_2 = arith.constant 0 : i32
    return %c0_i32, %c0_i32_0, %arg0, %c0_i32_1 : i32, i32, i32, i32
  }
  func.func @transform_1(%arg0: i32) -> (i32, i32) {
    %c0_i32 = arith.constant 0 : i32
    %c0_i32_0 = arith.constant 0 : i32
    return %arg0, %c0_i32 : i32, i32
  }
  func.func @transform_2(%arg0: i32) -> (i32, i32) {
    %c0_i32 = arith.constant 0 : i32
    %c0_i32_0 = arith.constant 0 : i32
    %c0_i32_1 = arith.constant 0 : i32
    return %c0_i32, %c0_i32_0 : i32, i32
  }
  func.func @transform_3(%arg0: i32) -> (i32, i32) {
    %c0_i32 = arith.constant 0 : i32
    %c0_i32_0 = arith.constant 0 : i32
    %c0_i32_1 = arith.constant 0 : i32
    return %c0_i32, %c0_i32_0 : i32, i32
  }
  func.func @transform_4(%arg0: i32) -> (i32, i32, i32) {
    %c0_i32 = arith.constant 0 : i32
    %c0_i32_0 = arith.constant 0 : i32
    %c0_i32_1 = arith.constant 0 : i32
    return %c0_i32, %arg0, %c0_i32_0 : i32, i32, i32
  }
  func.func @transform_5(%arg0: i32) -> (i32, i32, i32) {
    %c0_i32 = arith.constant 0 : i32
    %c0_i32_0 = arith.constant 0 : i32
    %c0_i32_1 = arith.constant 0 : i32
    return %c0_i32, %arg0, %c0_i32_0 : i32, i32, i32
  }
}

module attributes {stable_mosaic.version = 14 : i64} {
  func.func @_layer_body(%arg0: i32, %arg1: memref<2x1024x64xf32, #tpu.memory_space<vmem>>, %arg2: memref<1024x1xf32, #tpu.memory_space<vmem>>, %arg3: memref<1024x1xf32, #tpu.memory_space<vmem>>, %arg4: memref<128x128xf32, #tpu.memory_space<vmem>>, %arg5: memref<1x128xf32, #tpu.memory_space<vmem>>, %arg6: memref<2x1024x64xf32, #tpu.memory_space<vmem>>) attributes {dimension_semantics = [#tpu.dimension_semantics<arbitrary>], iteration_bounds = array<i64: 10>, scalar_prefetch = 0 : i64, scratch_operands = 0 : i64, tpu.core_type = #tpu.core_type<tc>, window_params = [{transform_indices = @transform_0, window_bounds = array<i64: 2, 1024, 64>}, {transform_indices = @transform_1, window_bounds = array<i64: 1024, 1>}, {transform_indices = @transform_2, window_bounds = array<i64: 1024, 1>}, {pipeline_mode = #tpu.pipeline_mode<synchronous>, transform_indices = @transform_3, window_bounds = array<i64: 128, 128>}, {pipeline_mode = #tpu.pipeline_mode<synchronous>, transform_indices = @transform_4, window_bounds = array<i64: 1, 128>}, {transform_indices = @transform_5, window_bounds = array<i64: 2, 1024, 64>}]} {
    %get3A = arith.constant 0 : index
    %get3A_0 = arith.constant 0 : index
    %get3A_1 = arith.constant 0 : index
    %get3A_2 = vector.load %arg1[%get3A, %get3A_0, %get3A_1] : memref<2x1024x64xf32, #tpu.memory_space<vmem>>, vector<1x1024x64xf32>
    %get3A_3 = vector.shape_cast %get3A_2 : vector<1x1024x64xf32> to vector<1024x64xf32>
    %get3A_4 = arith.constant 1 : index
    %get3A_5 = arith.constant 0 : index
    %get3A_6 = arith.constant 0 : index
    %get3A_7 = vector.load %arg1[%get3A_4, %get3A_5, %get3A_6] : memref<2x1024x64xf32, #tpu.memory_space<vmem>>, vector<1x1024x64xf32>
    %get3A_8 = vector.shape_cast %get3A_7 : vector<1x1024x64xf32> to vector<1024x64xf32>
    %concatenate3A = tpu.concatenate %get3A_3, %get3A_8 in 1 : vector<1024x64xf32>, vector<1024x64xf32> -> vector<1024x128xf32>
    %get3A_9 = arith.constant 0 : index
    %get3A_10 = arith.constant 0 : index
    %get3A_11 = vector.load %arg2[%get3A_9, %get3A_10] : memref<1024x1xf32, #tpu.memory_space<vmem>>, vector<1024x1xf32>
    %mul3A = vector.broadcast %get3A_11 : vector<1024x1xf32> to vector<1024x128xf32>
    %mul3A_12 = arith.mulf %concatenate3A, %mul3A : vector<1024x128xf32>
    %get3A_13 = arith.constant 0 : index
    %get3A_14 = arith.constant 0 : index
    %get3A_15 = vector.load %arg4[%get3A_13, %get3A_14] : memref<128x128xf32, #tpu.memory_space<vmem>>, vector<128x128xf32>
    %dot_general3A = arith.constant dense<0.000000e+00> : vector<1024x128xf32>
    %dot_general3A_16 = tpu.matmul %mul3A_12, %get3A_15, %dot_general3A {dimension_numbers = #tpu.dot_dimension_numbers<[1], [0], [0], [1], [0, 0, 1, 1], [], []>, transpose_lhs_hint = false} : vector<1024x128xf32>, vector<128x128xf32>, vector<1024x128xf32> -> vector<1024x128xf32>
    %get3A_17 = arith.constant 0 : index
    %get3A_18 = arith.constant 0 : index
    %get3A_19 = vector.load %arg5[%get3A_17, %get3A_18] : memref<1x128xf32, #tpu.memory_space<vmem>>, vector<1x128xf32>
    %add3A = vector.broadcast %get3A_19 : vector<1x128xf32> to vector<1024x128xf32>
    %add3A_20 = arith.addf %dot_general3A_16, %add3A : vector<1024x128xf32>
    %ge3A = arith.constant 0.000000e+00 : f32
    %ge3A_21 = vector.broadcast %ge3A : f32 to vector<1024x128xf32>
    %ge3A_22 = arith.cmpf oge, %add3A_20, %ge3A_21 : vector<1024x128xf32>
    %mul3A_23 = arith.constant 0.00999999977 : f32
    %mul3A_24 = vector.broadcast %mul3A_23 : f32 to vector<1024x128xf32>
    %mul3A_25 = arith.mulf %mul3A_24, %add3A_20 : vector<1024x128xf32>
    %select_n3A = arith.select %ge3A_22, %add3A_20, %mul3A_25 : vector<1024x128xi1>, vector<1024x128xf32>
    %get3A_26 = arith.constant 0 : index
    %get3A_27 = arith.constant 0 : index
    %get3A_28 = vector.load %arg3[%get3A_26, %get3A_27] : memref<1024x1xf32, #tpu.memory_space<vmem>>, vector<1024x1xf32>
    %mul3A_29 = vector.broadcast %get3A_28 : vector<1024x1xf32> to vector<1024x128xf32>
    %mul3A_30 = arith.mulf %select_n3A, %mul3A_29 : vector<1024x128xf32>
    %slice3A = vector.extract_strided_slice %mul3A_30 {offsets = [0, 0], sizes = [1024, 64], strides = [1, 1]} : vector<1024x128xf32> to vector<1024x64xf32>
    %swap3A = arith.constant 0 : index
    %swap3A_31 = arith.constant 0 : index
    %swap3A_32 = arith.constant 0 : index
    %swap3A_33 = vector.load %arg6[%swap3A, %swap3A_31, %swap3A_32] : memref<2x1024x64xf32, #tpu.memory_space<vmem>>, vector<1x1024x64xf32>
    %swap3A_34 = vector.shape_cast %swap3A_33 : vector<1x1024x64xf32> to vector<1024x64xf32>
    %swap3A_35 = vector.shape_cast %slice3A : vector<1024x64xf32> to vector<1x1024x64xf32>
    tpu.vector_store %arg6[%swap3A, %swap3A_31, %swap3A_32], %swap3A_35 {strides = array<i32>} : memref<2x1024x64xf32, #tpu.memory_space<vmem>>, vector<1x1024x64xf32>,
    %slice3A_36 = vector.extract_strided_slice %mul3A_30 {offsets = [0, 64], sizes = [1024, 64], strides = [1, 1]} : vector<1024x128xf32> to vector<1024x64xf32>
    %swap3A_37 = arith.constant 1 : index
    %swap3A_38 = arith.constant 0 : index
    %swap3A_39 = arith.constant 0 : index
    %swap3A_40 = vector.load %arg6[%swap3A_37, %swap3A_38, %swap3A_39] : memref<2x1024x64xf32, #tpu.memory_space<vmem>>, vector<1x1024x64xf32>
    %swap3A_41 = vector.shape_cast %swap3A_40 : vector<1x1024x64xf32> to vector<1024x64xf32>
    %swap3A_42 = vector.shape_cast %slice3A_36 : vector<1024x64xf32> to vector<1x1024x64xf32>
    tpu.vector_store %arg6[%swap3A_37, %swap3A_38, %swap3A_39], %swap3A_42 {strides = array<i32>} : memref<2x1024x64xf32, #tpu.memory_space<vmem>>, vector<1x1024x64xf32>,
    return
  }
  func.func @transform_0(%arg0: i32) -> (i32, i32, i32) {
    %c0_i32 = arith.constant 0 : i32
    %c0_i32_0 = arith.constant 0 : i32
    %c0_i32_1 = arith.constant 0 : i32
    return %c0_i32, %arg0, %c0_i32_0 : i32, i32, i32
  }
  func.func @transform_1(%arg0: i32) -> (i32, i32) {
    %c0_i32 = arith.constant 0 : i32
    %c0_i32_0 = arith.constant 0 : i32
    return %arg0, %c0_i32 : i32, i32
  }
  func.func @transform_2(%arg0: i32) -> (i32, i32) {
    %c0_i32 = arith.constant 0 : i32
    %c0_i32_0 = arith.constant 0 : i32
    return %arg0, %c0_i32 : i32, i32
  }
  func.func @transform_3(%arg0: i32) -> (i32, i32) {
    %c0_i32 = arith.constant 0 : i32
    %c0_i32_0 = arith.constant 0 : i32
    %c0_i32_1 = arith.constant 0 : i32
    return %c0_i32, %c0_i32_0 : i32, i32
  }
  func.func @transform_4(%arg0: i32) -> (i32, i32) {
    %c0_i32 = arith.constant 0 : i32
    %c0_i32_0 = arith.constant 0 : i32
    %c0_i32_1 = arith.constant 0 : i32
    return %c0_i32, %c0_i32_0 : i32, i32
  }
  func.func @transform_5(%arg0: i32) -> (i32, i32, i32) {
    %c0_i32 = arith.constant 0 : i32
    %c0_i32_0 = arith.constant 0 : i32
    %c0_i32_1 = arith.constant 0 : i32
    return %c0_i32, %arg0, %c0_i32_0 : i32, i32, i32
  }
}

module attributes {stable_mosaic.version = 14 : i64} {
  func.func @_final_body(%arg0: memref<2x2000x64xf32, #tpu.memory_space<vmem>>, %arg1: memref<2000x1xf32, #tpu.memory_space<vmem>>, %arg2: memref<128x128xf32, #tpu.memory_space<vmem>>, %arg3: memref<1x128xf32, #tpu.memory_space<vmem>>, %arg4: memref<128x128xf32, #tpu.memory_space<vmem>>, %arg5: memref<1x128xf32, #tpu.memory_space<vmem>>, %arg6: memref<2000x128xf32, #tpu.memory_space<vmem>>) attributes {dimension_semantics = [], scalar_prefetch = 0 : i64, scratch_operands = 0 : i64, tpu.core_type = #tpu.core_type<tc>} {
    %get3A = arith.constant 0 : index
    %get3A_0 = arith.constant 0 : index
    %get3A_1 = arith.constant 0 : index
    %get3A_2 = vector.load %arg0[%get3A, %get3A_0, %get3A_1] : memref<2x2000x64xf32, #tpu.memory_space<vmem>>, vector<1x2000x64xf32>
    %get3A_3 = vector.shape_cast %get3A_2 : vector<1x2000x64xf32> to vector<2000x64xf32>
    %get3A_4 = arith.constant 1 : index
    %get3A_5 = arith.constant 0 : index
    %get3A_6 = arith.constant 0 : index
    %get3A_7 = vector.load %arg0[%get3A_4, %get3A_5, %get3A_6] : memref<2x2000x64xf32, #tpu.memory_space<vmem>>, vector<1x2000x64xf32>
    %get3A_8 = vector.shape_cast %get3A_7 : vector<1x2000x64xf32> to vector<2000x64xf32>
    %concatenate3A = tpu.concatenate %get3A_3, %get3A_8 in 1 : vector<2000x64xf32>, vector<2000x64xf32> -> vector<2000x128xf32>
    %get3A_9 = arith.constant 0 : index
    %get3A_10 = arith.constant 0 : index
    %get3A_11 = vector.load %arg1[%get3A_9, %get3A_10] : memref<2000x1xf32, #tpu.memory_space<vmem>>, vector<2000x1xf32>
    %mul3A = vector.broadcast %get3A_11 : vector<2000x1xf32> to vector<2000x128xf32>
    %mul3A_12 = arith.mulf %concatenate3A, %mul3A : vector<2000x128xf32>
    %get3A_13 = arith.constant 0 : index
    %get3A_14 = arith.constant 0 : index
    %get3A_15 = vector.load %arg2[%get3A_13, %get3A_14] : memref<128x128xf32, #tpu.memory_space<vmem>>, vector<128x128xf32>
    %dot_general3A = arith.constant dense<0.000000e+00> : vector<2000x128xf32>
    %dot_general3A_16 = tpu.matmul %mul3A_12, %get3A_15, %dot_general3A {dimension_numbers = #tpu.dot_dimension_numbers<[1], [0], [0], [1], [0, 0, 1, 1], [], []>, transpose_lhs_hint = false} : vector<2000x128xf32>, vector<128x128xf32>, vector<2000x128xf32> -> vector<2000x128xf32>
    %get3A_17 = arith.constant 0 : index
    %get3A_18 = arith.constant 0 : index
    %get3A_19 = vector.load %arg3[%get3A_17, %get3A_18] : memref<1x128xf32, #tpu.memory_space<vmem>>, vector<1x128xf32>
    %add3A = vector.broadcast %get3A_19 : vector<1x128xf32> to vector<2000x128xf32>
    %add3A_20 = arith.addf %dot_general3A_16, %add3A : vector<2000x128xf32>
    %ge3A = arith.constant 0.000000e+00 : f32
    %ge3A_21 = vector.broadcast %ge3A : f32 to vector<2000x128xf32>
    %ge3A_22 = arith.cmpf oge, %add3A_20, %ge3A_21 : vector<2000x128xf32>
    %mul3A_23 = arith.constant 0.00999999977 : f32
    %mul3A_24 = vector.broadcast %mul3A_23 : f32 to vector<2000x128xf32>
    %mul3A_25 = arith.mulf %mul3A_24, %add3A_20 : vector<2000x128xf32>
    %select_n3A = arith.select %ge3A_22, %add3A_20, %mul3A_25 : vector<2000x128xi1>, vector<2000x128xf32>
    %get3A_26 = arith.constant 0 : index
    %get3A_27 = arith.constant 0 : index
    %get3A_28 = vector.load %arg4[%get3A_26, %get3A_27] : memref<128x128xf32, #tpu.memory_space<vmem>>, vector<128x128xf32>
    %dot_general3A_29 = arith.constant dense<0.000000e+00> : vector<2000x128xf32>
    %dot_general3A_30 = tpu.matmul %select_n3A, %get3A_28, %dot_general3A_29 {dimension_numbers = #tpu.dot_dimension_numbers<[1], [0], [0], [1], [0, 0, 1, 1], [], []>, transpose_lhs_hint = false} : vector<2000x128xf32>, vector<128x128xf32>, vector<2000x128xf32> -> vector<2000x128xf32>
    %get3A_31 = arith.constant 0 : index
    %get3A_32 = arith.constant 0 : index
    %get3A_33 = vector.load %arg5[%get3A_31, %get3A_32] : memref<1x128xf32, #tpu.memory_space<vmem>>, vector<1x128xf32>
    %add3A_34 = vector.broadcast %get3A_33 : vector<1x128xf32> to vector<2000x128xf32>
    %add3A_35 = arith.addf %dot_general3A_30, %add3A_34 : vector<2000x128xf32>
    %swap3A = arith.constant 0 : index
    %swap3A_36 = arith.constant 0 : index
    %swap3A_37 = vector.load %arg6[%swap3A, %swap3A_36] : memref<2000x128xf32, #tpu.memory_space<vmem>>, vector<2000x128xf32>
    tpu.vector_store %arg6[%swap3A, %swap3A_36], %add3A_35 {strides = array<i32>} : memref<2000x128xf32, #tpu.memory_space<vmem>>, vector<2000x128xf32>,
    return
  }
}

</mosaic_0001>

<sc_bundles>
// kernel: kernel.11.cloned.1.call-start
scs
__scs_entry_jumppad:
0x0: {  	(pc) =	sbr.rel $0x88, $3  }
0x1: {  	(tag) =	ssettag $0x0;
	lr =	simm.s32 $0x1  }
0x2: {  	[smem:$0x3F94] =	sst lr;
	_ =	strace $0xD0000000  }
0x3: {  	_ = 	snop  }
0x4: {  	_ = 	snop  }
0x5: {  	_ = 	snop  }
0x6: {  	_ = 	snop  }
0x7: {  	_ = 	snop  }
__scs_overlays_trampoline_lowered:
0x8: {  	[smem:$0x3FA3] =	sst s0  }
0x9: {  	[smem:$0x3FA4] =	sst s1  }
0xa: {  	[smem:$0x3FA5] =	sst s2  }
0xb: {  	[smem:$0x3FA6] =	sst s3  }
0xc: {  	[smem:$0x3FA7] =	sst s4  }
0xd: {  	[smem:$0x3FA8] =	sst s5  }
0xe: {  	[smem:$0x3FA9] =	sst s6  }
0xf: {  	[smem:$0x3FAA] =	sst s7  }
0x10: {  	[smem:$0x3FAB] =	sst s8  }
0x11: {  	[smem:$0x3FAC] =	sst s9;
	s0 =	simm.s32 @!p0 $0x0  }
0x12: {  	s1 =	sld [smem:$0x3F92];
	s0 =	simm.s32 @p0 $0x1  }
0x13: {  	[smem:$0x3FAD] =	sst s0;
	s0 =	simm.s32 @!p1 $0x0  }
0x14: {  	s2 =	sld [smem:$0x3F91];
	s0 =	simm.s32 @p1 $0x1  }
0x15: {  	[smem:$0x3FAE] =	sst s0;
	s0 =	simm.s32 @!p2 $0x0  }
0x16: {  	s3 =	sld [smem:$0x3FDB];
	s0 =	simm.s32 @p2 $0x1  }
0x17: {  	s4 =	simm.s32 $0x1BF5;
	[smem:$0x3FB0] =	sst s0  }
0x18: {  	s0 =	sld [smem:$0x3F93];
	_ =	swait.ge [sflag:s4], $0x0  }
0x19: {  	s7 =	sld [smem:$0x3F94]  }
0x1a: {  	s8 =	sadd.s32 $0xFFFFE003, lr  }
0x1b: {  	s9 =	sadd.s32 $0xFFFFFEF7, lr;
	s5 =	simm.s32 $0xFFFFFFFF;
	p2 =	slt.u32 s8, $0xFFFFF086  }
0x1c: {  	p1 =	slt.u32 s9, $0xF7A;
	s5 =	simm.s32 @!p2 $0x0  }
0x1d: {  	s5 =	simm.s32 @p1 $0x1;
	p0 =	seq.s32 s7, s2  }
0x1e: {  	s7 =	smul.u32 @!p0 $0xF7A, s2;
	p2 =	seq.s32 @!p0 s5, $0x0  }
0x1f: {  	s9 =	smul.u32 $0xF7A, s1;
	s8 =	simm.s32 @!p0 $0x1BF5;
	p2 =	por !p2, p0  }
0x20: {  	[sflag:s8] =	ssyncset.s32 @!p0 $0xFFFFF086;
	s6 =	sadd.s32 @!p0 s3, s7;
	s7 =	simm.s32 @!p0 $0x108  }
0x21: {  	s3 =	sadd.s32 s3, s9;
	s6 =	sadd.s32 @!p0 $0x88, s6;
	s7 =	simm.s32 @p2 $0x1082  }
0x22: {  	[simem:s7], [sflag:s8] =	dma.local @!p0 [hbm:s6], $0xF7A  }
0x23: {  	s9 =	sor.u32 $0xD0000000, s2;
	s6 =	simm.s32 $0x108;
	_ =	swait.ge @!p0 [sflag:s8], $0x0  }
0x24: {  	s3 =	sadd.s32 $0x88, s3;
	s6 =	simm.s32 @!p1 $0x1082;
	[sflag:s4] =	ssyncset.s32 $0xFFFFF086  }
0x25: {  	[simem:s6], [sflag:s4] =	dma.local [hbm:s3], $0xF7A  }
0x26: {  	[smem:$0x3F94] =	sst s1;
	(tag) =	ssettag s2;
	_ =	strace s9  }
0x27: {  	s1 =	sld [smem:$0x3FA4]  }
0x28: {  	s2 =	sld [smem:$0x3FA5]  }
0x29: {  	s4 =	sld [smem:$0x3FA7]  }
0x2a: {  	p0 =	seq.s32 s5, $0x0;
	s5 =	sld [smem:$0x3FA8]  }
0x2b: {  	s6 =	sld [smem:$0x3FA9]  }
0x2c: {  	s7 =	sld [smem:$0x3FAA]  }
0x2d: {  	s3 =	simm.s32 $0x108;
	s8 =	sld [smem:$0x3FAB]  }
0x2e: {  	s3 =	simm.s32 @!p0 $0x1082;
	s9 =	sld [smem:$0x3FAC]  }
0x2f: {  	lr =	sadd.s32 s0, s3;
	s0 =	sld [smem:$0x3FA3]  }
0x30: {  	s3 =	sld [smem:$0x3FA6]  }
0x31: {  	[smem:$0x3FAF] =	sst s10  }
0x32: {  	s10 =	sld [smem:$0x3FAD];
	_ =	sdelay $0x3  }
0x33: {  	p0 =	seq.s32 s10, $0x1;
	s10 =	sld [smem:$0x3FAF];
	_ =	sdelay $0x3  }
0x34: {  	[smem:$0x3FAF] =	sst s10  }
0x35: {  	s10 =	sld [smem:$0x3FAE];
	_ =	sdelay $0x3  }
0x36: {  	p1 =	seq.s32 s10, $0x1;
	s10 =	sld [smem:$0x3FAF];
	_ =	sdelay $0x3  }
0x37: {  	[smem:$0x3FAF] =	sst s10  }
0x38: {  	s10 =	sld [smem:$0x3FB0]  }
0x39: {  	_ = 	snop;
	(pc) =	sbr.ind lr, $3  }
0x3a: {  	_ = 	snop  }
0x3b: {  	_ = 	snop  }
0x3c: {  	p2 =	seq.s32 s10, $0x1;
	s10 =	sld [smem:$0x3FAF]  }
0x3d: {  	_ =	shalt  }
0x3e: {  	_ =	shalt  }
0x3f: {  	_ =	shalt  }
0x40: {  	_ =	shalt  }
0x41: {  	_ =	shalt  }
0x42: {  	_ =	shalt  }
0x43: {  	_ =	shalt  }
0x44: {  	_ =	shalt  }
0x45: {  	_ =	shalt  }
0x46: {  	_ =	shalt  }
0x47: {  	_ =	shalt  }
0x48: {  	_ =	shalt  }
0x49: {  	_ =	shalt  }
0x4a: {  	_ =	shalt  }
0x4b: {  	_ =	shalt  }
0x4c: {  	_ =	shalt  }
0x4d: {  	_ =	shalt  }
0x4e: {  	_ =	shalt  }
0x4f: {  	_ =	shalt  }
0x50: {  	_ =	shalt  }
0x51: {  	_ =	shalt  }
0x52: {  	_ =	shalt  }
0x53: {  	_ =	shalt  }
0x54: {  	_ =	shalt  }
0x55: {  	_ =	shalt  }
0x56: {  	_ =	shalt  }
0x57: {  	_ =	shalt  }
0x58: {  	_ =	shalt  }
0x59: {  	_ =	shalt  }
0x5a: {  	_ =	shalt  }
0x5b: {  	_ =	shalt  }
0x5c: {  	_ =	shalt  }
0x5d: {  	_ =	shalt  }
0x5e: {  	_ =	shalt  }
0x5f: {  	_ =	shalt  }
0x60: {  	_ =	shalt  }
0x61: {  	_ =	shalt  }
0x62: {  	_ =	shalt  }
0x63: {  	_ =	shalt  }
0x64: {  	_ =	shalt  }
0x65: {  	_ =	shalt  }
0x66: {  	_ =	shalt  }
0x67: {  	_ =	shalt  }
0x68: {  	_ =	shalt  }
0x69: {  	_ =	shalt  }
0x6a: {  	_ =	shalt  }
0x6b: {  	_ =	shalt  }
0x6c: {  	_ =	shalt  }
0x6d: {  	_ =	shalt  }
0x6e: {  	_ =	shalt  }
0x6f: {  	_ =	shalt  }
0x70: {  	_ =	shalt  }
0x71: {  	_ =	shalt  }
0x72: {  	_ =	shalt  }
0x73: {  	_ =	shalt  }
0x74: {  	_ =	shalt  }
0x75: {  	_ =	shalt  }
0x76: {  	_ =	shalt  }
0x77: {  	_ =	shalt  }
0x78: {  	_ =	shalt  }
0x79: {  	_ =	shalt  }
0x7a: {  	_ =	shalt  }
0x7b: {  	_ =	shalt  }
0x7c: {  	_ =	shalt  }
0x7d: {  	_ =	shalt  }
0x7e: {  	_ =	shalt  }
0x7f: {  	_ =	shalt  }
0x80: {  	_ =	shalt  }
0x81: {  	_ =	shalt  }
0x82: {  	_ =	shalt  }
0x83: {  	_ =	shalt  }
0x84: {  	_ =	shalt  }
0x85: {  	_ =	shalt  }
0x86: {  	_ =	shalt  }
0x87: {  	_ =	shalt  }
.Lfunc_end0:
.L_simem_size_0:
called_computation.1_lowered:
.L_overlay_start_0:
0x88: {  	s2 =	sld [smem:$0x3FD9]  }
0x89: {  	s3 =	sld [smem:$0x3FFE];
	_ =	sdelay $0x1  }
0x8a: {  	s1 =	srdreg.scid  }
0x8b: {  	s0 =	sand.u32 $0x1, s1  }
0x8c: {  	s16 =	sshll.u32 s0, $0xA;
	s2 =	sadd.s32 s3, s2  }
0x8d: {  	s2 =	sadd.s32 s2, s16  }
0x8e: {  	[smem:$0x3FBB] =	sst s2  }
0x8f: {  	_ = 	snop  }
0x90: {  	(tm) =	ssettm $0x1  }
0x91: {  	s17 =	sld [smem:$0x3FFB];
	_ =	sdelay $0x3  }
0x92: {  	_ =	strace s17  }
0x93: {  	s2 =	sld [smem:$0x3FFC];
	_ =	sdelay $0x3  }
0x94: {  	_ =	strace s2  }
0x95: {  	s2 =	sld [smem:$0x3FFD];
	_ =	sdelay $0x3  }
0x96: {  	_ =	strace s2  }
0x97: {  	_ =	strace $0x8FFFFFFF  }
0x98: {  	s18 =	sld [smem:$0x3FDB];
	_ =	sdelay $0x1  }
0x99: {  	s19 =	simm.s32 $_scs_section_size  }
0x9a: {  	s4 =	simm.s32 $_size__tile_overlayer_lowered;
	s5 =	simm.s32 $_tile_overlayer_lowered  }
0x9b: {  	s22 =	simm.s32 $0x1BFF;
	s21 =	sshll.u32 s5, $0x1;
	s2 =	sadd.s32 s19, s18  }
0x9c: {  	s6 =	simm.s32 $0x0;
	s20 =	sshll.u32 s4, $0x1;
	s4 =	sadd.s32 s21, s2  }
0x9d: {  	[timem:s6], [sflag:s22] =	dma.local [hbm:s4], s20  }
0x9e: {  	_ =	swait.ge [sflag:s22], s20  }
0x9f: {  	s3 =	ssub.s32 $0x0, s20;
	[sflag:s22] =	ssyncset.done $0x0  }
0xa0: {  	[sflag:s22] =	ssyncadd.s32 s3;
	_ =	sdelay $0x1  }
0xa1: {  	s23 =	simm.s32 $0x1B8B  }
0xa2: {  	_ =	swait.ge [sflag:s23], $0x1  }
0xa3: {  	[sflag:s23] =	ssyncset.done $0x0  }
0xa4: {  	s25 =	simm.s32 $0x1B8E;
	s24 =	sld [smem:$0x3FFE];
	[sflag:s23] =	ssyncadd.s32 $0xFFFFFFFF  }
0xa5: {  	s26 =	simm.s32 $execute0_lowered;
	[smem:$0x3FD2] =	sst s25  }
0xa6: {  	s4 =	sshll.u32 s26, $0x1;
	_ =	strace $0x80000049;
	[dreg:$0x1] =	wrdreg $0xFFFFFFFF  }
0xa7: {  	s28 =	simm.s32 $_size_execute0_lowered;
	s2 =	sadd.s32 s2, s4;
	[dreg:$0x0] =	wrdreg $0x0  }
0xa8: {  	s4 =	sshll.u32 s28, $0x1;
	[dreg:$0x2] =	wrdreg s2  }
0xa9: {  	[dreg:$0x3] =	wrdreg s4  }
0xaa: {  	[dreg:$0x4] =	wrdreg $0xC0  }
0xab: {  	_ =	task [dreg:s6], $0x5FFFF  }
0xac: {  	[dreg:$0x1] =	wrdreg $0xFFFFFFFF  }
0xad: {  	[dreg:$0x0] =	wrdreg $0x60  }
0xae: {  	[dreg:$0x2] =	wrdreg s24  }
0xaf: {  	[dreg:$0x3] =	wrdreg $0x120000  }
0xb0: {  	[dreg:$0x4] =	wrdreg $0x9  }
0xb1: {  	_ =	task.clear_ibuf [dreg:s6], $0x5FFFF;
	_ =	strace $0x90000049  }
0xb2: {  	s29 =	simm.s32 $0x9;
	_ =	strace $0x8000004B  }
0xb3: {  	_ =	swait.ge [sflag:s29], $0x1  }
0xb4: {  	[sflag:s29] =	ssyncadd.s32 $0xFFFFFFFF  }
0xb5: {  	_ =	strace $0x9000004B  }
0xb6: {  	_ =	sfence  }
0xb7: {  	s30 =	sld [smem:$0x0];
	_ =	sdelay $0x2  }
0xb8: {  	s31 =	sshll.u32 s1, $0xD;
	s1 =	sshrl.u32 s1, $0x2  }
0xb9: {  	s3 =	sand.u32 $0x4000, s31;
	s1 =	sadd.s32 s1, s30  }
0xba: {  	s0 =	sor.u32 s3, s0;
	s1 =	sshll.u32 s1, $0x11  }
0xbb: {  	s0 =	sor.u32 s1, s0  }
0xbc: {  	s0 =	sadd.s32 $0x8F2B, s0  }
0xbd: {  	[sflag:s0] =	ssyncadd.remote.s32 $0x1  }
0xbe: {  	_ =	sfence.sel $0xFFFF  }
0xbf: {  	[dreg:$0x0] =	wrdreg $0xFFFFFFFF;
	(pc) =	sbr.abs _section_cstart, $3  }
0xc0: {  	[dreg:$0x1] =	wrdreg $0xFFFFFFFF  }
0xc1: {  	_ =	task.clear_ibuf [dreg:s6], $0x2FFFF;
	_ =	strace $0x9FFFFFFF  }
0xc2: {  	(tm) =	ssettm $0x7FFFFFFF  }
0xc3: {  	_ =	shalt  }
tec
execute0_lowered:
.L_overlay_start_1:
0x0: {  	(tag) =	ssettag $0x1  }
0x1: {  	s1 =	srdreg.scid  }
0x2: {  	s0 =	stileid.u32;
	s5 =	rddreg [dreg:$0x0]  }
0x3: {  	s2 =	rddreg [dreg:$0x1];
	s3 =	simm.s32 $0x0;
	s15 =	simm.s32 $0xA000  }
0x4: {  	s16 =	simm.s32 $0x1;
	s17 =	simm.s32 $0xE000;
	s18 =	simm.s32 $0x2  }
0x5: {  	s19 =	simm.s32 $0x200;
	s20 =	simm.s32 $0x5100;
	s21 =	simm.s32 $0x300  }
0x6: {  	s22 =	simm.s32 $0x5200;
	s23 =	simm.s32 $0x0;
	s7 =	smul.u32 $0x5000, s0  }
0x7: {  	s6 =	sand.u32 $0x1, s1;
	s1 =	rddreg [dreg:$0x2];
	s8 =	smul.u32 $0xA000, s0  }
0x8: {  	[smem:$0x7FF] =	sst s3;
	s31 =	sshll.u32 s0, $0x6;
	s4 =	smul.u32 $0x50000, s6  }
0x9: {  	_ =	strace $0x8000004A;
	s10 =	smul.u32 $0xA0000, s6;
	s6 =	ssub.s32 $0x2, s6  }
0xa: {  	s30 =	sshrl.u32 s8, $0x3;
	s12 =	sshrl.u32 s6, $0x1;
	s14 =	sadd.s32 s8, s2  }
0xb: {  	s4 =	sadd.s32 s7, s4;
	s7 =	sshrl.u32 s7, $0x3;
	s29 =	sadd.s32 s8, s10  }
0xc: {  	s10 =	sadd.s32 s30, s5;
	s12 =	ssub.s32 s6, s12;
	s6 =	sor.u32 $0x1C03, s31  }
0xd: {  	s9 =	sshrl.u32 s4, $0x3;
	s11 =	sadd.s32 s7, s5;
	s7 =	sshrl.u32 s29, $0x3  }
0xe: {  	s4 =	sadd.s32 $0x5EE00, s5;
	s9 =	sadd.s32 s9, s5;
	s13 =	sadd.s32 s7, s5  }
0xf: {  	s5 =	sadd.s32 $0x17200, s10;
	s8 =	sadd.s32 $0xD200, s11;
	s10 =	smax.u32 s12, $0x1  }
0x10: {  	s11 =	sshrl.u32 s14, $0x3;
	s12 =	simm.s32 $0x3;
	s14 =	simm.s32 $0x100  }
0x11: {  	s7 =	sadd.s32 $0x4AE00, s9;
	s9 =	sadd.s32 $0x86E00, s13;
	s13 =	simm.s32 $0x5000  }
.LBB2_1:
0x12: {  	[spmem:s11], [sflag:s6] =	dma.local [hbm:s5], $0x1400  }
0x13: {  	_ =	swait.ge [sflag:s12], $0x1400  }
0x14: {  	[sflag:s12] =	ssyncset.done $0x0  }
0x15: {  	[sflag:s12] =	ssyncadd.s32 $0xFFFFEC00  }
0x16: {  	[tilespmem:s3], [sflag:$0x3] =	stream.linear.gather [hbm4b:s7+s3], $0x5000, $0x38;
	[tilespmem:$0x1C000] =	vst v63  }
0x17: {  	_ =	swait.ge [sflag:s12], $0x5000  }
0x18: {  	[sflag:s12] =	ssyncset.done $0x0  }
0x19: {  	[sflag:s12] =	ssyncadd.s32 $0xFFFFB000  }
0x1a: {  	[tilespmem:s13], [sflag:$0x3] =	stream.linear.gather [hbm4b:s8+s3], $0x5000, $0x38;
	[tilespmem:$0x1C000] =	vst v63  }
0x1b: {  	_ =	swait.ge [sflag:s12], $0x5000  }
0x1c: {  	[sflag:s12] =	ssyncset.done $0x0  }
0x1d: {  	[sflag:s12] =	ssyncadd.s32 $0xFFFFB000  }
0x1e: {  	[bflag:$0x0] =	sbarrier.arrive $0xFFFF  }
0x1f: {  	[tilespmem:s15], [sflag:$0x1] =	stream.indirect.gather [hbm4b:s4+s14], $0x40, s3, s14, $0xb8;
	[tilespmem:$0x1C000] =	vst v63  }
0x20: {  	_ =	swait.ge [sflag:s16], $0x4000  }
0x21: {  	[sflag:s16] =	ssyncset.done $0x0  }
0x22: {  	[sflag:s16] =	ssyncadd.s32 $0xFFFFC000  }
0x23: {  	[tilespmem:s17], [sflag:$0x1] =	stream.indirect.gather [hbm4b:s4+s14], $0x40, s14, s14, $0xb8;
	[tilespmem:$0x1C000] =	vst v63  }
0x24: {  	_ = 	snop  }
0x25: {  	[spmem:s2] =	stream.indirect.scatter.add.f32 [tilespmem:s15], [sflag:$0x2], $0x40, s13, s14, $0xb8;
	[tilespmem:$0x1C000] =	vst v63  }
0x26: {  	_ =	swait.ge [sflag:s16], $0x4000  }
0x27: {  	[sflag:s16] =	ssyncset.done $0x0  }
0x28: {  	[sflag:s16] =	ssyncadd.s32 $0xFFFFC000  }
0x29: {  	_ =	swait.ge [sflag:s18], $0x4000  }
0x2a: {  	[sflag:s18] =	ssyncset.done $0x0  }
0x2b: {  	[sflag:s18] =	ssyncadd.s32 $0xFFFFC000  }
0x2c: {  	[tilespmem:s15], [sflag:$0x1] =	stream.indirect.gather [hbm4b:s4+s14], $0x40, s19, s14, $0xb8;
	[tilespmem:$0x1C000] =	vst v63  }
0x2d: {  	_ = 	snop  }
0x2e: {  	[spmem:s2] =	stream.indirect.scatter.add.f32 [tilespmem:s17], [sflag:$0x2], $0x40, s20, s14, $0xb8;
	[tilespmem:$0x1C000] =	vst v63  }
0x2f: {  	_ =	swait.ge [sflag:s16], $0x4000  }
0x30: {  	[sflag:s16] =	ssyncset.done $0x0  }
0x31: {  	[sflag:s16] =	ssyncadd.s32 $0xFFFFC000  }
0x32: {  	_ =	swait.ge [sflag:s18], $0x4000  }
0x33: {  	[sflag:s18] =	ssyncset.done $0x0  }
0x34: {  	[sflag:s18] =	ssyncadd.s32 $0xFFFFC000  }
0x35: {  	[tilespmem:s17], [sflag:$0x1] =	stream.indirect.gather [hbm4b:s4+s14], $0x40, s21, s14, $0xb8;
	[tilespmem:$0x1C000] =	vst v63  }
0x36: {  	_ = 	snop  }
0x37: {  	[spmem:s2] =	stream.indirect.scatter.add.f32 [tilespmem:s15], [sflag:$0x2], $0x40, s22, s14, $0xb8;
	[tilespmem:$0x1C000] =	vst v63  }
0x38: {  	_ =	swait.ge [sflag:s16], $0x4000  }
0x39: {  	[sflag:s16] =	ssyncset.done $0x0  }
0x3a: {  	[sflag:s16] =	ssyncadd.s32 $0xFFFFC000  }
0x3b: {  	_ =	swait.ge [sflag:s18], $0x4000  }
0x3c: {  	[sflag:s18] =	ssyncset.done $0x0  }
0x3d: {  	s24 =	simm.s32 $0x400;
	[sflag:s18] =	ssyncadd.s32 $0xFFFFC000  }
0x3e: {  	[tilespmem:s15], [sflag:$0x1] =	stream.indirect.gather [hbm4b:s4+s14], $0x40, s24, s14, $0xb8;
	[tilespmem:$0x1C000] =	vst v63  }
0x3f: {  	s29 =	simm.s32 $0x5300  }
0x40: {  	[spmem:s2] =	stream.indirect.scatter.add.f32 [tilespmem:s17], [sflag:$0x2], $0x40, s29, s14, $0xb8;
	[tilespmem:$0x1C000] =	vst v63  }
0x41: {  	_ =	swait.ge [sflag:s16], $0x4000  }
0x42: {  	[sflag:s16] =	ssyncset.done $0x0  }
0x43: {  	[sflag:s16] =	ssyncadd.s32 $0xFFFFC000  }
0x44: {  	_ =	swait.ge [sflag:s18], $0x4000  }
0x45: {  	[sflag:s18] =	ssyncset.done $0x0  }
0x46: {  	s30 =	simm.s32 $0x500;
	[sflag:s18] =	ssyncadd.s32 $0xFFFFC000  }
0x47: {  	[tilespmem:s17], [sflag:$0x1] =	stream.indirect.gather [hbm4b:s4+s14], $0x40, s30, s14, $0xb8;
	[tilespmem:$0x1C000] =	vst v63  }
0x48: {  	s31 =	simm.s32 $0x5400  }
0x49: {  	[spmem:s2] =	stream.indirect.scatter.add.f32 [tilespmem:s15], [sflag:$0x2], $0x40, s31, s14, $0xb8;
	[tilespmem:$0x1C000] =	vst v63  }
0x4a: {  	_ =	swait.ge [sflag:s16], $0x4000  }
0x4b: {  	s24 =	simm.s32 $0xFFFED800;
	[sflag:s16] =	ssyncset.done $0x0  }
.LBB2_2:
0x4c: {  	[sflag:s16] =	ssyncadd.s32 $0xFFFFC000;
	s25 =	smov.u32 s24;
	s24 =	sadd.s32 $0x800, s24  }
0x4d: {  	p0 =	sne.s32 s24, $0x0  }
0x4e: {  	_ =	swait.ge [sflag:s18], $0x4000  }
0x4f: {  	s25 =	sshra.s32 s25, $0x2;
	[sflag:s18] =	ssyncset.done $0x0  }
0x50: {  	s26 =	sadd.s32 $0x5000, s25;
	[sflag:s18] =	ssyncadd.s32 $0xFFFFC000  }
0x51: {  	[tilespmem:s15], [sflag:$0x1] =	stream.indirect.gather [hbm4b:s4+s14], $0x40, s26, s14, $0xb8;
	[tilespmem:$0x1C000] =	vst v63  }
0x52: {  	s26 =	sadd.s32 $0x9F00, s25  }
0x53: {  	[spmem:s2] =	stream.indirect.scatter.add.f32 [tilespmem:s17], [sflag:$0x2], $0x40, s26, s14, $0xb8;
	[tilespmem:$0x1C000] =	vst v63  }
0x54: {  	_ =	swait.ge [sflag:s16], $0x4000  }
0x55: {  	[sflag:s16] =	ssyncset.done $0x0  }
0x56: {  	[sflag:s16] =	ssyncadd.s32 $0xFFFFC000  }
0x57: {  	_ =	swait.ge [sflag:s18], $0x4000  }
0x58: {  	[sflag:s18] =	ssyncset.done $0x0  }
0x59: {  	s26 =	sadd.s32 $0x5100, s25;
	[sflag:s18] =	ssyncadd.s32 $0xFFFFC000  }
0x5a: {  	[tilespmem:s17], [sflag:$0x1] =	stream.indirect.gather [hbm4b:s4+s14], $0x40, s26, s14, $0xb8;
	[tilespmem:$0x1C000] =	vst v63  }
.Ltmp0:
0x5b: {  	_ = 	snop;
	(pc) =	sbr.rel @p0 .LBB2_2-.Ltmp0, $4  }
0x5c: {  	s25 =	sadd.s32 $0xA000, s25  }
0x5d: {  	[spmem:s2] =	stream.indirect.scatter.add.f32 [tilespmem:s15], [sflag:$0x2], $0x40, s25, s14, $0xb8;
	[tilespmem:$0x1C000] =	vst v63  }
0x5e: {  	_ =	swait.ge [sflag:s16], $0x4000  }
0x5f: {  	[sflag:s16] =	ssyncset.done $0x0  }
0x60: {  	s24 =	sshra.s32 s24, $0x2  }
0x61: {  	[sflag:s16] =	ssyncadd.s32 $0xFFFFC000;
	s24 =	sadd.s32 $0x9F00, s24  }
0x62: {  	[spmem:s2] =	stream.indirect.scatter.add.f32 [tilespmem:s17], [sflag:$0x2], $0x40, s24, s14, $0xb8;
	[tilespmem:$0x1C000] =	vst v63  }
0x63: {  	_ =	swait.ge [sflag:s18], $0x4000  }
0x64: {  	[sflag:s18] =	ssyncset.done $0x0  }
0x65: {  	[sflag:s18] =	ssyncadd.s32 $0xFFFFC000  }
0x66: {  	_ =	swait.ge [sflag:s18], $0x4000  }
0x67: {  	s23 =	sadd.s32 $0x1, s23;
	[sflag:s18] =	ssyncset.done $0x0  }
0x68: {  	p0 =	sne.s32 s23, s10;
	[sflag:s18] =	ssyncadd.s32 $0xFFFFC000  }
.Ltmp1:
0x69: {  	[bflag:$0x0] =	sbarrier.arrive $0xFFFF;
	(pc) =	sbr.rel @p0 .LBB2_1-.Ltmp1, $4  }
0x6a: {  	[hbm:s9], [sflag:s6] =	dma.local [spmem:s11], $0x1400  }
0x6b: {  	_ =	swait.ge [sflag:s12], $0x1400  }
0x6c: {  	[sflag:s12] =	ssyncset.done $0x0  }
0x6d: {  	[sflag:s12] =	ssyncadd.s32 $0xFFFFEC00  }
0x6e: {  	_ =	sfence.sel $0x180000  }
0x6f: {  	[bflag:$0x0] =	sbarrier.arrive $0xFFFF  }
0x70: {  	p0 =	sne.s32 s0, $0x0;
	_ =	strace $0x9000004A  }
0x71: {  	s0 =	sadd.s32 @!p0 $0x100000, s1;
	[bflag:$0x2] =	sbarrier.arrive $0xFFFF  }
0x72: {  	[sflag:s0] =	ssyncadd.tile.s32 @!p0 $0x1;
	_ =	shalt  }
.Lfunc_end2:
_tile_overlayer_lowered:
.L_overlay_start_2:
0x73: {  	(tag) =	ssettag $0x2  }
0x74: {  	s0 =	rddreg [dreg:$0x0];
	s2 =	stileid.u32  }
0x75: {  	s1 =	rddreg [dreg:$0x1];
	p0 =	sne.s32 s2, $0x0  }
0x76: {  	s3 =	rddreg [dreg:$0x2];
	[bflag:$0x3] =	sbarrier.arrive $0xFFFF;
	s2 =	simm.s32 @!p0 $0x1C03  }
0x77: {  	[timem:s3], [sflag:s2] =	dma.local @!p0 [hbm:s0], s1  }
0x78: {  	s0 =	simm.s32 @!p0 $0x3  }
0x79: {  	_ =	swait.ge @!p0 [sflag:s0], s1  }
0x7a: {  	s1 =	ssub.s32 @!p0 $0x0, s1;
	[sflag:s0] =	ssyncset.done @!p0 $0x0  }
0x7b: {  	[sflag:s0] =	ssyncadd.s32 @!p0 s1  }
0x7c: {  	[bflag:$0x3] =	sbarrier.arrive $0xFFFF  }
0x7d: {  	_ =	shalt  }

// kernel: kernel.14.cloned.1.call-start
scs
__scs_entry_jumppad:
0x0: {  	(pc) =	sbr.rel $0x88, $3  }
0x1: {  	(tag) =	ssettag $0x0;
	lr =	simm.s32 $0x1  }
0x2: {  	[smem:$0x3F94] =	sst lr;
	_ =	strace $0xD0000000  }
0x3: {  	_ = 	snop  }
0x4: {  	_ = 	snop  }
0x5: {  	_ = 	snop  }
0x6: {  	_ = 	snop  }
0x7: {  	_ = 	snop  }
__scs_overlays_trampoline_lowered:
0x8: {  	[smem:$0x3FA3] =	sst s0  }
0x9: {  	[smem:$0x3FA4] =	sst s1  }
0xa: {  	[smem:$0x3FA5] =	sst s2  }
0xb: {  	[smem:$0x3FA6] =	sst s3  }
0xc: {  	[smem:$0x3FA7] =	sst s4  }
0xd: {  	[smem:$0x3FA8] =	sst s5  }
0xe: {  	[smem:$0x3FA9] =	sst s6  }
0xf: {  	[smem:$0x3FAA] =	sst s7  }
0x10: {  	[smem:$0x3FAB] =	sst s8  }
0x11: {  	[smem:$0x3FAC] =	sst s9;
	s0 =	simm.s32 @!p0 $0x0  }
0x12: {  	s1 =	sld [smem:$0x3F92];
	s0 =	simm.s32 @p0 $0x1  }
0x13: {  	[smem:$0x3FAD] =	sst s0;
	s0 =	simm.s32 @!p1 $0x0  }
0x14: {  	s2 =	sld [smem:$0x3F91];
	s0 =	simm.s32 @p1 $0x1  }
0x15: {  	[smem:$0x3FAE] =	sst s0;
	s0 =	simm.s32 @!p2 $0x0  }
0x16: {  	s3 =	sld [smem:$0x3FDB];
	s0 =	simm.s32 @p2 $0x1  }
0x17: {  	s4 =	simm.s32 $0x1BF5;
	[smem:$0x3FB0] =	sst s0  }
0x18: {  	s0 =	sld [smem:$0x3F93];
	_ =	swait.ge [sflag:s4], $0x0  }
0x19: {  	s7 =	sld [smem:$0x3F94]  }
0x1a: {  	s8 =	sadd.s32 $0xFFFFE003, lr  }
0x1b: {  	s9 =	sadd.s32 $0xFFFFFEF7, lr;
	s5 =	simm.s32 $0xFFFFFFFF;
	p2 =	slt.u32 s8, $0xFFFFF086  }
0x1c: {  	p1 =	slt.u32 s9, $0xF7A;
	s5 =	simm.s32 @!p2 $0x0  }
0x1d: {  	s5 =	simm.s32 @p1 $0x1;
	p0 =	seq.s32 s7, s2  }
0x1e: {  	s7 =	smul.u32 @!p0 $0xF7A, s2;
	p2 =	seq.s32 @!p0 s5, $0x0  }
0x1f: {  	s9 =	smul.u32 $0xF7A, s1;
	s8 =	simm.s32 @!p0 $0x1BF5;
	p2 =	por !p2, p0  }
0x20: {  	[sflag:s8] =	ssyncset.s32 @!p0 $0xFFFFF086;
	s6 =	sadd.s32 @!p0 s3, s7;
	s7 =	simm.s32 @!p0 $0x108  }
0x21: {  	s3 =	sadd.s32 s3, s9;
	s6 =	sadd.s32 @!p0 $0x88, s6;
	s7 =	simm.s32 @p2 $0x1082  }
0x22: {  	[simem:s7], [sflag:s8] =	dma.local @!p0 [hbm:s6], $0xF7A  }
0x23: {  	s9 =	sor.u32 $0xD0000000, s2;
	s6 =	simm.s32 $0x108;
	_ =	swait.ge @!p0 [sflag:s8], $0x0  }
0x24: {  	s3 =	sadd.s32 $0x88, s3;
	s6 =	simm.s32 @!p1 $0x1082;
	[sflag:s4] =	ssyncset.s32 $0xFFFFF086  }
0x25: {  	[simem:s6], [sflag:s4] =	dma.local [hbm:s3], $0xF7A  }
0x26: {  	[smem:$0x3F94] =	sst s1;
	(tag) =	ssettag s2;
	_ =	strace s9  }
0x27: {  	s1 =	sld [smem:$0x3FA4]  }
0x28: {  	s2 =	sld [smem:$0x3FA5]  }
0x29: {  	s4 =	sld [smem:$0x3FA7]  }
0x2a: {  	p0 =	seq.s32 s5, $0x0;
	s5 =	sld [smem:$0x3FA8]  }
0x2b: {  	s6 =	sld [smem:$0x3FA9]  }
0x2c: {  	s7 =	sld [smem:$0x3FAA]  }
0x2d: {  	s3 =	simm.s32 $0x108;
	s8 =	sld [smem:$0x3FAB]  }
0x2e: {  	s3 =	simm.s32 @!p0 $0x1082;
	s9 =	sld [smem:$0x3FAC]  }
0x2f: {  	lr =	sadd.s32 s0, s3;
	s0 =	sld [smem:$0x3FA3]  }
0x30: {  	s3 =	sld [smem:$0x3FA6]  }
0x31: {  	[smem:$0x3FAF] =	sst s10  }
0x32: {  	s10 =	sld [smem:$0x3FAD];
	_ =	sdelay $0x3  }
0x33: {  	p0 =	seq.s32 s10, $0x1;
	s10 =	sld [smem:$0x3FAF];
	_ =	sdelay $0x3  }
0x34: {  	[smem:$0x3FAF] =	sst s10  }
0x35: {  	s10 =	sld [smem:$0x3FAE];
	_ =	sdelay $0x3  }
0x36: {  	p1 =	seq.s32 s10, $0x1;
	s10 =	sld [smem:$0x3FAF];
	_ =	sdelay $0x3  }
0x37: {  	[smem:$0x3FAF] =	sst s10  }
0x38: {  	s10 =	sld [smem:$0x3FB0]  }
0x39: {  	_ = 	snop;
	(pc) =	sbr.ind lr, $3  }
0x3a: {  	_ = 	snop  }
0x3b: {  	_ = 	snop  }
0x3c: {  	p2 =	seq.s32 s10, $0x1;
	s10 =	sld [smem:$0x3FAF]  }
0x3d: {  	_ =	shalt  }
0x3e: {  	_ =	shalt  }
0x3f: {  	_ =	shalt  }
0x40: {  	_ =	shalt  }
0x41: {  	_ =	shalt  }
0x42: {  	_ =	shalt  }
0x43: {  	_ =	shalt  }
0x44: {  	_ =	shalt  }
0x45: {  	_ =	shalt  }
0x46: {  	_ =	shalt  }
0x47: {  	_ =	shalt  }
0x48: {  	_ =	shalt  }
0x49: {  	_ =	shalt  }
0x4a: {  	_ =	shalt  }
0x4b: {  	_ =	shalt  }
0x4c: {  	_ =	shalt  }
0x4d: {  	_ =	shalt  }
0x4e: {  	_ =	shalt  }
0x4f: {  	_ =	shalt  }
0x50: {  	_ =	shalt  }
0x51: {  	_ =	shalt  }
0x52: {  	_ =	shalt  }
0x53: {  	_ =	shalt  }
0x54: {  	_ =	shalt  }
0x55: {  	_ =	shalt  }
0x56: {  	_ =	shalt  }
0x57: {  	_ =	shalt  }
0x58: {  	_ =	shalt  }
0x59: {  	_ =	shalt  }
0x5a: {  	_ =	shalt  }
0x5b: {  	_ =	shalt  }
0x5c: {  	_ =	shalt  }
0x5d: {  	_ =	shalt  }
0x5e: {  	_ =	shalt  }
0x5f: {  	_ =	shalt  }
0x60: {  	_ =	shalt  }
0x61: {  	_ =	shalt  }
0x62: {  	_ =	shalt  }
0x63: {  	_ =	shalt  }
0x64: {  	_ =	shalt  }
0x65: {  	_ =	shalt  }
0x66: {  	_ =	shalt  }
0x67: {  	_ =	shalt  }
0x68: {  	_ =	shalt  }
0x69: {  	_ =	shalt  }
0x6a: {  	_ =	shalt  }
0x6b: {  	_ =	shalt  }
0x6c: {  	_ =	shalt  }
0x6d: {  	_ =	shalt  }
0x6e: {  	_ =	shalt  }
0x6f: {  	_ =	shalt  }
0x70: {  	_ =	shalt  }
0x71: {  	_ =	shalt  }
0x72: {  	_ =	shalt  }
0x73: {  	_ =	shalt  }
0x74: {  	_ =	shalt  }
0x75: {  	_ =	shalt  }
0x76: {  	_ =	shalt  }
0x77: {  	_ =	shalt  }
0x78: {  	_ =	shalt  }
0x79: {  	_ =	shalt  }
0x7a: {  	_ =	shalt  }
0x7b: {  	_ =	shalt  }
0x7c: {  	_ =	shalt  }
0x7d: {  	_ =	shalt  }
0x7e: {  	_ =	shalt  }
0x7f: {  	_ =	shalt  }
0x80: {  	_ =	shalt  }
0x81: {  	_ =	shalt  }
0x82: {  	_ =	shalt  }
0x83: {  	_ =	shalt  }
0x84: {  	_ =	shalt  }
0x85: {  	_ =	shalt  }
0x86: {  	_ =	shalt  }
0x87: {  	_ =	shalt  }
.Lfunc_end0:
.L_simem_size_0:
called_computation.2_lowered:
.L_overlay_start_0:
0x88: {  	s2 =	sld [smem:$0x3FD9]  }
0x89: {  	s3 =	sld [smem:$0x3FFE];
	_ =	sdelay $0x1  }
0x8a: {  	s1 =	srdreg.scid  }
0x8b: {  	s0 =	sand.u32 $0x1, s1  }
0x8c: {  	s17 =	sshll.u32 s0, $0xA;
	s2 =	sadd.s32 s3, s2  }
0x8d: {  	s2 =	sadd.s32 s2, s17  }
0x8e: {  	[smem:$0x3FBB] =	sst s2  }
0x8f: {  	_ = 	snop  }
0x90: {  	s2 =	sld [smem:$0x3FD0];
	(tm) =	ssettm $0x1  }
0x91: {  	s18 =	sld [smem:$0x3FFB];
	_ =	sdelay $0x3  }
0x92: {  	_ =	strace s18  }
0x93: {  	s3 =	sld [smem:$0x3FFC];
	_ =	sdelay $0x3  }
0x94: {  	_ =	strace s3  }
0x95: {  	s3 =	sld [smem:$0x3FFD];
	_ =	sdelay $0x3  }
0x96: {  	_ =	strace s3  }
0x97: {  	_ =	strace $0x8FFFFFFF  }
0x98: {  	s19 =	sld [smem:$0x3FDB];
	_ =	sdelay $0x1  }
0x99: {  	s4 =	simm.s32 $_scs_section_size  }
0x9a: {  	s5 =	simm.s32 $_size__tile_overlayer_lowered;
	s6 =	simm.s32 $_tile_overlayer_lowered  }
0x9b: {  	s22 =	simm.s32 $0x1BFF;
	s21 =	sshll.u32 s6, $0x1;
	s3 =	sadd.s32 s4, s19  }
0x9c: {  	s7 =	simm.s32 $0x0;
	s20 =	sshll.u32 s5, $0x1;
	s5 =	sadd.s32 s21, s3  }
0x9d: {  	[timem:s7], [sflag:s22] =	dma.local [hbm:s5], s20  }
0x9e: {  	_ =	swait.ge [sflag:s22], s20  }
0x9f: {  	s4 =	ssub.s32 $0x0, s20;
	[sflag:s22] =	ssyncset.done $0x0  }
0xa0: {  	[sflag:s22] =	ssyncadd.s32 s4;
	_ =	sdelay $0x1  }
0xa1: {  	s23 =	simm.s32 $0x1B8B  }
0xa2: {  	_ =	swait.ge [sflag:s23], $0x1  }
0xa3: {  	[sflag:s23] =	ssyncset.done $0x0  }
0xa4: {  	s25 =	simm.s32 $0x1B8E;
	s24 =	sld [smem:$0x3FFE];
	[sflag:s23] =	ssyncadd.s32 $0xFFFFFFFF  }
0xa5: {  	s26 =	simm.s32 $execute0_lowered;
	[smem:$0x3FD2] =	sst s25  }
0xa6: {  	s5 =	sshll.u32 s26, $0x1;
	_ =	strace $0x8000004C;
	[dreg:$0x1] =	wrdreg $0xFFFFFFFF  }
0xa7: {  	s28 =	simm.s32 $_size_execute0_lowered;
	s3 =	sadd.s32 s3, s5;
	[dreg:$0x0] =	wrdreg $0x0  }
0xa8: {  	s5 =	sshll.u32 s28, $0x1;
	[dreg:$0x2] =	wrdreg s3  }
0xa9: {  	[dreg:$0x3] =	wrdreg s5  }
0xaa: {  	[dreg:$0x4] =	wrdreg $0xC0  }
0xab: {  	_ =	task [dreg:s7], $0x5FFFF  }
0xac: {  	[dreg:$0x1] =	wrdreg $0xFFFFFFFF  }
0xad: {  	[dreg:$0x0] =	wrdreg $0x60  }
0xae: {  	[dreg:$0x2] =	wrdreg s24  }
0xaf: {  	[dreg:$0x3] =	wrdreg s2  }
0xb0: {  	[dreg:$0x4] =	wrdreg $0xD4100  }
0xb1: {  	[dreg:$0x5] =	wrdreg $0x9  }
0xb2: {  	_ =	task.clear_ibuf [dreg:s7], $0x6FFFF;
	_ =	strace $0x9000004C  }
0xb3: {  	s29 =	simm.s32 $0x9;
	_ =	strace $0x8000004E  }
0xb4: {  	_ =	swait.ge [sflag:s29], $0x1  }
0xb5: {  	[sflag:s29] =	ssyncadd.s32 $0xFFFFFFFF  }
0xb6: {  	_ =	strace $0x9000004E  }
0xb7: {  	_ =	sfence  }
0xb8: {  	s30 =	sld [smem:$0x0];
	_ =	sdelay $0x2  }
0xb9: {  	s31 =	sshll.u32 s1, $0xD;
	s1 =	sshrl.u32 s1, $0x2  }
0xba: {  	s3 =	sand.u32 $0x4000, s31;
	s1 =	sadd.s32 s1, s30  }
0xbb: {  	s0 =	sor.u32 s3, s0;
	s1 =	sshll.u32 s1, $0x11  }
0xbc: {  	s0 =	sor.u32 s1, s0  }
0xbd: {  	s0 =	sadd.s32 $0x8F2B, s0  }
0xbe: {  	[sflag:s0] =	ssyncadd.remote.s32 $0x1  }
0xbf: {  	_ =	sfence.sel $0xFFFF  }
0xc0: {  	[dreg:$0x0] =	wrdreg $0xFFFFFFFF;
	(pc) =	sbr.abs _section_cstart, $3  }
0xc1: {  	[dreg:$0x1] =	wrdreg $0xFFFFFFFF  }
0xc2: {  	_ =	task.clear_ibuf [dreg:s7], $0x2FFFF;
	_ =	strace $0x9FFFFFFF  }
0xc3: {  	(tm) =	ssettm $0x7FFFFFFF  }
tec
execute0_lowered:
.L_overlay_start_1:
0x0: {  	(tag) =	ssettag $0x1  }
0x1: {  	s0 =	rddreg [dreg:$0x0]  }
0x2: {  	s1 =	rddreg [dreg:$0x1]  }
0x3: {  	s2 =	rddreg [dreg:$0x2]  }
0x4: {  	s16 =	stileid.u32;
	s3 =	simm.s32 $0x0;
	s7 =	srdreg.scid  }
0x5: {  	s18 =	simm.s32 $0x1;
	s19 =	simm.s32 $0x2A00;
	s20 =	simm.s32 $0x100  }
0x6: {  	s21 =	simm.s32 $0x5400;
	s22 =	simm.s32 $0x9400;
	s23 =	simm.s32 $0x2B00  }
0x7: {  	s24 =	simm.s32 $0x2;
	s4 =	sshrl.u32 s16, $0x2;
	[smem:$0x7FF] =	sst s3  }
0x8: {  	s5 =	sand.u32 $0x3, s16;
	s28 =	sshll.u32 s16, $0x6;
	s13 =	smul.u32 $0xA80, s16  }
0x9: {  	s29 =	sshll.u32 s16, $0x2;
	s14 =	sshllo.u32 s16, $0x1;
	s16 =	smul.u32 $0x1F40, s16  }
0xa: {  	s8 =	sand.u32 $0x1, s7;
	s10 =	sadd.s32 $0x40400, s0;
	s6 =	smul.u32 $0x9C4, s4  }
0xb: {  	s9 =	sadd.s32 $0x4AC00, s0;
	s5 =	smul.u32 $0x7D, s5;
	_ =	strace $0x8000004D  }
0xc: {  	s4 =	sadd.s32 $0x4AE00, s0;
	s7 =	ssub.s32 $0x2, s8;
	s30 =	smul.u32 $0x1F400, s8  }
0xd: {  	p0 =	seq.s32 s8, $0x1;
	s17 =	sshll.u32 s14, $0x1;
	s14 =	smul.u32 $0x540, s14  }
0xe: {  	s25 =	sshrl.u32 s7, $0x1;
	s31 =	sadd.s32 s10, s13;
	s5 =	sadd.s32 s5, s6  }
0xf: {  	s12 =	ssub.s32 s7, s25;
	s6 =	sor.u32 $0x1C03, s28;
	s7 =	sadd.s32 s9, s29  }
0x10: {  	[dreg:$0x4] =	wrdreg s31;
	s9 =	sadd.s32 s9, s17;
	s10 =	sadd.s32 s10, s14  }
0x11: {  	s17 =	simm.s32 $0xD400;
	s11 =	sshll.u32 s5, $0x6;
	s5 =	sadd.s32 $0x17200, s0  }
.Ltmp0:
0x12: {  	s12 =	smax.u32 s12, $0x1;
	s26 =	sadd.s32 s2, s11;
	(pc) =	sbr.rel .LBB2_1-.Ltmp0, $4  }
0x13: {  	s11 =	sadd.s32 s16, s30;
	s16 =	simm.s32 $0x35C00;
	s15 =	sadd.s32 $0x17700, s26  }
0x14: {  	s11 =	sshrl.u32 s11, $0x3;
	s16 =	simm.s32 @!p0 $0x2B400;
	s26 =	simm.s32 $0x0  }
0x15: {  	s11 =	sadd.s32 s1, s11;
	s0 =	sadd.s32 s16, s0;
	s15 =	sshrl.u32 s15, $0x3  }
0x16: {  	s16 =	simm.s32 $0x3;
	s13 =	sadd.s32 s0, s13;
	s14 =	sadd.s32 s0, s14  }
.LBB2_10:
0x17: {  	[spmem:s2] =	stream.indirect.scatter.add.f32 [tilespmem:s22], [sflag:$0x2], $0x40, s23, s20, $0xb8;
	[tilespmem:$0x17410] =	vst v63  }
.LBB2_14:
0x18: {  	_ =	swait.ge [sflag:s24], $0x4000  }
0x19: {  	[sflag:s24] =	ssyncset.done $0x0  }
0x1a: {  	[sflag:s24] =	ssyncadd.s32 $0xFFFFC000  }
0x1b: {  	_ =	swait.ge [sflag:s24], $0x4000  }
0x1c: {  	[sflag:s24] =	ssyncset.done $0x0  }
0x1d: {  	[sflag:s24] =	ssyncadd.s32 $0xFFFFC000  }
.LBB2_15:
0x1e: {  	s26 =	sadd.s32 $0x1, s26  }
0x1f: {  	p0 =	sne.s32 s26, s12  }
.Ltmp1:
0x20: {  	[bflag:$0x0] =	sbarrier.arrive $0xFFFF;
	(pc) =	sbr.rel @!p0 .LBB2_16-.Ltmp1, $4  }
0x21: {  	[hbm:s11], [sflag:s6] =	dma.local [spmem:s15], $0x3E8  }
0x22: {  	_ =	swait.ge [sflag:s16], $0x3E8  }
0x23: {  	[sflag:s16] =	ssyncset.done $0x0  }
0x24: {  	[sflag:s16] =	ssyncadd.s32 $0xFFFFFC18  }
.LBB2_1:
0x25: {  	[spmem:s15], [sflag:s6] =	dma.local [hbm:s5], $0x3E8  }
0x26: {  	_ =	swait.ge [sflag:s16], $0x3E8  }
0x27: {  	[sflag:s16] =	ssyncset.done $0x0  }
0x28: {  	[sflag:s16] =	ssyncadd.s32 $0xFFFFFC18  }
0x29: {  	[bflag:$0x0] =	sbarrier.arrive $0xFFFF  }
0x2a: {  	[tilespmem:s17], [sflag:$0x3] =	stream.linear.gather [hbm4b:s7+s3], $0x10, $0x38;
	[tilespmem:$0x17410] =	vst v63  }
0x2b: {  	_ =	swait.ge [sflag:s16], $0x10  }
0x2c: {  	[sflag:s16] =	ssyncset.done $0x0  }
0x2d: {  	[sflag:s16] =	ssyncadd.s32 $0xFFFFFFF0  }
0x2e: {  	v0 =	vld [tilespmem:$0xD400];
	_ =	sdelay $0x4  }
0x2f: {  	v0 =	vxor.u32 $0x80000000, v0  }
0x30: {  	(xrf0) =	vmax.scan.msk.u32 $0xffff, v0;
	_ =	sdelay $0x5  }
0x31: {  	v0, _, _ =	vpop (xrf0)  }
0x32: {  	(v2sf) =	vpush v0, $0xF;
	_ =	sdelay $0xe  }
0x33: {  	s0 =	spop (v2sf)  }
0x34: {  	s0 =	sadd.s32 $0x800001FF, s0  }
0x35: {  	s1 =	sand.u32 $0x1FF, s0  }
0x36: {  	s31 =	sshra.s32 s0, $0x1F;
	p1 =	slt.s32 s0, $0x1;
	p0 =	sne.s32 s1, $0x0  }
0x37: {  	s1 =	sshrl.u32 s31, $0x17;
	p0 =	por !p1, !p0  }
0x38: {  	s0 =	sadd.s32 s1, s0;
	s1 =	simm.s32 $0x1;
	p0 =	por !p0, !p0  }
0x39: {  	s0 =	sshra.s32 s0, $0x9;
	s1 =	simm.s32 @!p0 $0x0  }
0x3a: {  	s28 =	ssub.s32 s0, s1  }
0x3b: {  	p1 =	slt.s32 s28, $0x1  }
.Ltmp2:
0x3c: {  	_ = 	snop;
	(pc) =	sbr.rel @p1 .LBB2_8-.Ltmp2, $1  }
0x3d: {  	_ =	sdelay $0x3  }
0x3e: {  	[tilespmem:s3], [sflag:$0x3] =	stream.linear.gather [hbm4b:s13+s3], $0x2A00, $0x38;
	[tilespmem:$0x17410] =	vst v63  }
0x3f: {  	_ =	swait.ge [sflag:s16], $0x2A00  }
0x40: {  	[sflag:s16] =	ssyncset.done $0x0  }
0x41: {  	s1 =	rddreg [dreg:$0x4];
	[sflag:s16] =	ssyncadd.s32 $0xFFFFD600  }
0x42: {  	[tilespmem:s19], [sflag:$0x3] =	stream.linear.gather [hbm4b:s1+s3], $0x2A00, $0x38;
	[tilespmem:$0x17410] =	vst v63  }
0x43: {  	_ =	swait.ge [sflag:s16], $0x2A00  }
0x44: {  	[sflag:s16] =	ssyncset.done $0x0  }
0x45: {  	[sflag:s16] =	ssyncadd.s32 $0xFFFFD600  }
0x46: {  	[tilespmem:s21], [sflag:$0x1] =	stream.indirect.gather [hbm4b:s4+s20], $0x40, s3, s20, $0xb8;
	[tilespmem:$0x17410] =	vst v63  }
0x47: {  	_ =	swait.ge [sflag:s18], $0x4000  }
0x48: {  	[sflag:s18] =	ssyncset.done $0x0  }
0x49: {  	p1 =	sne.s32 s28, $0x1;
	[sflag:s18] =	ssyncadd.s32 $0xFFFFC000  }
0x4a: {  	[tilespmem:s22], [sflag:$0x1] =	stream.indirect.gather [hbm4b:s4+s20], $0x40, s20, s20, $0xb8;
	[tilespmem:$0x17410] =	vst v63  }
.Ltmp3:
0x4b: {  	_ = 	snop;
	(pc) =	sbr.rel @p1 .LBB2_4-.Ltmp3, $4  }
0x4c: {  	[spmem:s2] =	stream.indirect.scatter.add.f32 [tilespmem:s21], [sflag:$0x2], $0x40, s19, s20, $0xb8;
	[tilespmem:$0x17410] =	vst v63  }
0x4d: {  	_ =	swait.ge [sflag:s18], $0x4000  }
0x4e: {  	[sflag:s18] =	ssyncset.done $0x0  }
0x4f: {  	[sflag:s18] =	ssyncadd.s32 $0xFFFFC000  }
.Ltmp4:
0x50: {  	(pc) =	sbr.rel .LBB2_7-.Ltmp4, $2  }
0x51: {  	_ =	sdelay $0x2  }
0x52: {  	[spmem:s2] =	stream.indirect.scatter.add.f32 [tilespmem:s22], [sflag:$0x2], $0x40, s23, s20, $0xb8;
	[tilespmem:$0x17410] =	vst v63  }
.LBB2_4:
0x53: {  	_ =	swait.ge [sflag:s24], $0x4000  }
0x54: {  	[sflag:s24] =	ssyncset.done $0x0  }
0x55: {  	s1 =	simm.s32 $0x200;
	[sflag:s24] =	ssyncadd.s32 $0xFFFFC000  }
0x56: {  	[tilespmem:s21], [sflag:$0x1] =	stream.indirect.gather [hbm4b:s4+s20], $0x40, s1, s20, $0xb8;
	[tilespmem:$0x17410] =	vst v63  }
0x57: {  	_ = 	snop  }
0x58: {  	[spmem:s2] =	stream.indirect.scatter.add.f32 [tilespmem:s22], [sflag:$0x2], $0x40, s23, s20, $0xb8;
	[tilespmem:$0x17410] =	vst v63  }
0x59: {  	s28 =	sshll.u32 s28, $0x1;
	_ =	swait.ge [sflag:s18], $0x4000  }
0x5a: {  	p1 =	sle.s32 s28, $0x3;
	[sflag:s18] =	ssyncset.done $0x0  }
0x5b: {  	s1 =	simm.s32 @!p1 $0x2;
	[sflag:s18] =	ssyncadd.s32 $0xFFFFC000  }
0x5c: {  	_ =	swait.ge @!p1 [sflag:s1], $0x4000  }
0x5d: {  	s29 =	simm.s32 $0x300;
	[sflag:s1] =	ssyncset.done @!p1 $0x0  }
0x5e: {  	s30 =	simm.s32 @!p1 $0x9400;
	[sflag:s1] =	ssyncadd.s32 @!p1 $0xFFFFC000;
	s1 =	simm.s32 @!p1 $0x100  }
0x5f: {  	[tilespmem:s30], [sflag:$0x1] =	stream.indirect.gather @!p1 [hbm4b:s4+s1], $0x40, s29, s1, $0xb8;
	[tilespmem:$0x17410] =	vst v63  }
0x60: {  	s25 =	simm.s32 $0x2C00  }
0x61: {  	[spmem:s2] =	stream.indirect.scatter.add.f32 [tilespmem:s21], [sflag:$0x2], $0x40, s25, s20, $0xb8;
	[tilespmem:$0x17410] =	vst v63  }
0x62: {  	s1 =	simm.s32 $0xFFFFFFFF;
	_ =	swait.ge [sflag:s18], $0x4000  }
0x63: {  	s1 =	simm.s32 @!p0 $0x0;
	p0 =	sle.s32 s28, $0x4;
	[sflag:s18] =	ssyncset.done $0x0  }
0x64: {  	s0 =	sadd.s32 s1, s0;
	s1 =	simm.s32 @!p0 $0x2;
	[sflag:s18] =	ssyncadd.s32 $0xFFFFC000  }
0x65: {  	s0 =	sadd.s32 $0xFFFFFFFF, s0;
	_ =	swait.ge @!p0 [sflag:s1], $0x4000  }
0x66: {  	s30 =	simm.s32 @!p0 $0x100;
	s29 =	sadd.s32 $0xFFFFFFFF, s0;
	[sflag:s1] =	ssyncset.done @!p0 $0x0  }
0x67: {  	s0 =	simm.s32 @!p0 $0x5400;
	[sflag:s1] =	ssyncadd.s32 @!p0 $0xFFFFC000;
	s1 =	simm.s32 @!p0 $0x400  }
0x68: {  	[tilespmem:s0], [sflag:$0x1] =	stream.indirect.gather @!p0 [hbm4b:s4+s30], $0x40, s1, s30, $0xb8;
	[tilespmem:$0x17410] =	vst v63  }
0x69: {  	p0 =	sne.s32 s29, $0x0  }
.Ltmp5:
0x6a: {  	_ = 	snop;
	(pc) =	sbr.rel @!p0 .LBB2_6-.Ltmp5, $3  }
0x6b: {  	_ =	sdelay $0x1  }
0x6c: {  	s31 =	simm.s32 $0x2E00  }
0x6d: {  	s30 =	simm.s32 $0x5;
	s1 =	simm.s32 $0x2D00;
	s0 =	simm.s32 $0x500  }
.LBB2_5:
0x6e: {  	[spmem:s2] =	stream.indirect.scatter.add.f32 [tilespmem:s22], [sflag:$0x2], $0x40, s1, s20, $0xb8;
	[tilespmem:$0x17410] =	vst v63  }
0x6f: {  	s29 =	sadd.s32 $0xFFFFFFFF, s29;
	_ =	swait.ge [sflag:s18], $0x4000  }
0x70: {  	p1 =	sge.s32 s30, s28;
	p0 =	sne.s32 s29, $0x0;
	[sflag:s18] =	ssyncset.done $0x0  }
0x71: {  	s1 =	simm.s32 @!p1 $0x2;
	[sflag:s18] =	ssyncadd.s32 $0xFFFFC000  }
0x72: {  	_ =	swait.ge @!p1 [sflag:s1], $0x4000  }
0x73: {  	[sflag:s1] =	ssyncset.done @!p1 $0x0  }
0x74: {  	s25 =	simm.s32 @!p1 $0x9400;
	[sflag:s1] =	ssyncadd.s32 @!p1 $0xFFFFC000;
	s1 =	simm.s32 @!p1 $0x100  }
0x75: {  	[tilespmem:s25], [sflag:$0x1] =	stream.indirect.gather @!p1 [hbm4b:s4+s1], $0x40, s0, s1, $0xb8;
	[tilespmem:$0x17410] =	vst v63  }
0x76: {  	_ = 	snop  }
0x77: {  	[spmem:s2] =	stream.indirect.scatter.add.f32 [tilespmem:s21], [sflag:$0x2], $0x40, s31, s20, $0xb8;
	[tilespmem:$0x17410] =	vst v63  }
0x78: {  	s1 =	sadd.s32 $0x1, s30;
	_ =	swait.ge [sflag:s18], $0x4000  }
0x79: {  	p1 =	sge.s32 s1, s28;
	[sflag:s18] =	ssyncset.done $0x0  }
0x7a: {  	s1 =	simm.s32 @!p1 $0x2;
	[sflag:s18] =	ssyncadd.s32 $0xFFFFC000  }
.Ltmp6:
0x7b: {  	_ =	swait.ge @!p1 [sflag:s1], $0x4000;
	(pc) =	sbr.rel @p0 .LBB2_5-.Ltmp6, $4  }
0x7c: {  	s30 =	sadd.s32 $0x2, s30;
	s25 =	simm.s32 @!p1 $0x5400;
	[sflag:s1] =	ssyncset.done @!p1 $0x0  }
0x7d: {  	s8 =	simm.s32 @!p1 $0x100;
	[sflag:s1] =	ssyncadd.s32 @!p1 $0xFFFFC000;
	s1 =	sadd.s32 @!p1 $0x100, s0  }
0x7e: {  	[tilespmem:s25], [sflag:$0x1] =	stream.indirect.gather @!p1 [hbm4b:s4+s8], $0x40, s1, s8, $0xb8;
	[tilespmem:$0x17410] =	vst v63  }
0x7f: {  	s0 =	sadd.s32 $0x200, s0;
	s1 =	sadd.s32 $0x100, s31;
	s31 =	sadd.s32 $0x200, s31  }
.LBB2_6:
0x80: {  	[spmem:s2] =	stream.indirect.scatter.add.f32 [tilespmem:s22], [sflag:$0x2], $0x40, s1, s20, $0xb8;
	[tilespmem:$0x17410] =	vst v63  }
.LBB2_7:
0x81: {  	_ =	swait.ge [sflag:s24], $0x4000  }
0x82: {  	[sflag:s24] =	ssyncset.done $0x0  }
0x83: {  	[sflag:s24] =	ssyncadd.s32 $0xFFFFC000  }
0x84: {  	_ =	swait.ge [sflag:s24], $0x4000  }
0x85: {  	[sflag:s24] =	ssyncset.done $0x0  }
0x86: {  	[sflag:s24] =	ssyncadd.s32 $0xFFFFC000  }
.LBB2_8:
0x87: {  	[tilespmem:s17], [sflag:$0x3] =	stream.linear.gather [hbm4b:s9+s3], $0x10, $0x38;
	[tilespmem:$0x17410] =	vst v63  }
0x88: {  	_ =	swait.ge [sflag:s16], $0x10  }
0x89: {  	[sflag:s16] =	ssyncset.done $0x0  }
0x8a: {  	[sflag:s16] =	ssyncadd.s32 $0xFFFFFFF0  }
0x8b: {  	v0 =	vld [tilespmem:$0xD400];
	_ =	sdelay $0x4  }
0x8c: {  	v0 =	vxor.u32 $0x80000000, v0  }
0x8d: {  	(xrf0) =	vmax.scan.msk.u32 $0xffff, v0;
	_ =	sdelay $0x5  }
0x8e: {  	v0, _, _ =	vpop (xrf0)  }
0x8f: {  	(v2sf) =	vpush v0, $0xF;
	_ =	sdelay $0xe  }
0x90: {  	s0 =	spop (v2sf)  }
0x91: {  	s0 =	sadd.s32 $0x800001FF, s0  }
0x92: {  	s1 =	sand.u32 $0x1FF, s0  }
0x93: {  	s31 =	sshra.s32 s0, $0x1F;
	p1 =	slt.s32 s0, $0x1;
	p0 =	sne.s32 s1, $0x0  }
0x94: {  	s1 =	sshrl.u32 s31, $0x17;
	p0 =	por !p1, !p0  }
0x95: {  	s0 =	sadd.s32 s1, s0;
	s1 =	simm.s32 $0x1;
	p0 =	por !p0, !p0  }
0x96: {  	s0 =	sshra.s32 s0, $0x9;
	s1 =	simm.s32 @!p0 $0x0  }
0x97: {  	s28 =	ssub.s32 s0, s1  }
0x98: {  	p1 =	slt.s32 s28, $0x1  }
.Ltmp7:
0x99: {  	_ = 	snop;
	(pc) =	sbr.rel @p1 .LBB2_15-.Ltmp7, $1  }
0x9a: {  	_ =	sdelay $0x3  }
0x9b: {  	[tilespmem:s3], [sflag:$0x3] =	stream.linear.gather [hbm4b:s14+s3], $0x2A00, $0x38;
	[tilespmem:$0x17410] =	vst v63  }
0x9c: {  	_ =	swait.ge [sflag:s16], $0x2A00  }
0x9d: {  	[sflag:s16] =	ssyncset.done $0x0  }
0x9e: {  	[sflag:s16] =	ssyncadd.s32 $0xFFFFD600  }
0x9f: {  	[tilespmem:s19], [sflag:$0x3] =	stream.linear.gather [hbm4b:s10+s3], $0x2A00, $0x38;
	[tilespmem:$0x17410] =	vst v63  }
0xa0: {  	_ =	swait.ge [sflag:s16], $0x2A00  }
0xa1: {  	[sflag:s16] =	ssyncset.done $0x0  }
0xa2: {  	[sflag:s16] =	ssyncadd.s32 $0xFFFFD600  }
0xa3: {  	[tilespmem:s21], [sflag:$0x1] =	stream.indirect.gather [hbm4b:s4+s20], $0x40, s3, s20, $0xb8;
	[tilespmem:$0x17410] =	vst v63  }
0xa4: {  	_ =	swait.ge [sflag:s18], $0x4000  }
0xa5: {  	[sflag:s18] =	ssyncset.done $0x0  }
0xa6: {  	p1 =	sne.s32 s28, $0x1;
	[sflag:s18] =	ssyncadd.s32 $0xFFFFC000  }
0xa7: {  	[tilespmem:s22], [sflag:$0x1] =	stream.indirect.gather [hbm4b:s4+s20], $0x40, s20, s20, $0xb8;
	[tilespmem:$0x17410] =	vst v63  }
.Ltmp8:
0xa8: {  	_ = 	snop;
	(pc) =	sbr.rel @!p1 .LBB2_10-.Ltmp8, $4  }
0xa9: {  	[spmem:s2] =	stream.indirect.scatter.add.f32 [tilespmem:s21], [sflag:$0x2], $0x40, s19, s20, $0xb8;
	[tilespmem:$0x17410] =	vst v63  }
0xaa: {  	_ =	swait.ge [sflag:s18], $0x4000  }
0xab: {  	[sflag:s18] =	ssyncset.done $0x0  }
0xac: {  	[sflag:s18] =	ssyncadd.s32 $0xFFFFC000  }
0xad: {  	_ =	swait.ge [sflag:s24], $0x4000  }
0xae: {  	[sflag:s24] =	ssyncset.done $0x0  }
0xaf: {  	s1 =	simm.s32 $0x200;
	[sflag:s24] =	ssyncadd.s32 $0xFFFFC000  }
0xb0: {  	[tilespmem:s21], [sflag:$0x1] =	stream.indirect.gather [hbm4b:s4+s20], $0x40, s1, s20, $0xb8;
	[tilespmem:$0x17410] =	vst v63  }
0xb1: {  	_ = 	snop  }
0xb2: {  	[spmem:s2] =	stream.indirect.scatter.add.f32 [tilespmem:s22], [sflag:$0x2], $0x40, s23, s20, $0xb8;
	[tilespmem:$0x17410] =	vst v63  }
0xb3: {  	s28 =	sshll.u32 s28, $0x1;
	_ =	swait.ge [sflag:s18], $0x4000  }
0xb4: {  	p1 =	sle.s32 s28, $0x3;
	[sflag:s18] =	ssyncset.done $0x0  }
0xb5: {  	s1 =	simm.s32 @!p1 $0x2;
	[sflag:s18] =	ssyncadd.s32 $0xFFFFC000  }
0xb6: {  	_ =	swait.ge @!p1 [sflag:s1], $0x4000  }
0xb7: {  	s8 =	simm.s32 $0x300;
	[sflag:s1] =	ssyncset.done @!p1 $0x0  }
0xb8: {  	s25 =	simm.s32 @!p1 $0x9400;
	[sflag:s1] =	ssyncadd.s32 @!p1 $0xFFFFC000;
	s1 =	simm.s32 @!p1 $0x100  }
0xb9: {  	[tilespmem:s25], [sflag:$0x1] =	stream.indirect.gather @!p1 [hbm4b:s4+s1], $0x40, s8, s1, $0xb8;
	[tilespmem:$0x17410] =	vst v63  }
0xba: {  	s25 =	simm.s32 $0x2C00  }
0xbb: {  	[spmem:s2] =	stream.indirect.scatter.add.f32 [tilespmem:s21], [sflag:$0x2], $0x40, s25, s20, $0xb8;
	[tilespmem:$0x17410] =	vst v63  }
0xbc: {  	s1 =	simm.s32 $0xFFFFFFFF;
	_ =	swait.ge [sflag:s18], $0x4000  }
0xbd: {  	s1 =	simm.s32 @!p0 $0x0;
	p0 =	sle.s32 s28, $0x4;
	[sflag:s18] =	ssyncset.done $0x0  }
0xbe: {  	s0 =	sadd.s32 s1, s0;
	s1 =	simm.s32 @!p0 $0x2;
	[sflag:s18] =	ssyncadd.s32 $0xFFFFC000  }
0xbf: {  	s0 =	sadd.s32 $0xFFFFFFFF, s0;
	_ =	swait.ge @!p0 [sflag:s1], $0x4000  }
0xc0: {  	s8 =	simm.s32 @!p0 $0x100;
	s29 =	sadd.s32 $0xFFFFFFFF, s0;
	[sflag:s1] =	ssyncset.done @!p0 $0x0  }
0xc1: {  	s0 =	simm.s32 @!p0 $0x5400;
	[sflag:s1] =	ssyncadd.s32 @!p0 $0xFFFFC000;
	s1 =	simm.s32 @!p0 $0x400  }
0xc2: {  	[tilespmem:s0], [sflag:$0x1] =	stream.indirect.gather @!p0 [hbm4b:s4+s8], $0x40, s1, s8, $0xb8;
	[tilespmem:$0x17410] =	vst v63  }
0xc3: {  	p0 =	sne.s32 s29, $0x0  }
.Ltmp9:
0xc4: {  	_ = 	snop;
	(pc) =	sbr.rel @!p0 .LBB2_13-.Ltmp9, $3  }
0xc5: {  	_ =	sdelay $0x1  }
0xc6: {  	s30 =	simm.s32 $0x5  }
0xc7: {  	s31 =	simm.s32 $0x2E00;
	s1 =	simm.s32 $0x2D00;
	s0 =	simm.s32 $0x500  }
.LBB2_12:
0xc8: {  	[spmem:s2] =	stream.indirect.scatter.add.f32 [tilespmem:s22], [sflag:$0x2], $0x40, s1, s20, $0xb8;
	[tilespmem:$0x17410] =	vst v63  }
0xc9: {  	s29 =	sadd.s32 $0xFFFFFFFF, s29;
	_ =	swait.ge [sflag:s18], $0x4000  }
0xca: {  	p1 =	sge.s32 s30, s28;
	p0 =	sne.s32 s29, $0x0;
	[sflag:s18] =	ssyncset.done $0x0  }
0xcb: {  	s1 =	simm.s32 @!p1 $0x2;
	[sflag:s18] =	ssyncadd.s32 $0xFFFFC000  }
0xcc: {  	_ =	swait.ge @!p1 [sflag:s1], $0x4000  }
0xcd: {  	[sflag:s1] =	ssyncset.done @!p1 $0x0  }
0xce: {  	s8 =	simm.s32 @!p1 $0x9400;
	[sflag:s1] =	ssyncadd.s32 @!p1 $0xFFFFC000;
	s1 =	simm.s32 @!p1 $0x100  }
0xcf: {  	[tilespmem:s8], [sflag:$0x1] =	stream.indirect.gather @!p1 [hbm4b:s4+s1], $0x40, s0, s1, $0xb8;
	[tilespmem:$0x17410] =	vst v63  }
0xd0: {  	_ = 	snop  }
0xd1: {  	[spmem:s2] =	stream.indirect.scatter.add.f32 [tilespmem:s21], [sflag:$0x2], $0x40, s31, s20, $0xb8;
	[tilespmem:$0x17410] =	vst v63  }
0xd2: {  	s1 =	sadd.s32 $0x1, s30;
	_ =	swait.ge [sflag:s18], $0x4000  }
0xd3: {  	p1 =	sge.s32 s1, s28;
	[sflag:s18] =	ssyncset.done $0x0  }
0xd4: {  	s1 =	simm.s32 @!p1 $0x2;
	[sflag:s18] =	ssyncadd.s32 $0xFFFFC000  }
.Ltmp10:
0xd5: {  	_ =	swait.ge @!p1 [sflag:s1], $0x4000;
	(pc) =	sbr.rel @p0 .LBB2_12-.Ltmp10, $4  }
0xd6: {  	s30 =	sadd.s32 $0x2, s30;
	s8 =	simm.s32 @!p1 $0x5400;
	[sflag:s1] =	ssyncset.done @!p1 $0x0  }
0xd7: {  	s25 =	simm.s32 @!p1 $0x100;
	[sflag:s1] =	ssyncadd.s32 @!p1 $0xFFFFC000;
	s1 =	sadd.s32 @!p1 $0x100, s0  }
0xd8: {  	[tilespmem:s8], [sflag:$0x1] =	stream.indirect.gather @!p1 [hbm4b:s4+s25], $0x40, s1, s25, $0xb8;
	[tilespmem:$0x17410] =	vst v63  }
0xd9: {  	s0 =	sadd.s32 $0x200, s0;
	s1 =	sadd.s32 $0x100, s31;
	s31 =	sadd.s32 $0x200, s31  }
.LBB2_13:
.Ltmp11:
0xda: {  	(pc) =	sbr.rel .LBB2_14-.Ltmp11, $2  }
0xdb: {  	_ =	sdelay $0x2  }
0xdc: {  	[spmem:s2] =	stream.indirect.scatter.add.f32 [tilespmem:s22], [sflag:$0x2], $0x40, s1, s20, $0xb8;
	[tilespmem:$0x17410] =	vst v63  }
.LBB2_16:
0xdd: {  	_ =	sfence.sel $0x180000  }
0xde: {  	[bflag:$0x0] =	sbarrier.arrive $0xFFFF  }
0xdf: {  	_ =	strace $0x9000004D  }
0xe0: {  	s0 =	stileid.u32;
	[bflag:$0x2] =	sbarrier.arrive $0xFFFF  }
0xe1: {  	p0 =	sne.s32 s0, $0x0;
	s0 =	rddreg [dreg:$0x3]  }
0xe2: {  	s0 =	sadd.s32 @!p0 $0x100000, s0  }
0xe3: {  	[sflag:s0] =	ssyncadd.tile.s32 @!p0 $0x1;
	_ =	shalt  }
.Lfunc_end2:
_tile_overlayer_lowered:
.L_overlay_start_2:
0xe4: {  	(tag) =	ssettag $0x2  }
0xe5: {  	s0 =	rddreg [dreg:$0x0];
	s2 =	stileid.u32  }
0xe6: {  	s1 =	rddreg [dreg:$0x1];
	p0 =	sne.s32 s2, $0x0  }
0xe7: {  	s3 =	rddreg [dreg:$0x2];
	[bflag:$0x3] =	sbarrier.arrive $0xFFFF;
	s2 =	simm.s32 @!p0 $0x1C03  }
0xe8: {  	[timem:s3], [sflag:s2] =	dma.local @!p0 [hbm:s0], s1  }
0xe9: {  	s0 =	simm.s32 @!p0 $0x3  }
0xea: {  	_ =	swait.ge @!p0 [sflag:s0], s1  }
0xeb: {  	s1 =	ssub.s32 @!p0 $0x0, s1;
	[sflag:s0] =	ssyncset.done @!p0 $0x0  }
0xec: {  	[sflag:s0] =	ssyncadd.s32 @!p0 s1  }
0xed: {  	[bflag:$0x3] =	sbarrier.arrive $0xFFFF  }
0xee: {  	_ =	shalt  }

// kernel: kernel.8.cloned.1.call-start
scs
__scs_entry_jumppad:
0x0: {  	(pc) =	sbr.rel $0x88, $3  }
0x1: {  	(tag) =	ssettag $0x0;
	lr =	simm.s32 $0x1  }
0x2: {  	[smem:$0x3F94] =	sst lr;
	_ =	strace $0xD0000000  }
0x3: {  	_ = 	snop  }
0x4: {  	_ = 	snop  }
0x5: {  	_ = 	snop  }
0x6: {  	_ = 	snop  }
0x7: {  	_ = 	snop  }
__scs_overlays_trampoline_lowered:
0x8: {  	[smem:$0x3FA3] =	sst s0  }
0x9: {  	[smem:$0x3FA4] =	sst s1  }
0xa: {  	[smem:$0x3FA5] =	sst s2  }
0xb: {  	[smem:$0x3FA6] =	sst s3  }
0xc: {  	[smem:$0x3FA7] =	sst s4  }
0xd: {  	[smem:$0x3FA8] =	sst s5  }
0xe: {  	[smem:$0x3FA9] =	sst s6  }
0xf: {  	[smem:$0x3FAA] =	sst s7  }
0x10: {  	[smem:$0x3FAB] =	sst s8  }
0x11: {  	[smem:$0x3FAC] =	sst s9;
	s0 =	simm.s32 @!p0 $0x0  }
0x12: {  	s1 =	sld [smem:$0x3F92];
	s0 =	simm.s32 @p0 $0x1  }
0x13: {  	[smem:$0x3FAD] =	sst s0;
	s0 =	simm.s32 @!p1 $0x0  }
0x14: {  	s2 =	sld [smem:$0x3F91];
	s0 =	simm.s32 @p1 $0x1  }
0x15: {  	[smem:$0x3FAE] =	sst s0;
	s0 =	simm.s32 @!p2 $0x0  }
0x16: {  	s3 =	sld [smem:$0x3FDB];
	s0 =	simm.s32 @p2 $0x1  }
0x17: {  	s4 =	simm.s32 $0x1BF5;
	[smem:$0x3FB0] =	sst s0  }
0x18: {  	s0 =	sld [smem:$0x3F93];
	_ =	swait.ge [sflag:s4], $0x0  }
0x19: {  	s7 =	sld [smem:$0x3F94]  }
0x1a: {  	s8 =	sadd.s32 $0xFFFFE003, lr  }
0x1b: {  	s9 =	sadd.s32 $0xFFFFFEF7, lr;
	s5 =	simm.s32 $0xFFFFFFFF;
	p2 =	slt.u32 s8, $0xFFFFF086  }
0x1c: {  	p1 =	slt.u32 s9, $0xF7A;
	s5 =	simm.s32 @!p2 $0x0  }
0x1d: {  	s5 =	simm.s32 @p1 $0x1;
	p0 =	seq.s32 s7, s2  }
0x1e: {  	s7 =	smul.u32 @!p0 $0xF7A, s2;
	p2 =	seq.s32 @!p0 s5, $0x0  }
0x1f: {  	s9 =	smul.u32 $0xF7A, s1;
	s8 =	simm.s32 @!p0 $0x1BF5;
	p2 =	por !p2, p0  }
0x20: {  	[sflag:s8] =	ssyncset.s32 @!p0 $0xFFFFF086;
	s6 =	sadd.s32 @!p0 s3, s7;
	s7 =	simm.s32 @!p0 $0x108  }
0x21: {  	s3 =	sadd.s32 s3, s9;
	s6 =	sadd.s32 @!p0 $0x88, s6;
	s7 =	simm.s32 @p2 $0x1082  }
0x22: {  	[simem:s7], [sflag:s8] =	dma.local @!p0 [hbm:s6], $0xF7A  }
0x23: {  	s9 =	sor.u32 $0xD0000000, s2;
	s6 =	simm.s32 $0x108;
	_ =	swait.ge @!p0 [sflag:s8], $0x0  }
0x24: {  	s3 =	sadd.s32 $0x88, s3;
	s6 =	simm.s32 @!p1 $0x1082;
	[sflag:s4] =	ssyncset.s32 $0xFFFFF086  }
0x25: {  	[simem:s6], [sflag:s4] =	dma.local [hbm:s3], $0xF7A  }
0x26: {  	[smem:$0x3F94] =	sst s1;
	(tag) =	ssettag s2;
	_ =	strace s9  }
0x27: {  	s1 =	sld [smem:$0x3FA4]  }
0x28: {  	s2 =	sld [smem:$0x3FA5]  }
0x29: {  	s4 =	sld [smem:$0x3FA7]  }
0x2a: {  	p0 =	seq.s32 s5, $0x0;
	s5 =	sld [smem:$0x3FA8]  }
0x2b: {  	s6 =	sld [smem:$0x3FA9]  }
0x2c: {  	s7 =	sld [smem:$0x3FAA]  }
0x2d: {  	s3 =	simm.s32 $0x108;
	s8 =	sld [smem:$0x3FAB]  }
0x2e: {  	s3 =	simm.s32 @!p0 $0x1082;
	s9 =	sld [smem:$0x3FAC]  }
0x2f: {  	lr =	sadd.s32 s0, s3;
	s0 =	sld [smem:$0x3FA3]  }
0x30: {  	s3 =	sld [smem:$0x3FA6]  }
0x31: {  	[smem:$0x3FAF] =	sst s10  }
0x32: {  	s10 =	sld [smem:$0x3FAD];
	_ =	sdelay $0x3  }
0x33: {  	p0 =	seq.s32 s10, $0x1;
	s10 =	sld [smem:$0x3FAF];
	_ =	sdelay $0x3  }
0x34: {  	[smem:$0x3FAF] =	sst s10  }
0x35: {  	s10 =	sld [smem:$0x3FAE];
	_ =	sdelay $0x3  }
0x36: {  	p1 =	seq.s32 s10, $0x1;
	s10 =	sld [smem:$0x3FAF];
	_ =	sdelay $0x3  }
0x37: {  	[smem:$0x3FAF] =	sst s10  }
0x38: {  	s10 =	sld [smem:$0x3FB0]  }
0x39: {  	_ = 	snop;
	(pc) =	sbr.ind lr, $3  }
0x3a: {  	_ = 	snop  }
0x3b: {  	_ = 	snop  }
0x3c: {  	p2 =	seq.s32 s10, $0x1;
	s10 =	sld [smem:$0x3FAF]  }
0x3d: {  	_ =	shalt  }
0x3e: {  	_ =	shalt  }
0x3f: {  	_ =	shalt  }
0x40: {  	_ =	shalt  }
0x41: {  	_ =	shalt  }
0x42: {  	_ =	shalt  }
0x43: {  	_ =	shalt  }
0x44: {  	_ =	shalt  }
0x45: {  	_ =	shalt  }
0x46: {  	_ =	shalt  }
0x47: {  	_ =	shalt  }
0x48: {  	_ =	shalt  }
0x49: {  	_ =	shalt  }
0x4a: {  	_ =	shalt  }
0x4b: {  	_ =	shalt  }
0x4c: {  	_ =	shalt  }
0x4d: {  	_ =	shalt  }
0x4e: {  	_ =	shalt  }
0x4f: {  	_ =	shalt  }
0x50: {  	_ =	shalt  }
0x51: {  	_ =	shalt  }
0x52: {  	_ =	shalt  }
0x53: {  	_ =	shalt  }
0x54: {  	_ =	shalt  }
0x55: {  	_ =	shalt  }
0x56: {  	_ =	shalt  }
0x57: {  	_ =	shalt  }
0x58: {  	_ =	shalt  }
0x59: {  	_ =	shalt  }
0x5a: {  	_ =	shalt  }
0x5b: {  	_ =	shalt  }
0x5c: {  	_ =	shalt  }
0x5d: {  	_ =	shalt  }
0x5e: {  	_ =	shalt  }
0x5f: {  	_ =	shalt  }
0x60: {  	_ =	shalt  }
0x61: {  	_ =	shalt  }
0x62: {  	_ =	shalt  }
0x63: {  	_ =	shalt  }
0x64: {  	_ =	shalt  }
0x65: {  	_ =	shalt  }
0x66: {  	_ =	shalt  }
0x67: {  	_ =	shalt  }
0x68: {  	_ =	shalt  }
0x69: {  	_ =	shalt  }
0x6a: {  	_ =	shalt  }
0x6b: {  	_ =	shalt  }
0x6c: {  	_ =	shalt  }
0x6d: {  	_ =	shalt  }
0x6e: {  	_ =	shalt  }
0x6f: {  	_ =	shalt  }
0x70: {  	_ =	shalt  }
0x71: {  	_ =	shalt  }
0x72: {  	_ =	shalt  }
0x73: {  	_ =	shalt  }
0x74: {  	_ =	shalt  }
0x75: {  	_ =	shalt  }
0x76: {  	_ =	shalt  }
0x77: {  	_ =	shalt  }
0x78: {  	_ =	shalt  }
0x79: {  	_ =	shalt  }
0x7a: {  	_ =	shalt  }
0x7b: {  	_ =	shalt  }
0x7c: {  	_ =	shalt  }
0x7d: {  	_ =	shalt  }
0x7e: {  	_ =	shalt  }
0x7f: {  	_ =	shalt  }
0x80: {  	_ =	shalt  }
0x81: {  	_ =	shalt  }
0x82: {  	_ =	shalt  }
0x83: {  	_ =	shalt  }
0x84: {  	_ =	shalt  }
0x85: {  	_ =	shalt  }
0x86: {  	_ =	shalt  }
0x87: {  	_ =	shalt  }
.Lfunc_end0:
.L_simem_size_0:
called_computation_lowered:
.L_overlay_start_0:
0x88: {  	s2 =	sld [smem:$0x3FD9]  }
0x89: {  	s3 =	sld [smem:$0x3FFE];
	_ =	sdelay $0x1  }
0x8a: {  	s1 =	srdreg.scid  }
0x8b: {  	s0 =	sand.u32 $0x1, s1  }
0x8c: {  	s17 =	sshll.u32 s0, $0xA;
	s2 =	sadd.s32 s3, s2  }
0x8d: {  	s2 =	sadd.s32 s2, s17  }
0x8e: {  	[smem:$0x3FBB] =	sst s2  }
0x8f: {  	_ = 	snop  }
0x90: {  	s2 =	sld [smem:$0x3FD0];
	(tm) =	ssettm $0x1  }
0x91: {  	s18 =	sld [smem:$0x3FFB];
	_ =	sdelay $0x3  }
0x92: {  	_ =	strace s18  }
0x93: {  	s3 =	sld [smem:$0x3FFC];
	_ =	sdelay $0x3  }
0x94: {  	_ =	strace s3  }
0x95: {  	s3 =	sld [smem:$0x3FFD];
	_ =	sdelay $0x3  }
0x96: {  	_ =	strace s3  }
0x97: {  	_ =	strace $0x8FFFFFFF  }
0x98: {  	s19 =	sld [smem:$0x3FDB];
	_ =	sdelay $0x1  }
0x99: {  	s4 =	simm.s32 $_scs_section_size  }
0x9a: {  	s5 =	simm.s32 $_size__tile_overlayer_lowered;
	s6 =	simm.s32 $_tile_overlayer_lowered  }
0x9b: {  	s22 =	simm.s32 $0x1BFF;
	s21 =	sshll.u32 s6, $0x1;
	s3 =	sadd.s32 s4, s19  }
0x9c: {  	s7 =	simm.s32 $0x0;
	s20 =	sshll.u32 s5, $0x1;
	s5 =	sadd.s32 s21, s3  }
0x9d: {  	[timem:s7], [sflag:s22] =	dma.local [hbm:s5], s20  }
0x9e: {  	_ =	swait.ge [sflag:s22], s20  }
0x9f: {  	s4 =	ssub.s32 $0x0, s20;
	[sflag:s22] =	ssyncset.done $0x0  }
0xa0: {  	[sflag:s22] =	ssyncadd.s32 s4;
	_ =	sdelay $0x1  }
0xa1: {  	s23 =	simm.s32 $0x1B8B  }
0xa2: {  	_ =	swait.ge [sflag:s23], $0x1  }
0xa3: {  	[sflag:s23] =	ssyncset.done $0x0  }
0xa4: {  	s25 =	simm.s32 $0x1B8E;
	s24 =	sld [smem:$0x3FFE];
	[sflag:s23] =	ssyncadd.s32 $0xFFFFFFFF  }
0xa5: {  	s26 =	simm.s32 $execute0_lowered;
	[smem:$0x3FD2] =	sst s25  }
0xa6: {  	s5 =	sshll.u32 s26, $0x1;
	_ =	strace $0x80000046;
	[dreg:$0x1] =	wrdreg $0xFFFFFFFF  }
0xa7: {  	s28 =	simm.s32 $_size_execute0_lowered;
	s3 =	sadd.s32 s3, s5;
	[dreg:$0x0] =	wrdreg $0x0  }
0xa8: {  	s5 =	sshll.u32 s28, $0x1;
	[dreg:$0x2] =	wrdreg s3  }
0xa9: {  	[dreg:$0x3] =	wrdreg s5  }
0xaa: {  	[dreg:$0x4] =	wrdreg $0xC0  }
0xab: {  	_ =	task [dreg:s7], $0x5FFFF  }
0xac: {  	[dreg:$0x1] =	wrdreg $0xFFFFFFFF  }
0xad: {  	[dreg:$0x0] =	wrdreg $0x60  }
0xae: {  	[dreg:$0x2] =	wrdreg s24  }
0xaf: {  	[dreg:$0x3] =	wrdreg s2  }
0xb0: {  	[dreg:$0x4] =	wrdreg $0xDE100  }
0xb1: {  	[dreg:$0x5] =	wrdreg $0x106100  }
0xb2: {  	[dreg:$0x6] =	wrdreg $0x9  }
0xb3: {  	_ =	task.clear_ibuf [dreg:s7], $0x7FFFF;
	_ =	strace $0x90000046  }
0xb4: {  	s29 =	simm.s32 $0x9;
	_ =	strace $0x80000048  }
0xb5: {  	_ =	swait.ge [sflag:s29], $0x1  }
0xb6: {  	[sflag:s29] =	ssyncadd.s32 $0xFFFFFFFF  }
0xb7: {  	_ =	strace $0x90000048  }
0xb8: {  	_ =	sfence  }
0xb9: {  	s30 =	sld [smem:$0x0];
	_ =	sdelay $0x2  }
0xba: {  	s31 =	sshll.u32 s1, $0xD;
	s1 =	sshrl.u32 s1, $0x2  }
0xbb: {  	s3 =	sand.u32 $0x4000, s31;
	s1 =	sadd.s32 s1, s30  }
0xbc: {  	s0 =	sor.u32 s3, s0;
	s1 =	sshll.u32 s1, $0x11  }
0xbd: {  	s0 =	sor.u32 s1, s0  }
0xbe: {  	s0 =	sadd.s32 $0x8F2B, s0  }
0xbf: {  	[sflag:s0] =	ssyncadd.remote.s32 $0x1  }
0xc0: {  	_ =	sfence.sel $0xFFFF  }
0xc1: {  	[dreg:$0x0] =	wrdreg $0xFFFFFFFF;
	(pc) =	sbr.abs _section_cstart, $3  }
0xc2: {  	[dreg:$0x1] =	wrdreg $0xFFFFFFFF  }
0xc3: {  	_ =	task.clear_ibuf [dreg:s7], $0x2FFFF;
	_ =	strace $0x9FFFFFFF  }
0xc4: {  	(tm) =	ssettm $0x7FFFFFFF  }
0xc5: {  	_ =	shalt  }
tec
execute0_lowered:
.L_overlay_start_1:
0x0: {  	(tag) =	ssettag $0x1  }
0x1: {  	s0 =	rddreg [dreg:$0x0]  }
0x2: {  	s1 =	rddreg [dreg:$0x1]  }
0x3: {  	s3 =	rddreg [dreg:$0x2];
	s4 =	srdreg.scid  }
0x4: {  	s12 =	rddreg [dreg:$0x3];
	s2 =	stileid.u32;
	s5 =	sand.u32 $0x1, s4  }
0x5: {  	s7 =	smul.u32 $0x2800, s2;
	s4 =	simm.s32 $0x0;
	s11 =	sadd.s32 $0x17200, s0  }
0x6: {  	s31 =	sshll.u32 s2, $0x6;
	s6 =	sshll.u32 s5, $0x4;
	s8 =	smul.u32 $0x50000, s5  }
0x7: {  	[smem:$0x7FF] =	sst s4;
	s5 =	ssub.s32 $0x2, s5;
	s6 =	sor.u32 s2, s6  }
0x8: {  	_ =	strace $0x80000047;
	[dreg:$0x5] =	wrdreg s11;
	s18 =	sshrl.u32 s5, $0x1  }
0x9: {  	s19 =	sshrl.u32 s7, $0x3;
	s20 =	sadd.s32 s7, s3;
	s21 =	sadd.s32 s7, s12  }
0xa: {  	s2 =	sor.u32 $0x1C02, s31;
	s9 =	smul.u32 $0x500, s6;
	s8 =	sadd.s32 s7, s8  }
0xb: {  	s10 =	smul.u32 $0x540, s6;
	s1 =	sadd.s32 s1, s19;
	[dreg:$0x10] =	wrdreg s2  }
0xc: {  	s5 =	ssub.s32 s5, s18;
	s7 =	sshrl.u32 s20, $0x3;
	[dreg:$0x6] =	wrdreg s1  }
0xd: {  	s6 =	sshll.u32 s6, $0x1;
	s30 =	smax.u32 s5, $0x1;
	[dreg:$0x11] =	wrdreg s7  }
0xe: {  	s1 =	sshrl.u32 s21, $0x3;
	s9 =	sadd.s32 s9, s0;
	[dreg:$0xf] =	wrdreg s30  }
0xf: {  	s8 =	sshrl.u32 s8, $0x3;
	[dreg:$0x12] =	wrdreg s1;
	s22 =	sadd.s32 $0x3200, s9  }
0x10: {  	v0 =	vimm.s32 $0xECA86420;
	s10 =	sadd.s32 s10, s0;
	s23 =	sadd.s32 $0xD200, s9;
	[dreg:$0x7] =	wrdreg s22  }
0x11: {  	vm0 =	vcmask $0xB08;
	vm1 =	vcmask $0x1310;
	vm2 =	vcmask $0x1B18;
	s8 =	sadd.s32 s8, s0;
	s24 =	sadd.s32 $0x2B400, s10;
	[dreg:$0x8] =	wrdreg s23  }
0x12: {  	vm3 =	vcmask $0x300;
	vm4 =	vcmask $0x2320;
	vm5 =	vcmask $0x2B28;
	s0 =	sadd.s32 s6, s0;
	s25 =	sadd.s32 $0x35C00, s10;
	[dreg:$0x9] =	wrdreg s24  }
.Ltmp0:
0x13: {  	vm6 =	vcmask $0x3330;
	v1 =	vlaneseq.u32;
	vm7 =	vcmask $0x3B38;
	s26 =	sadd.s32 $0x40400, s10;
	[dreg:$0xa] =	wrdreg s25;
	(pc) =	sbr.rel .LBB2_1-.Ltmp0, $4  }
0x14: {  	vm8 =	vmmov $0xff;
	vm11 =	vcmask $0xF0C;
	vm12 =	vcmask $0x1714;
	s5 =	simm.s32 $0x5000;
	s0 =	sadd.s32 $0x4AC00, s0;
	[dreg:$0xb] =	wrdreg s26  }
0x15: {  	vm13 =	vcmask $0x1F1C;
	vm14 =	vcmask $0x2724;
	v0 =	vunpack.c.l.s4.s8 v0;
	s6 =	simm.s32 $0x2;
	s28 =	sadd.s32 $0x17400, s8;
	[dreg:$0xc] =	wrdreg s0  }
0x16: {  	vm15 =	vcmask $0x2F2C;
	vm9 =	vcmask $0x3734;
	v3 =	vimm.s32 $0x0;
	s29 =	sadd.s32 $0x1C400, s8;
	s8 =	simm.s32 $0x100;
	[dreg:$0xd] =	wrdreg s28  }
0x17: {  	v4 =	vimm.s32 $0x2750;
	v2 =	vmul.u32 $0x2, v1;
	v0 =	vunpack.c.0.s8.s32 v0;
	s9 =	simm.s32 $0x0;
	[dreg:$0xe] =	wrdreg s29;
	s24 =	simm.s32 $0x1  }
.LBB2_8:
0x18: {  	v5 =	vmov s0  }
0x19: {  	s4 =	simm.s32 $0x0;
	s20 =	rddreg [dreg:$0x9];
	s1 =	simm.s32 $0x6000;
	[tilespmem:$0xDE00] =	vst v5  }
0x1a: {  	[hbm4b:s20+s4] =	stream.linear.scatter [tilespmem:s1], [sflag:$0x2], $0x2A00, $0x38;
	[tilespmem:$0x12E10] =	vst v63  }
0x1b: {  	_ =	swait.ge [sflag:s6], $0x2A00  }
0x1c: {  	[sflag:s6] =	ssyncset.done $0x0  }
0x1d: {  	s22 =	simm.s32 $0x8A00;
	s21 =	rddreg [dreg:$0xa];
	[sflag:s6] =	ssyncadd.s32 $0xFFFFD600  }
0x1e: {  	[hbm4b:s21+s4] =	stream.linear.scatter [tilespmem:s22], [sflag:$0x2], $0x2A00, $0x38;
	[tilespmem:$0x12E10] =	vst v63  }
0x1f: {  	_ =	swait.ge [sflag:s6], $0x2A00  }
0x20: {  	[sflag:s6] =	ssyncset.done $0x0  }
0x21: {  	s25 =	simm.s32 $0xB400;
	s23 =	rddreg [dreg:$0xb];
	[sflag:s6] =	ssyncadd.s32 $0xFFFFD600  }
0x22: {  	[hbm4b:s23+s4] =	stream.linear.scatter [tilespmem:s25], [sflag:$0x2], $0x2A00, $0x38;
	[tilespmem:$0x12E10] =	vst v63  }
0x23: {  	_ =	swait.ge [sflag:s6], $0x2A00  }
0x24: {  	[sflag:s6] =	ssyncset.done $0x0  }
0x25: {  	s28 =	simm.s32 $0xDE00;
	s26 =	rddreg [dreg:$0xc];
	[sflag:s6] =	ssyncadd.s32 $0xFFFFD600  }
0x26: {  	[hbm4b:s26+s4] =	stream.linear.scatter [tilespmem:s28], [sflag:$0x2], $0x10, $0x38;
	[tilespmem:$0x12E10] =	vst v63  }
0x27: {  	_ =	swait.ge [sflag:s6], $0x10  }
0x28: {  	[sflag:s6] =	ssyncset.done $0x0  }
0x29: {  	[sflag:s6] =	ssyncadd.s32 $0xFFFFFFF0  }
0x2a: {  	_ =	swait.ge [sflag:s24], $0x1000  }
0x2b: {  	[sflag:s24] =	ssyncset.done $0x0  }
0x2c: {  	[sflag:s24] =	ssyncadd.s32 $0xFFFFF000  }
0x2d: {  	_ =	swait.ge [sflag:s24], $0x1000  }
0x2e: {  	[sflag:s24] =	ssyncset.done $0x0  }
0x2f: {  	[sflag:s24] =	ssyncadd.s32 $0xFFFFF000  }
0x30: {  	_ =	swait.ge [sflag:s24], $0x1000  }
0x31: {  	[sflag:s24] =	ssyncset.done $0x0  }
0x32: {  	[sflag:s24] =	ssyncadd.s32 $0xFFFFF000  }
0x33: {  	_ =	swait.ge [sflag:s24], $0x1000  }
0x34: {  	[sflag:s24] =	ssyncset.done $0x0  }
0x35: {  	[sflag:s24] =	ssyncadd.s32 $0xFFFFF000  }
0x36: {  	[bflag:$0x0] =	sbarrier.arrive $0xFFFF  }
0x37: {  	s29 =	rddreg [dreg:$0xd]  }
0x38: {  	s2 =	rddreg [dreg:$0x10]  }
0x39: {  	s7 =	rddreg [dreg:$0x11]  }
0x3a: {  	[hbm:s29], [sflag:s2] =	dma.local [spmem:s7], $0x500  }
0x3b: {  	_ =	swait.ge [sflag:s6], $0x500  }
0x3c: {  	[sflag:s6] =	ssyncset.done $0x0;
	s30 =	rddreg [dreg:$0xe]  }
0x3d: {  	s1 =	rddreg [dreg:$0x12];
	[sflag:s6] =	ssyncadd.s32 $0xFFFFFB00  }
0x3e: {  	[hbm:s30], [sflag:s2] =	dma.local [spmem:s1], $0x500  }
0x3f: {  	_ =	swait.ge [sflag:s6], $0x500  }
0x40: {  	s9 =	sadd.s32 $0x1, s9;
	s31 =	rddreg [dreg:$0xf]  }
0x41: {  	p0 =	sne.s32 s9, s31  }
.Ltmp1:
0x42: {  	_ = 	snop;
	(pc) =	sbr.rel @!p0 .LBB2_9-.Ltmp1, $4  }
0x43: {  	_ = 	snop  }
0x44: {  	[sflag:s6] =	ssyncset.done $0x0  }
0x45: {  	[sflag:s6] =	ssyncadd.s32 $0xFFFFFB00  }
0x46: {  	s5 =	simm.s32 $0x5000;
	s8 =	simm.s32 $0x100;
	s3 =	rddreg [dreg:$0x2]  }
.LBB2_1:
0x47: {  	[dreg:$0x13] =	wrdreg s9  }
0x48: {  	s0 =	rddreg [dreg:$0x5]  }
0x49: {  	[tilespmem:s5], [sflag:$0x2] =	stream.linear.gather [hbm4b:s0+s4], $0x1000, $0x38;
	[tilespmem:$0x12E10] =	vst v63  }
0x4a: {  	_ =	swait.ge [sflag:s6], $0x1000  }
0x4b: {  	[sflag:s6] =	ssyncset.done $0x0  }
0x4c: {  	s25 =	rddreg [dreg:$0x6];
	[sflag:s6] =	ssyncadd.s32 $0xFFFFF000  }
0x4d: {  	[spmem:s7], [sflag:s2] =	dma.local [hbm:s25], $0x500  }
0x4e: {  	_ =	swait.ge [sflag:s6], $0x500  }
0x4f: {  	[sflag:s6] =	ssyncset.done $0x0  }
0x50: {  	[sflag:s6] =	ssyncadd.s32 $0xFFFFFB00  }
0x51: {  	[spmem:s1], [sflag:s2] =	dma.local [hbm:s25], $0x500  }
0x52: {  	_ =	swait.ge [sflag:s6], $0x500  }
0x53: {  	[sflag:s6] =	ssyncset.done $0x0  }
0x54: {  	s26 =	rddreg [dreg:$0x7];
	[sflag:s6] =	ssyncadd.s32 $0xFFFFFB00  }
0x55: {  	[tilespmem:s4], [sflag:$0x2] =	stream.linear.gather [hbm4b:s26+s4], $0x2800, $0x38;
	[tilespmem:$0x12E10] =	vst v63  }
0x56: {  	_ =	swait.ge [sflag:s6], $0x2800  }
0x57: {  	[sflag:s6] =	ssyncset.done $0x0  }
0x58: {  	s29 =	simm.s32 $0x2800;
	s28 =	rddreg [dreg:$0x8];
	[sflag:s6] =	ssyncadd.s32 $0xFFFFD800  }
0x59: {  	[tilespmem:s29], [sflag:$0x2] =	stream.linear.gather [hbm4b:s28+s4], $0x2800, $0x38;
	[tilespmem:$0x12E10] =	vst v63  }
0x5a: {  	_ =	swait.ge [sflag:s6], $0x2800  }
0x5b: {  	[sflag:s6] =	ssyncset.done $0x0  }
0x5c: {  	[sflag:s6] =	ssyncadd.s32 $0xFFFFD800  }
0x5d: {  	[bflag:$0x0] =	sbarrier.arrive $0xFFFF  }
0x5e: {  	[spmem:s3] =	stream.indirect.scatter.add.f32 [tilespmem:s5], [sflag:$0x1], $0x10, s4, s8, $0xb8;
	[tilespmem:$0x12E10] =	vst v63  }
0x5f: {  	_ = 	snop  }
0x60: {  	[spmem:s12] =	stream.indirect.scatter.add.f32 [tilespmem:s5], [sflag:$0x1], $0x10, s29, s8, $0xb8;
	[tilespmem:$0x12E10] =	vst v63  }
0x61: {  	_ = 	snop  }
0x62: {  	[spmem:s3] =	stream.indirect.scatter.add.f32 [tilespmem:s5], [sflag:$0x1], $0x10, s8, s8, $0xb8;
	[tilespmem:$0x12E10] =	vst v63  }
0x63: {  	s30 =	simm.s32 $0x2900  }
0x64: {  	[spmem:s12] =	stream.indirect.scatter.add.f32 [tilespmem:s5], [sflag:$0x1], $0x10, s30, s8, $0xb8;
	[tilespmem:$0x12E10] =	vst v63  }
0x65: {  	_ =	swait.ge [sflag:s24], $0x1000  }
0x66: {  	[sflag:s24] =	ssyncset.done $0x0  }
0x67: {  	[sflag:s24] =	ssyncadd.s32 $0xFFFFF000  }
0x68: {  	_ =	swait.ge [sflag:s24], $0x1000  }
0x69: {  	s31 =	simm.s32 $0x200;
	[sflag:s24] =	ssyncset.done $0x0  }
0x6a: {  	s0 =	simm.s32 $0xC00;
	s1 =	simm.s32 $0x2A00;
	[sflag:s24] =	ssyncadd.s32 $0xFFFFF000  }
0x6b: {  	[spmem:s3] =	stream.indirect.scatter.add.f32 [tilespmem:s5], [sflag:$0x1], $0x10, s31, s8, $0xb8;
	[tilespmem:$0x12E10] =	vst v63  }
.LBB2_2:
0x6c: {  	[spmem:s12] =	stream.indirect.scatter.add.f32 [tilespmem:s5], [sflag:$0x1], $0x10, s1, s8, $0xb8;
	[tilespmem:$0x12E10] =	vst v63  }
0x6d: {  	s1 =	smov.u32 s0  }
0x6e: {  	p0 =	sne.s32 s0, $0x9C00;
	s0 =	sadd.s32 $0x400, s0;
	_ =	swait.ge [sflag:s24], $0x1000  }
0x6f: {  	[sflag:s24] =	ssyncset.done $0x0  }
0x70: {  	[sflag:s24] =	ssyncadd.s32 $0xFFFFF000  }
.Ltmp2:
0x71: {  	_ =	swait.ge [sflag:s24], $0x1000;
	(pc) =	sbr.rel @p0 .LBB2_2-.Ltmp2, $4  }
0x72: {  	[sflag:s24] =	ssyncset.done $0x0  }
0x73: {  	s1 =	sshra.s32 s1, $0x2;
	[sflag:s24] =	ssyncadd.s32 $0xFFFFF000  }
0x74: {  	[spmem:s3] =	stream.indirect.scatter.add.f32 [tilespmem:s5], [sflag:$0x1], $0x10, s1, s8, $0xb8;
	[tilespmem:$0x12E10] =	vst v63  }
0x75: {  	s1 =	sadd.s32 $0x2800, s1  }
0x76: {  	[spmem:s12] =	stream.indirect.scatter.add.f32 [tilespmem:s5], [sflag:$0x1], $0x10, s1, s8, $0xb8;
	[tilespmem:$0x12E10] =	vst v63  }
0x77: {  	s2 =	simm.s32 $0x0  }
0x78: {  	v5 =	vld [tilespmem:s2+$0x2800];
	_ =	sdelay $0x4  }
0x79: {  	(v2sf) =	vpush v5, $0x0  }
0x7a: {  	(v2sf) =	vpush v5, $0x7;
	_ =	sdelay $0x2  }
0x7b: {  	(v2sf) =	vpush v5, $0x1  }
0x7c: {  	(v2sf) =	vpush v5, $0x2  }
0x7d: {  	(v2sf) =	vpush v5, $0xA;
	_ =	sdelay $0x1  }
0x7e: {  	(v2sf) =	vpush v5, $0x3;
	_ =	sdelay $0x1  }
0x7f: {  	(v2sf) =	vpush v5, $0x4;
	_ =	sdelay $0x1  }
0x80: {  	(v2sf) =	vpush v5, $0xC;
	_ =	sdelay $0x1  }
0x81: {  	(v2sf) =	vpush v5, $0x8  }
0x82: {  	s20 =	spop (v2sf)  }
0x83: {  	(v2sf) =	vpush v5, $0xD;
	s21 =	spop (v2sf);
	s8 =	smulhi.u32 $0x68DB8BAD, s20  }
0x84: {  	s6 =	sshra.s32 s20, $0x1F;
	s5 =	smulhi.u32 $0x68DB8BAD, s21  }
0x85: {  	s9 =	sshra.s32 s21, $0x1F;
	s6 =	smul.u32 $0x68DB8BAD, s6  }
0x86: {  	(v2sf) =	vpush v5, $0x9;
	s7 =	spop (v2sf);
	s9 =	smul.u32 $0x68DB8BAD, s9  }
0x87: {  	s11 =	spop (v2sf);
	s26 =	smulhi.u32 $0x68DB8BAD, s7  }
0x88: {  	(v2sf) =	vpush v5, $0xE;
	s7 =	sshra.s32 s7, $0x1F;
	s10 =	spop (v2sf);
	s28 =	smulhi.u32 $0x68DB8BAD, s11  }
0x89: {  	s23 =	sshra.s32 s11, $0x1F;
	s31 =	smul.u32 $0x68DB8BAD, s7;
	s6 =	sadd.s32 s6, s8  }
0x8a: {  	s22 =	smulhi.u32 $0x68DB8BAD, s10;
	s13 =	sshra.s32 s10, $0x1F;
	s25 =	spop (v2sf)  }
0x8b: {  	(v2sf) =	vpush v5, $0x5;
	s14 =	smul.u32 $0x68DB8BAD, s23;
	s18 =	sadd.s32 s9, s5;
	s8 =	sshra.s32 s6, $0xA  }
0x8c: {  	s10 =	spop (v2sf);
	s13 =	smul.u32 $0x68DB8BAD, s13;
	s30 =	sshra.s32 s25, $0x1F  }
0x8d: {  	(v2sf) =	vpush v5, $0x6;
	s4 =	sshra.s32 s18, $0x1F;
	s16 =	sadd.s32 s31, s26;
	s25 =	smulhi.u32 $0x68DB8BAD, s25  }
0x8e: {  	(v2sf) =	vpush v5, $0xF;
	s29 =	spop (v2sf);
	s23 =	sshra.s32 s10, $0x1F;
	s20 =	smul.u32 $0x68DB8BAD, s30  }
0x8f: {  	s26 =	sshrl.u32 s16, $0x1F;
	s31 =	sshra.s32 s16, $0x1F;
	s10 =	smulhi.u32 $0x68DB8BAD, s10  }
0x90: {  	s12 =	sshra.s32 s16, $0xA;
	s11 =	spop (v2sf);
	s19 =	smul.u32 $0x68DB8BAD, s23  }
0x91: {  	s1 =	sshra.s32 s29, $0x1F;
	s3 =	sadd.s32 s13, s22;
	s29 =	smulhi.u32 $0x68DB8BAD, s29  }
0x92: {  	(v2sf) =	vpush v5, $0xB;
	s22 =	sadd.s32 s14, s28;
	s15 =	spop (v2sf);
	s5 =	smul.u32 $0x68DB8BAD, s1  }
0x93: {  	s0 =	sshra.s32 s11, $0x1F;
	s1 =	sshra.s32 s22, $0xA;
	s11 =	smulhi.u32 $0x68DB8BAD, s11  }
0x94: {  	s13 =	sshrl.u32 s22, $0x1F;
	s20 =	sadd.s32 s20, s25;
	s21 =	smulhi.u32 $0x68DB8BAD, s15  }
0x95: {  	s23 =	smul.u32 $0x68DB8BAD, s0;
	s7 =	spop (v2sf);
	s15 =	sshra.s32 s15, $0x1F  }
0x96: {  	s25 =	sshrl.u32 s20, $0x1F;
	s19 =	sadd.s32 s19, s10;
	s15 =	smul.u32 $0x68DB8BAD, s15  }
0x97: {  	s0 =	sshra.s32 s7, $0x1F;
	s7 =	smulhi.u32 $0x68DB8BAD, s7;
	s17 =	spop (v2sf)  }
0x98: {  	s29 =	sadd.s32 s5, s29;
	s14 =	smulhi.u32 $0x68DB8BAD, s17;
	s9 =	sshra.s32 s17, $0x1F  }
0x99: {  	v6 =	vmov s4;
	s4 =	sshrl.u32 s19, $0x1F;
	s11 =	sadd.s32 s23, s11;
	s17 =	smul.u32 $0x68DB8BAD, s9  }
0x9a: {  	s23 =	sshra.s32 s29, $0xA;
	s30 =	spop (v2sf);
	s9 =	smul.u32 $0x68DB8BAD, s0  }
0x9b: {  	s15 =	sadd.s32 s15, s21;
	s16 =	smulhi.u32 $0x68DB8BAD, s30;
	s30 =	sshra.s32 s30, $0x1F  }
0x9c: {  	s21 =	sshra.s32 s22, $0x1F;
	s22 =	spop (v2sf);
	s30 =	smul.u32 $0x68DB8BAD, s30  }
0x9d: {  	v6 =	vsel vm3, s8, v6;
	s0 =	spop (v2sf);
	s8 =	smulhi.u32 $0x68DB8BAD, s22;
	s28 =	sadd.s32 s17, s14  }
0x9e: {  	s17 =	smulhi.u32 $0x68DB8BAD, s0;
	s0 =	sshra.s32 s0, $0x1F;
	s14 =	sshra.s32 s3, $0xA  }
0x9f: {  	vm10 =	vcmask $0x704;
	s5 =	sadd.s32 s30, s16;
	s16 =	sshrl.u32 s6, $0x1F;
	s6 =	sshra.s32 s6, $0x1F  }
0xa0: {  	s0 =	smul.u32 $0x68DB8BAD, s0;
	s30 =	sshra.s32 s15, $0xA;
	s15 =	sshrl.u32 s15, $0x1F;
	v6 =	vsel vm10, s6, v6;
	v7 =	vmov s16  }
0xa1: {  	v9 =	vmov s23;
	s6 =	sshra.s32 s22, $0x1F;
	s22 =	spop (v2sf);
	s16 =	sshrl.u32 s28, $0x1F;
	v6 =	vsel vm0, s12, v6;
	v7 =	vnsel vm3, $0x0, v7  }
0xa2: {  	v9 =	vsel vm0, s30, v9;
	s30 =	sadd.s32 s9, s7;
	s12 =	sshra.s32 s20, $0xA;
	s10 =	sshra.s32 s22, $0x1F;
	v6 =	vsel vm11, s31, v6;
	v7 =	vsel vm0, s26, v7  }
0xa3: {  	s20 =	sshra.s32 s20, $0x1F;
	v6 =	vsel vm1, s1, v6;
	s1 =	smulhi.u32 $0x68DB8BAD, s22;
	v7 =	vsel vm1, s13, v7;
	s22 =	sshrl.u32 s29, $0x1F  }
0xa4: {  	s6 =	smul.u32 $0x68DB8BAD, s6;
	s0 =	sadd.s32 s0, s17;
	s29 =	sshra.s32 s28, $0xA;
	v6 =	vsel vm12, s21, v6;
	v7 =	vsel vm2, s25, v7;
	v8 =	vmov s22  }
0xa5: {  	s26 =	sshra.s32 s19, $0x1F;
	s17 =	sshra.s32 s0, $0xA;
	s10 =	smul.u32 $0x68DB8BAD, s10;
	v9 =	vsel vm1, s29, v9;
	v6 =	vsel vm2, s12, v6;
	v8 =	vsel vm0, s15, v8  }
0xa6: {  	s0 =	sshrl.u32 s0, $0x1F;
	s22 =	sshrl.u32 s5, $0x1F;
	v7 =	vsel vm4, s4, v7;
	s15 =	sshra.s32 s11, $0xA;
	v9 =	vsel vm2, s17, v9;
	v6 =	vsel vm13, s20, v6  }
0xa7: {  	s6 =	sadd.s32 s6, s8;
	s25 =	sshra.s32 s19, $0xA;
	v8 =	vsel vm1, s16, v8;
	s16 =	sshrl.u32 s11, $0x1F;
	v10 =	vmov s15;
	v7 =	vsel vm5, s22, v7  }
0xa8: {  	s19 =	sshra.s32 s5, $0xA;
	s23 =	sshrl.u32 s6, $0x1F;
	s20 =	sshra.s32 s30, $0xA;
	v6 =	vsel vm4, s25, v6;
	v11 =	vmov s16;
	v8 =	vsel vm2, s0, v8  }
0xa9: {  	s21 =	sshrl.u32 s3, $0x1F;
	s4 =	sshrl.u32 s30, $0x1F;
	s1 =	sadd.s32 s10, s1;
	v10 =	vsel vm0, s20, v10;
	v7 =	vsel vm6, s23, v7;
	v6 =	vsel vm14, s26, v6  }
0xaa: {  	s5 =	sshra.s32 s5, $0x1F;
	s25 =	sshrl.u32 s1, $0x1F;
	s1 =	sshra.s32 s1, $0xA;
	v11 =	vsel vm0, s4, v11;
	v10 =	vsel vm1, s14, v10;
	v6 =	vsel vm5, s19, v6  }
0xab: {  	s26 =	sshra.s32 s6, $0xA;
	v11 =	vsel vm1, s21, v11;
	v10 =	vsel vm2, s1, v10;
	v6 =	vsel vm15, s5, v6  }
0xac: {  	s28 =	sshra.s32 s6, $0x1F;
	s29 =	sshrl.u32 s18, $0x1F;
	v11 =	vsel vm2, s25, v11;
	v9 =	vcombine.low v10, v9;
	v6 =	vsel vm6, s26, v6  }
0xad: {  	s30 =	sshra.s32 s18, $0xA;
	v7 =	vsel vm7, s29, v7;
	v8 =	vcombine.low v11, v8;
	v6 =	vsel vm9, s28, v6  }
0xae: {  	v7 =	vperm.xlane v7, v2;
	v9 =	vperm.xlane v9, v0;
	v6 =	vsel vm7, s30, v6  }
0xaf: {  	v8 =	vperm.xlane v8, v0;
	v6 =	vperm.xlane v6, v2;
	_ =	sdelay $0x1  }
0xb0: {  	v7 =	vsel vm8, v7, v8;
	v6 =	vsel vm8, v6, v9  }
0xb1: {  	v63 =	vimm.s32 $0x0;
	vm9 =	vlt.s32 v5, $0x1;
	v6 =	vadd.s32 v7, v6  }
0xb2: {  	v9 =	vsel vm9, $0xFFFFFFFF, v63;
	v7 =	vmul.u32 $0xFFFFF63C, v6  }
0xb3: {  	v8 =	vsub.s32 $0x0, v5;
	[tilespmem:$0x1FFF0] =	vst v9  }
0xb4: {  	vm9 =	vne.s32 v7, v8;
	v7 =	vld [tilespmem:$0x1FFF0];
	_ =	sdelay $0x4  }
0xb5: {  	vm10 =	vnez.u8 v7  }
0xb6: {  	vm9 =	vmand vm10, vm9  }
0xb7: {  	v7 =	vsel vm9, $0xFFFFFFFF, v3  }
0xb8: {  	v6 =	vadd.s32 v7, v6  }
0xb9: {  	v6 =	vmul.u32 $0xFFFFF63C, v6;
	_ =	sdelay $0x1  }
0xba: {  	v6 =	vadd.s32 v6, v5  }
0xbb: {  	v7 =	vadd.s32 $0xFFFFFA24, v6  }
0xbc: {  	s31 =	simm.s32 $0x0;
	s0 =	simm.s32 $0x40;
	v6 =	vld [tilespmem:s2+$0x0];
	vm9 =	vlt.u32 v7, $0x1F4  }
.LBB2_4:
0xbd: {  	p0 =	sne.s32 s0, $0x9FC0;
	v7 =	vsel vm9, $0x1, v3;
	s1 =	smov.u32 s0;
	s0 =	sadd.s32 $0x40, s0  }
0xbe: {  	(xrf0) =	vadd.scan.msk.s32 $0xffff, v7;
	_ =	sdelay $0x1  }
0xbf: {  	[tilespmem:s31+$0xB400] =	vst.msk vm9, v5  }
0xc0: {  	[tilespmem:s31+$0x6000] =	vst.msk vm9, v6;
	v5 =	vadd.s32 $0x2800, v6  }
0xc1: {  	s1 =	sshra.s32 s1, $0x2;
	[tilespmem:s31+$0x8A00] =	vst.msk vm9, v5  }
0xc2: {  	v5 =	vld [tilespmem:s1+$0x2800]  }
0xc3: {  	v6, _, _ =	vpop (xrf0)  }
0xc4: {  	(v2sf) =	vpush v6, $0xF;
	_ =	sdelay $0x2  }
0xc5: {  	(v2sf) =	vpush v5, $0x0  }
0xc6: {  	(v2sf) =	vpush v5, $0x7  }
0xc7: {  	(v2sf) =	vpush v5, $0x1  }
0xc8: {  	(v2sf) =	vpush v5, $0x2  }
0xc9: {  	(v2sf) =	vpush v5, $0xA  }
0xca: {  	(v2sf) =	vpush v5, $0x3  }
0xcb: {  	(v2sf) =	vpush v5, $0x4;
	_ =	sdelay $0x1  }
0xcc: {  	(v2sf) =	vpush v5, $0xC  }
0xcd: {  	(v2sf) =	vpush v5, $0x8  }
0xce: {  	(v2sf) =	vpush v5, $0xD;
	_ =	sdelay $0x1  }
0xcf: {  	s4 =	spop (v2sf)  }
0xd0: {  	(v2sf) =	vpush v5, $0x9;
	s31 =	sadd.s32 s31, s4;
	_ =	sdelay $0x1  }
0xd1: {  	s4 =	spop (v2sf)  }
0xd2: {  	s10 =	smulhi.u32 $0x68DB8BAD, s4;
	s5 =	spop (v2sf)  }
0xd3: {  	s4 =	sshra.s32 s4, $0x1F;
	s6 =	sshra.s32 s5, $0x1F;
	s5 =	smulhi.u32 $0x68DB8BAD, s5  }
0xd4: {  	(v2sf) =	vpush v5, $0xE;
	s4 =	smul.u32 $0x68DB8BAD, s4  }
0xd5: {  	s7 =	spop (v2sf);
	s6 =	smul.u32 $0x68DB8BAD, s6  }
0xd6: {  	s8 =	sshra.s32 s7, $0x1F;
	s9 =	spop (v2sf);
	s15 =	smulhi.u32 $0x68DB8BAD, s7  }
0xd7: {  	s11 =	spop (v2sf);
	s8 =	smul.u32 $0x68DB8BAD, s8  }
0xd8: {  	s12 =	sshra.s32 s9, $0x1F;
	s4 =	sadd.s32 s4, s10;
	s13 =	smulhi.u32 $0x68DB8BAD, s11  }
0xd9: {  	s14 =	sshra.s32 s11, $0x1F;
	s23 =	sadd.s32 s6, s5;
	s5 =	smulhi.u32 $0x68DB8BAD, s9  }
0xda: {  	s11 =	spop (v2sf);
	s9 =	smul.u32 $0x68DB8BAD, s12;
	s16 =	sshrl.u32 s4, $0x1F  }
0xdb: {  	(v2sf) =	vpush v5, $0x5;
	s22 =	sshra.s32 s4, $0xA;
	s4 =	sshra.s32 s4, $0x1F;
	s17 =	sshra.s32 s11, $0x1F  }
0xdc: {  	s28 =	spop (v2sf);
	s14 =	smul.u32 $0x68DB8BAD, s14;
	s6 =	sshra.s32 s23, $0x1F  }
0xdd: {  	s15 =	sadd.s32 s8, s15;
	s18 =	sshra.s32 s28, $0x1F;
	(v2sf) =	vpush v5, $0x6;
	s20 =	sadd.s32 s9, s5  }
0xde: {  	s17 =	smul.u32 $0x68DB8BAD, s17;
	s7 =	spop (v2sf);
	(v2sf) =	vpush v5, $0xF;
	s26 =	sadd.s32 s14, s13  }
0xdf: {  	s5 =	smul.u32 $0x68DB8BAD, s18;
	s18 =	sshrl.u32 s15, $0x1F;
	s29 =	spop (v2sf)  }
0xe0: {  	vm9 =	vcmask $0x704;
	v7 =	vmov s16;
	v6 =	vmov s6;
	s30 =	sshra.s32 s20, $0xA;
	s13 =	sshra.s32 s29, $0x1F;
	s12 =	spop (v2sf)  }
0xe1: {  	v7 =	vnsel vm3, $0x0, v7;
	s3 =	sshra.s32 s20, $0x1F;
	v6 =	vsel vm3, s22, v6;
	s19 =	sshra.s32 s7, $0x1F;
	s14 =	smulhi.u32 $0x68DB8BAD, s12;
	(v2sf) =	vpush v5, $0xB  }
0xe2: {  	s20 =	sshrl.u32 s20, $0x1F;
	s25 =	sshra.s32 s26, $0xA;
	v6 =	vsel vm9, s4, v6;
	s4 =	smulhi.u32 $0x68DB8BAD, s11;
	v7 =	vsel vm0, s18, v7  }
0xe3: {  	v7 =	vsel vm1, s20, v7;
	s20 =	smulhi.u32 $0x68DB8BAD, s28;
	s9 =	spop (v2sf)  }
0xe4: {  	s21 =	sshra.s32 s15, $0x1F;
	s8 =	smul.u32 $0x68DB8BAD, s13  }
0xe5: {  	s15 =	sshra.s32 s15, $0xA;
	s13 =	sshra.s32 s12, $0x1F;
	s12 =	smul.u32 $0x68DB8BAD, s19  }
0xe6: {  	s28 =	smulhi.u32 $0x68DB8BAD, s29;
	s19 =	sshra.s32 s9, $0x1F;
	s6 =	spop (v2sf)  }
0xe7: {  	s2 =	smulhi.u32 $0x68DB8BAD, s6;
	s6 =	sshra.s32 s6, $0x1F  }
0xe8: {  	s6 =	smul.u32 $0x68DB8BAD, s6  }
0xe9: {  	s13 =	smul.u32 $0x68DB8BAD, s13  }
0xea: {  	s4 =	sadd.s32 s17, s4;
	s10 =	smul.u32 $0x68DB8BAD, s19;
	s19 =	spop (v2sf)  }
0xeb: {  	s14 =	sadd.s32 s13, s14;
	s22 =	smulhi.u32 $0x68DB8BAD, s19;
	s19 =	sshra.s32 s19, $0x1F  }
0xec: {  	v6 =	vsel vm0, s15, v6;
	s2 =	sadd.s32 s6, s2;
	s6 =	smulhi.u32 $0x68DB8BAD, s7;
	s11 =	spop (v2sf)  }
0xed: {  	v6 =	vsel vm11, s21, v6;
	s13 =	smulhi.u32 $0x68DB8BAD, s11;
	s15 =	sshra.s32 s11, $0x1F;
	s11 =	spop (v2sf)  }
0xee: {  	v6 =	vsel vm1, s30, v6;
	s18 =	sshrl.u32 s4, $0x1F;
	s16 =	smulhi.u32 $0x68DB8BAD, s11;
	s11 =	sshra.s32 s11, $0x1F  }
0xef: {  	s5 =	sadd.s32 s5, s20;
	v6 =	vsel vm12, s3, v6;
	s3 =	sshra.s32 s4, $0xA;
	s17 =	smul.u32 $0x68DB8BAD, s11  }
0xf0: {  	v6 =	vsel vm2, s3, v6;
	s21 =	sshra.s32 s14, $0xA;
	s19 =	smul.u32 $0x68DB8BAD, s19;
	s3 =	spop (v2sf)  }
0xf1: {  	s4 =	sshra.s32 s4, $0x1F;
	s14 =	sshrl.u32 s14, $0x1F;
	s11 =	smulhi.u32 $0x68DB8BAD, s3  }
0xf2: {  	s9 =	smulhi.u32 $0x68DB8BAD, s9;
	s7 =	sshrl.u32 s2, $0x1F;
	s3 =	sshra.s32 s3, $0x1F  }
0xf3: {  	v6 =	vsel vm13, s4, v6;
	s4 =	sadd.s32 s8, s28;
	s8 =	sshra.s32 s5, $0x1F;
	s6 =	sadd.s32 s12, s6  }
0xf4: {  	s12 =	smul.u32 $0x68DB8BAD, s15;
	s15 =	sshrl.u32 s6, $0x1F;
	s6 =	sshra.s32 s6, $0xA  }
0xf5: {  	v7 =	vsel vm2, s18, v7;
	s18 =	sadd.s32 s19, s22;
	v8 =	vmov s15;
	v9 =	vmov s6;
	s6 =	sshra.s32 s5, $0xA;
	s5 =	sshrl.u32 s5, $0x1F  }
0xf6: {  	s2 =	sshra.s32 s2, $0xA;
	v8 =	vsel vm0, s14, v8;
	s14 =	sshrl.u32 s26, $0x1F;
	v6 =	vsel vm4, s6, v6;
	v7 =	vsel vm4, s5, v7;
	s5 =	sadd.s32 s12, s13  }
0xf7: {  	v9 =	vsel vm0, s21, v9;
	v8 =	vsel vm1, s7, v8;
	s6 =	sadd.s32 s17, s16;
	s7 =	sshra.s32 s4, $0xA;
	v6 =	vsel vm14, s8, v6;
	s8 =	sadd.s32 s10, s9  }
0xf8: {  	s4 =	sshrl.u32 s4, $0x1F;
	v9 =	vsel vm1, s2, v9;
	s2 =	sshra.s32 s18, $0xA;
	s9 =	sshra.s32 s6, $0xA  }
0xf9: {  	s3 =	smul.u32 $0x68DB8BAD, s3;
	v10 =	vmov s7;
	s7 =	sshra.s32 s5, $0xA;
	s6 =	sshrl.u32 s6, $0x1F;
	v11 =	vmov s4  }
0xfa: {  	s4 =	sshra.s32 s8, $0xA;
	v6 =	vsel vm5, s2, v6;
	v9 =	vsel vm2, s9, v9;
	v8 =	vsel vm2, s6, v8;
	s6 =	sshrl.u32 s8, $0x1F;
	s8 =	sshrl.u32 s18, $0x1F  }
0xfb: {  	s2 =	sshra.s32 s5, $0x1F;
	s5 =	sshrl.u32 s5, $0x1F;
	v10 =	vsel vm0, s4, v10;
	v11 =	vsel vm0, s6, v11;
	s3 =	sadd.s32 s3, s11;
	v7 =	vsel vm5, s8, v7  }
0xfc: {  	v10 =	vsel vm1, s25, v10;
	s8 =	sshra.s32 s18, $0x1F;
	v11 =	vsel vm1, s14, v11;
	s6 =	sshrl.u32 s3, $0x1F;
	v7 =	vsel vm6, s5, v7;
	s3 =	sshra.s32 s3, $0xA  }
0xfd: {  	s4 =	sshra.s32 s23, $0xA;
	v6 =	vsel vm15, s8, v6;
	v11 =	vsel vm2, s6, v11;
	v10 =	vsel vm2, s3, v10  }
0xfe: {  	s5 =	sshrl.u32 s23, $0x1F;
	v6 =	vsel vm6, s7, v6;
	vm2 =	vcmask $0x3734;
	v8 =	vcombine.low v11, v8  }
0xff: {  	v7 =	vsel vm7, s5, v7;
	v9 =	vcombine.low v10, v9;
	v6 =	vsel vm2, s2, v6  }
0x100: {  	v7 =	vperm.xlane v7, v2;
	v6 =	vsel vm7, s4, v6;
	v8 =	vperm.xlane v8, v0  }
0x101: {  	vm9 =	vlt.s32 v5, $0x1;
	v9 =	vperm.xlane v9, v0;
	v6 =	vperm.xlane v6, v2  }
0x102: {  	vm2 =	vmmov vm1;
	vm1 =	vmmov vm0;
	vm0 =	vmmov vm8  }
0x103: {  	v7 =	vsel vm8, v7, v8;
	v6 =	vsel vm8, v6, v9;
	v8 =	vsub.s32 $0x0, v5  }
0x104: {  	vm8 =	vmmov vm7;
	vm7 =	vmmov vm6;
	vm6 =	vmmov vm5  }
0x105: {  	vm5 =	vmmov vm4;
	vm4 =	vmmov vm3;
	vm3 =	vmmov vm15  }
0x106: {  	vm15 =	vmmov vm14;
	vm14 =	vmmov vm13;
	v6 =	vadd.s32 v7, v6  }
0x107: {  	vm13 =	vmmov vm14;
	vm14 =	vmmov vm15;
	vm15 =	vmmov vm3  }
0x108: {  	vm3 =	vmmov vm4;
	vm4 =	vmmov vm5;
	v7 =	vmul.u32 $0xFFFFF63C, v6  }
0x109: {  	vm5 =	vmmov vm6;
	vm6 =	vmmov vm7;
	vm7 =	vmmov vm8  }
0x10a: {  	vm8 =	vmmov vm0;
	vm0 =	vmmov vm1;
	vm10 =	vne.s32 v7, v8  }
0x10b: {  	vm1 =	vmmov vm2;
	vm2 =	vcmask $0x1B18;
	vm9 =	vmand vm9, vm10  }
0x10c: {  	v7 =	vsel vm9, $0xFFFFFFFF, v3  }
0x10d: {  	v6 =	vadd.s32 v7, v6  }
.Ltmp3:
0x10e: {  	v6 =	vmul.u32 $0xFFFFF63C, v6;
	(pc) =	sbr.rel @p0 .LBB2_4-.Ltmp3, $4  }
0x10f: {  	_ = 	snop  }
0x110: {  	v6 =	vadd.s32 v6, v5  }
0x111: {  	v7 =	vadd.s32 $0xFFFFFA24, v6  }
0x112: {  	vm9 =	vlt.u32 v7, $0x1F4;
	v6 =	vld [tilespmem:s1+$0x0]  }
0x113: {  	v7 =	vsel vm9, $0x1, v3  }
0x114: {  	(xrf0) =	vadd.scan.msk.s32 $0xffff, v7;
	_ =	sdelay $0x5  }
0x115: {  	v7, _, _ =	vpop (xrf0)  }
0x116: {  	(v2sf) =	vpush v7, $0xF;
	_ =	sdelay $0xe  }
0x117: {  	s0 =	spop (v2sf)  }
0x118: {  	s0 =	sadd.s32 s31, s0  }
0x119: {  	s1 =	sand.u32 $0xF, s0;
	s2 =	sshra.s32 s0, $0x1F;
	p0 =	slt.s32 s0, $0x1  }
0x11a: {  	s3 =	sadd.s32 $0x1FF, s0;
	p1 =	sne.s32 s1, $0x0;
	s29 =	sshrl.u32 s2, $0x1C  }
0x11b: {  	s2 =	simm.s32 $0x1;
	s4 =	sshra.s32 s3, $0x1F;
	s30 =	sand.u32 $0x1FF, s3  }
0x11c: {  	p5 =	slt.s32 s3, $0x1;
	p0 =	por !p0, !p1;
	s1 =	sadd.s32 s29, s0  }
0x11d: {  	p6 =	sne.s32 s30, $0x0;
	s4 =	sshrl.u32 s4, $0x17;
	p0 =	por !p0, !p0  }
0x11e: {  	s1 =	sshra.s32 s1, $0x4;
	s2 =	simm.s32 @!p0 $0x0;
	p0 =	por !p5, !p6  }
0x11f: {  	[tilespmem:s31+$0xB400] =	vst.msk vm9, v5;
	s3 =	sadd.s32 s4, s3;
	s4 =	simm.s32 $0x1;
	p0 =	por !p0, !p0  }
0x120: {  	[tilespmem:s31+$0x6000] =	vst.msk vm9, v6;
	v5 =	vadd.s32 $0x2800, v6;
	s3 =	sshrl.u32 s3, $0x9;
	s1 =	ssub.s32 s1, s2;
	s4 =	simm.s32 @!p0 $0x0  }
0x121: {  	[tilespmem:s31+$0x8A00] =	vst.msk vm9, v5;
	s31 =	sshll.u32 s1, $0x4;
	s3 =	ssub.s32 s3, s4  }
0x122: {  	v5 =	vld [tilespmem:s31+$0xB400];
	s3 =	sshll.u32 s3, $0x9  }
0x123: {  	v6 =	vld [tilespmem:s31+$0x6000];
	s5 =	ssub.s32 s0, s31;
	s3 =	ssub.s32 s3, s31  }
0x124: {  	v7 =	vld [tilespmem:s31+$0x8A00];
	v8 =	vmov s5;
	s5 =	sshra.s32 s3, $0x4  }
0x125: {  	p0 =	slt.s32 s5, $0x2  }
.Ltmp4:
0x126: {  	vm9 =	vgt.s32 v8, v1;
	(pc) =	sbr.rel @p0 .LBB2_8-.Ltmp4, $4  }
0x127: {  	v5 =	vnsel vm9, $0x2750, v5  }
0x128: {  	[tilespmem:s31+$0xB400] =	vst v5;
	v5 =	vnsel vm9, $0x2750, v6  }
0x129: {  	s12 =	rddreg [dreg:$0x3];
	[tilespmem:s31+$0x6000] =	vst v5;
	v5 =	vnsel vm9, $0x2750, v7  }
0x12a: {  	s6 =	simm.s32 $0x2;
	s9 =	rddreg [dreg:$0x13];
	vm9 =	vcmask $0x3734;
	[tilespmem:s31+$0x8A00] =	vst v5  }
0x12b: {  	s4 =	sadd.s32 $0xFFFFFFFF, s5  }
0x12c: {  	s1 =	sshll.u32 s1, $0x6;
	p0 =	sne.s32 s4, $0x1  }
.Ltmp5:
0x12d: {  	s2 =	sshra.s32 s1, $0x2;
	(pc) =	sbr.rel @!p0 .LBB2_8-.Ltmp5, $4  }
0x12e: {  	s3 =	sadd.s32 $0xB410, s2  }
0x12f: {  	s1 =	sadd.s32 $0x6010, s2;
	[tilespmem:s3+$0x0] =	vst v4  }
0x130: {  	s5 =	sadd.s32 $0x8A10, s2;
	[tilespmem:s1+$0x0] =	vst v4  }
0x131: {  	s7 =	sadd.s32 $0xFFFFFFFF, s4;
	s8 =	sadd.s32 $0x10, s3;
	[tilespmem:s5+$0x0] =	vst v4  }
.LBB2_7:
0x132: {  	[tilespmem:s8+$0x0] =	vst v4;
	s1 =	sadd.s32 $0x10, s1;
	p0 =	sne.s32 s7, $0x1  }
.Ltmp6:
0x133: {  	s5 =	sadd.s32 $0x10, s5;
	[tilespmem:s1+$0x0] =	vst v4;
	(pc) =	sbr.rel @p0 .LBB2_7-.Ltmp6, $2  }
0x134: {  	s7 =	sadd.s32 $0xFFFFFFFF, s7;
	[tilespmem:s5+$0x0] =	vst v4;
	_ =	sdelay $0x2  }
0x135: {  	s8 =	sadd.s32 $0x10, s8  }
.Ltmp7:
0x136: {  	_ = 	snop;
	(pc) =	sbr.rel .LBB2_8-.Ltmp7, $1  }
0x137: {  	_ =	sdelay $0x3  }
.LBB2_9:
0x138: {  	_ =	sfence.sel $0x180000  }
0x139: {  	[bflag:$0x0] =	sbarrier.arrive $0xFFFF  }
0x13a: {  	_ =	strace $0x90000047  }
0x13b: {  	s0 =	stileid.u32;
	[bflag:$0x2] =	sbarrier.arrive $0xFFFF  }
0x13c: {  	p0 =	sne.s32 s0, $0x0;
	s0 =	rddreg [dreg:$0x4]  }
0x13d: {  	s0 =	sadd.s32 @!p0 $0x100000, s0  }
0x13e: {  	[sflag:s0] =	ssyncadd.tile.s32 @!p0 $0x1;
	_ =	shalt  }
.Lfunc_end2:
_tile_overlayer_lowered:
.L_overlay_start_2:
0x13f: {  	(tag) =	ssettag $0x2  }
0x140: {  	s0 =	rddreg [dreg:$0x0];
	s2 =	stileid.u32  }
0x141: {  	s1 =	rddreg [dreg:$0x1];
	p0 =	sne.s32 s2, $0x0  }
0x142: {  	s3 =	rddreg [dreg:$0x2];
	[bflag:$0x3] =	sbarrier.arrive $0xFFFF;
	s2 =	simm.s32 @!p0 $0x1C02  }
0x143: {  	[timem:s3], [sflag:s2] =	dma.local @!p0 [hbm:s0], s1  }
0x144: {  	s0 =	simm.s32 @!p0 $0x2  }
0x145: {  	_ =	swait.ge @!p0 [sflag:s0], s1  }
0x146: {  	s1 =	ssub.s32 @!p0 $0x0, s1;
	[sflag:s0] =	ssyncset.done @!p0 $0x0  }
0x147: {  	[sflag:s0] =	ssyncadd.s32 @!p0 s1  }
0x148: {  	[bflag:$0x3] =	sbarrier.arrive $0xFFFF  }
0x149: {  	_ =	shalt  }

</sc_bundles>
